<compile_context>
chip_gen: v7x
topology: tpu7x:2x2x1
jax: 0.10.2.dev20260603
libtpu: 0.0.44.dev20260713+nightly
codegen_flags: <defaults>
</compile_context>

<pallas_src>
import functools

import jax
import jax.numpy as jnp
from jax import lax
from jax.experimental import pallas as pl
from jax.experimental.pallas import tpu as pltpu
from jax.experimental.pallas import tpu_sc as plsc

_B = 16384
_G = 4
_B4 = _B // _G
_TB4 = 512
_NCAT = 26
_PAD = 32
_NF = 3
_CW = _NF * 128
_FIELD_OF = [0] * 13 + [1] * 7 + [2] * 6

_NC, _NS = 2, 16
_NW = _NC * _NS
_RPW = _B4 // _NW


def _counts_sc(x3_ref, zero_ref, out_ref, idxw, acc, sem1, sem2):
    wid = lax.axis_index("s") * _NC + lax.axis_index("c")
    cp1 = pltpu.async_copy(x3_ref.at[wid], idxw, sem1)
    cp2 = pltpu.async_copy(zero_ref, acc, sem2)
    cp1.wait()
    cp2.wait()
    ones = jnp.full((16,), 1.0, jnp.float32)
    iota = lax.iota(jnp.int32, 16)

    @plsc.parallel_loop(0, _RPW // 16, unroll=2)
    def body(l):
        rowbase = iota * _CW + l * (16 * _CW)
        for c in range(_NCAT):
            base = 128 * _FIELD_OF[c]
            for g in range(_G):
                vec = idxw[c, g, pl.ds(l * 16, 16)]
                offs = rowbase + vec * _G + (base + g)
                plsc.addupdate_scatter(acc, [offs], ones)
    pltpu.sync_copy(acc, out_ref.at[pl.ds(wid * _RPW * _CW, _RPW * _CW)])


def _flen_tc(c_ref, Wk_ref, misc_ref, out_ref):
    C = [c_ref[:, 128 * f:128 * (f + 1)] for f in range(_NF)]

    dot = functools.partial(jnp.dot, preferred_element_type=jnp.float32)
    K = lambda k: Wk_ref[k]
    row = lambda r: misc_ref[r:r + 1, :]
    sc = lambda k: misc_ref[3, k]

    e = [dot(C[f], K(0)) for f in range(3)]
    sq = [dot(C[f], K(1)) for f in range(3)]

    Call = C[0] + C[1] + C[2]
    yS = dot(Call, K(2))

    yMF = (sc(2) * (e[0] * e[1]) + sc(3) * (e[0] * e[2])
           + sc(4) * (e[1] * e[2]))
    yFM = (sc(5) * (0.5 * (e[0] * e[0] - sq[0]))
           + sc(6) * (0.5 * (e[1] * e[1] - sq[1]))
           + sc(7) * (0.5 * (e[2] * e[2] - sq[2])))

    h = jax.nn.relu(dot(e[0], K(3)) + dot(e[1], K(4)) + dot(e[2], K(5))
                    + row(0))
    h = jax.nn.relu(dot(h, K(6)) + row(1))
    yd = jax.nn.relu(dot(h, K(7)) + row(2))

    yBI = yMF + yFM
    logit = (yS + sc(0)) * sc(8) + dot(yBI, K(8)) + dot(yd, K(9)) + sc(1)
    out_ref[...] = jax.nn.sigmoid(logit[:, :_G])


def kernel(feat_index, emb_table, fo_w, fo_b, r_mf, r_fm,
           W1, b1, W2, b2, W3, b3, Wout, bout):
    x3 = (feat_index.astype(jnp.int32)
          .reshape(_NW, _RPW, _G, _NCAT).transpose(0, 3, 2, 1))
    zeros = jnp.zeros((_RPW * _CW,), jnp.float32)

    mesh = plsc.VectorSubcoreMesh(core_axis_name="c", subcore_axis_name="s")
    counts = functools.partial(
        pl.kernel, mesh=mesh,
        compiler_params=pltpu.CompilerParams(needs_layout_passes=False),
        out_type=jax.ShapeDtypeStruct((_B4 * _CW,), jnp.float32),
        scratch_types=[
            pltpu.VMEM((_NCAT, _G, _RPW), jnp.int32),
            pltpu.VMEM((_RPW * _CW,), jnp.float32),
            pltpu.SemaphoreType.DMA,
            pltpu.SemaphoreType.DMA,
        ],
    )(_counts_sc)
    C4 = counts(x3, zeros).reshape(_B4, _CW)

    T = jnp.zeros((_PAD, 16), jnp.float32).at[:_NCAT].set(emb_table[:_NCAT])
    canvas = jnp.zeros((10, _PAD, _PAD), jnp.float32)
    canvas = canvas.at[0, :, :16].set(T)
    canvas = canvas.at[1, :, :16].set(T * T)
    canvas = canvas.at[2, :_NCAT, 0].set(fo_w[:, 0])
    canvas = canvas.at[3, :16, :].set(W1[0:16])
    canvas = canvas.at[4, :16, :].set(W1[16:32])
    canvas = canvas.at[5, :16, :].set(W1[32:48])
    canvas = canvas.at[6].set(W2)
    canvas = canvas.at[7].set(W3)
    canvas = canvas.at[8, :16, 0].set(Wout[1:17, 0])
    canvas = canvas.at[9, :, 0].set(Wout[17:49, 0])
    eye = jnp.eye(_G, dtype=jnp.float32)
    Wk = jnp.einsum('kij,ab->kiajb', canvas, eye).reshape(10, 128, 128)

    misc = jnp.zeros((4, 128), jnp.float32)
    misc = misc.at[0, :].set(jnp.repeat(b1, _G))
    misc = misc.at[1, :].set(jnp.repeat(b2, _G))
    misc = misc.at[2, :].set(jnp.repeat(b3, _G))
    scal = jnp.concatenate([
        fo_b, bout, r_mf.ravel(), r_fm.ravel(), Wout[0, 0][None],
    ])
    misc = misc.at[3, :9].set(scal)

    grid = (_B4 // _TB4,)
    full = lambda shape: pl.BlockSpec(shape, lambda i: (0,) * len(shape))
    out = pl.pallas_call(
        _flen_tc,
        grid=grid,
        in_specs=[
            pl.BlockSpec((_TB4, _CW), lambda i: (i, 0)),
            full((10, 128, 128)),
            full((4, 128)),
        ],
        out_specs=pl.BlockSpec((_TB4, _G), lambda i: (i, 0)),
        out_shape=jax.ShapeDtypeStruct((_B4, _G), jnp.float32),
    )(C4, Wk, misc)
    return out.reshape(_B, 1)

# --- scband reference (transcript-rebuilt; emitter-appended) ---
"""Pipeline reference for scband-flen-51101520888218 (READ-ONLY COPY).

The authoritative reference and input builder live on the scoring server;
editing this copy changes nothing except your own understanding.
"""

import jax, jax.numpy as jnp
import numpy as np

FEATURE_SIZE = 1000000
NUM_CATEGORIES = 26
EMB = 16
BATCH = 16384
FIELD_RANGES = [np.arange(0, 13), np.arange(13, 20), np.arange(20, 26)]
NUM_FIELDS = 3
FC_DIMS = [32, 32, 32]
ROWS, COLS = np.triu_indices(NUM_FIELDS, k=1)  # num_pairs = 3
NUM_PAIRS = len(ROWS)


def setup_inputs(seed: int = 0) -> dict:
    key = jax.random.key(seed)
    ks = jax.random.split(key, 16)
    feat_index = jax.random.randint(ks[0], (BATCH, NUM_CATEGORIES), 0, NUM_CATEGORIES, dtype=jnp.int64 if jax.config.jax_enable_x64 else jnp.int32)
    emb_table = jax.random.normal(ks[1], (FEATURE_SIZE, EMB), dtype=jnp.float32) * 0.05
    fo_w = jax.random.normal(ks[2], (NUM_CATEGORIES, 1), dtype=jnp.float32) * 0.05
    fo_b = jax.random.normal(ks[3], (1,), dtype=jnp.float32)
    r_mf = jax.random.normal(ks[4], (NUM_PAIRS, 1), dtype=jnp.float32) * 0.5
    r_fm = jax.random.normal(ks[5], (NUM_FIELDS, 1), dtype=jnp.float32) * 0.5
    d_in = NUM_FIELDS * EMB
    W1 = jax.random.normal(ks[6], (d_in, FC_DIMS[0]), dtype=jnp.float32) * (1.0 / np.sqrt(d_in))
    b1 = jnp.zeros((FC_DIMS[0],), dtype=jnp.float32)
    W2 = jax.random.normal(ks[7], (FC_DIMS[0], FC_DIMS[1]), dtype=jnp.float32) * (1.0 / np.sqrt(FC_DIMS[0]))
    b2 = jnp.zeros((FC_DIMS[1],), dtype=jnp.float32)
    W3 = jax.random.normal(ks[8], (FC_DIMS[1], FC_DIMS[2]), dtype=jnp.float32) * (1.0 / np.sqrt(FC_DIMS[1]))
    b3 = jnp.zeros((FC_DIMS[2],), dtype=jnp.float32)
    d_out_in = FC_DIMS[-1] + 1 + EMB  # 49
    Wout = jax.random.normal(ks[9], (d_out_in, 1), dtype=jnp.float32) * (1.0 / np.sqrt(d_out_in))
    bout = jnp.zeros((1,), dtype=jnp.float32)
    return {"feat_index": feat_index, "emb_table": emb_table, "fo_w": fo_w, "fo_b": fo_b,
            "r_mf": r_mf, "r_fm": r_fm, "W1": W1, "b1": b1, "W2": W2, "b2": b2,
            "W3": W3, "b3": b3, "Wout": Wout, "bout": bout}


def _bi_interaction(e):
    # e: [B, F_i, D] -> 0.5 * ((sum e)^2 - sum e^2): [B, D]
    s = jnp.sum(e, axis=1)
    ss = jnp.sum(e * e, axis=1)
    return 0.5 * (s * s - ss)


def reference(feat_index, emb_table, fo_w, fo_b, r_mf, r_fm, W1, b1, W2, b2, W3, b3, Wout, bout):
    feat_emb = jnp.take(emb_table, feat_index, axis=0)  # [B, 26, 16]
    field_wise_emb_list = [feat_emb[:, fr] for fr in FIELD_RANGES]
    field_emb = jnp.concatenate([jnp.sum(fw, axis=1)[:, None, :] for fw in field_wise_emb_list], axis=1)  # [B, 3, 16]
    # first order
    y_S = jnp.take(fo_w, feat_index, axis=0)  # [B, 26, 1]
    y_S = jnp.squeeze(y_S, axis=-1)
    y_S = jnp.sum(y_S, axis=1)
    y_S = y_S + fo_b[0]
    y_S = y_S[:, None]  # [B, 1]
    # MF part (cross fields)
    p = field_emb[:, ROWS]  # [B, num_pairs, 16]
    q = field_emb[:, COLS]
    y_MF = p * q
    y_MF = y_MF * r_mf  # broadcast [num_pairs, 1]
    y_MF = jnp.sum(y_MF, axis=1)  # [B, 16]
    # FM part (within fields)
    field_wise_fm = jnp.concatenate([_bi_interaction(fw)[:, None, :] for fw in field_wise_emb_list], axis=1)  # [B, 3, 16]
    y_FM = field_wise_fm * r_fm
    y_FM = jnp.sum(y_FM, axis=1)  # [B, 16]
    # DNN
    fc_in = field_emb.reshape((-1, NUM_FIELDS * EMB))
    h = jax.nn.relu(fc_in @ W1 + b1)
    h = jax.nn.relu(h @ W2 + b2)
    y_dnn = jax.nn.relu(h @ W3 + b3)
    # combine
    fwBI = y_MF + y_FM
    fwBI = jnp.concatenate([y_S, fwBI], axis=1)  # [B, 17]
    y = jnp.concatenate([fwBI, y_dnn], axis=1)  # [B, 49]
    out = jax.nn.sigmoid(y @ Wout + bout)  # [B, 1]
    return out

if __name__ == "__main__":
    import jax
    _d = setup_inputs()
    print(jax.jit(kernel)(*tuple(_d.values())))

</pallas_src>

<mosaic_0001>
#map = affine_map<(d0, d1) -> (0, 0, 0, 0)>
#map1 = affine_map<(d0, d1) -> (0)>
module attributes {stable_mosaic.version = 14 : i64} {
  func.func @_counts_sc(%arg0: i32, %arg1: i32, %arg2: memref<32x26x4x128xi32, #tpu.memory_space<hbm>>, %arg3: memref<49152xf32, #tpu.memory_space<hbm>>, %arg4: memref<1572864xf32, #tpu.memory_space<hbm>>, %arg5: memref<26x4x128xi32, #tpu.memory_space<vmem>>, %arg6: memref<49152xf32, #tpu.memory_space<vmem>>, %arg7: memref<!tpu.dma_semaphore, #tpu.memory_space<semaphore_mem>>, %arg8: memref<!tpu.dma_semaphore, #tpu.memory_space<semaphore_mem>>) attributes {dimension_semantics = [#tpu.dimension_semantics<core_parallel>, #tpu.dimension_semantics<subcore_parallel>], iteration_bounds = array<i64: 2, 16>, scalar_prefetch = 0 : i64, scratch_operands = 4 : i64, tpu.core_type = #tpu.core_type<sc_vector_subcore>, window_params = [{transform_indices = #map}, {transform_indices = #map1}, {transform_indices = #map1}]} {
    %mul3A = arith.constant 2 : i32
    %mul3A_0 = arith.muli %arg1, %mul3A : i32
    %add3A = arith.addi %mul3A_0, %arg0 : i32
    %dma_start3A = arith.constant 0 : i32
    %dma_start3A_1 = arith.constant 0 : i32
    %dma_start3A_2 = arith.constant 0 : i32
    %dma_start3A_3 = tpu.memref_slice %arg2[%add3A, %dma_start3A, %dma_start3A_1, %dma_start3A_2] : memref<32x26x4x128xi32, #tpu.memory_space<hbm>> -> memref<1x26x4x128xi32, #tpu.memory_space<hbm>>
    %dma_start3A_4 = tpu.memref_squeeze %dma_start3A_3 : memref<1x26x4x128xi32, #tpu.memory_space<hbm>> -> memref<26x4x128xi32, #tpu.memory_space<hbm>>
    %dma_start3A_5 = arith.constant 0 : i32
    %dma_start3A_6 = arith.constant 0 : i32
    %dma_start3A_7 = arith.constant 0 : i32
    %dma_start3A_8 = tpu.memref_slice %arg2[%add3A, %dma_start3A_5, %dma_start3A_6, %dma_start3A_7] : memref<32x26x4x128xi32, #tpu.memory_space<hbm>> -> memref<1x26x4x128xi32, #tpu.memory_space<hbm>>
    %dma_start3A_9 = tpu.memref_squeeze %dma_start3A_8 : memref<1x26x4x128xi32, #tpu.memory_space<hbm>> -> memref<26x4x128xi32, #tpu.memory_space<hbm>>
    tpu.enqueue_dma source(%dma_start3A_9 : memref<26x4x128xi32, #tpu.memory_space<hbm>>) target(%arg5 : memref<26x4x128xi32, #tpu.memory_space<vmem>>) target_semaphore(%arg7 : memref<!tpu.dma_semaphore, #tpu.memory_space<semaphore_mem>>)
    tpu.enqueue_dma source(%arg3 : memref<49152xf32, #tpu.memory_space<hbm>>) target(%arg6 : memref<49152xf32, #tpu.memory_space<vmem>>) target_semaphore(%arg8 : memref<!tpu.dma_semaphore, #tpu.memory_space<semaphore_mem>>)
    %dma_wait3A = arith.constant 0 : i32
    %dma_wait3A_10 = arith.constant 0 : i32
    %dma_wait3A_11 = arith.constant 0 : i32
    %dma_wait3A_12 = tpu.memref_slice %arg2[%add3A, %dma_wait3A, %dma_wait3A_10, %dma_wait3A_11] : memref<32x26x4x128xi32, #tpu.memory_space<hbm>> -> memref<1x26x4x128xi32, #tpu.memory_space<hbm>>
    %dma_wait3A_13 = tpu.memref_squeeze %dma_wait3A_12 : memref<1x26x4x128xi32, #tpu.memory_space<hbm>> -> memref<26x4x128xi32, #tpu.memory_space<hbm>>
    %dma_wait3A_14 = arith.constant 0 : i32
    %dma_wait3A_15 = arith.constant 0 : i32
    %dma_wait3A_16 = arith.constant 0 : i32
    %dma_wait3A_17 = tpu.memref_slice %arg2[%add3A, %dma_wait3A_14, %dma_wait3A_15, %dma_wait3A_16] : memref<32x26x4x128xi32, #tpu.memory_space<hbm>> -> memref<1x26x4x128xi32, #tpu.memory_space<hbm>>
    %dma_wait3A_18 = tpu.memref_squeeze %dma_wait3A_17 : memref<1x26x4x128xi32, #tpu.memory_space<hbm>> -> memref<26x4x128xi32, #tpu.memory_space<hbm>>
    tpu.wait_dma2 semaphore(%arg7 : memref<!tpu.dma_semaphore, #tpu.memory_space<semaphore_mem>>) src(%dma_wait3A_18 : memref<26x4x128xi32, #tpu.memory_space<hbm>>) dst(%arg5 : memref<26x4x128xi32, #tpu.memory_space<vmem>>)
    tpu.wait_dma2 semaphore(%arg8 : memref<!tpu.dma_semaphore, #tpu.memory_space<semaphore_mem>>) src(%arg3 : memref<49152xf32, #tpu.memory_space<hbm>>) dst(%arg6 : memref<49152xf32, #tpu.memory_space<vmem>>)
    %broadcast_in_dim3A = arith.constant 1.000000e+00 : f32
    %broadcast_in_dim3A_19 = vector.broadcast %broadcast_in_dim3A : f32 to vector<16xf32>
    %iota3A = tpu.iota {dimensions = array<i32: 0>} : vector<16xi32>
    %parallel_loop3A = arith.constant 0 : i32
    %parallel_loop3A_20 = arith.constant 8 : i32
    %parallel_loop3A_21 = arith.constant 1 : i32
    scf.for %parallel_loop3A_26 = %parallel_loop3A to %parallel_loop3A_20 step %parallel_loop3A_21  : i32 {
      %parallel_loop3A_27 = arith.constant 384 : i32
      %parallel_loop3A_28 = vector.broadcast %parallel_loop3A_27 : i32 to vector<16xi32>
      %parallel_loop3A_29 = arith.muli %iota3A, %parallel_loop3A_28 : vector<16xi32>
      %parallel_loop3A_30 = arith.constant 6144 : i32
      %parallel_loop3A_31 = arith.muli %parallel_loop3A_26, %parallel_loop3A_30 : i32
      %parallel_loop3A_32 = vector.broadcast %parallel_loop3A_31 : i32 to vector<16xi32>
      %parallel_loop3A_33 = arith.addi %parallel_loop3A_29, %parallel_loop3A_32 : vector<16xi32>
      %parallel_loop3A_34 = arith.constant 16 : i32
      %parallel_loop3A_35 = arith.muli %parallel_loop3A_26, %parallel_loop3A_34 : i32
      %parallel_loop3A_36 = arith.constant 0 : i32
      %parallel_loop3A_37 = arith.constant 0 : i32
      %parallel_loop3A_38 = arith.index_cast %parallel_loop3A_36 : i32 to index
      %parallel_loop3A_39 = arith.index_cast %parallel_loop3A_37 : i32 to index
      %parallel_loop3A_40 = arith.index_cast %parallel_loop3A_35 : i32 to index
      %parallel_loop3A_41 = tpu.vector_load %arg5[%parallel_loop3A_38, %parallel_loop3A_39, %parallel_loop3A_40] {strides = array<i32>} : memref<26x4x128xi32, #tpu.memory_space<vmem>>, vector<16xi32>,
      %parallel_loop3A_42 = arith.constant 4 : i32
      %parallel_loop3A_43 = vector.broadcast %parallel_loop3A_42 : i32 to vector<16xi32>
      %parallel_loop3A_44 = arith.muli %parallel_loop3A_41, %parallel_loop3A_43 : vector<16xi32>
      %parallel_loop3A_45 = arith.addi %parallel_loop3A_33, %parallel_loop3A_44 : vector<16xi32>
      %parallel_loop3A_46 = arith.constant 0 : i32
      %parallel_loop3A_47 = vector.broadcast %parallel_loop3A_46 : i32 to vector<16xi32>
      %parallel_loop3A_48 = arith.addi %parallel_loop3A_45, %parallel_loop3A_47 : vector<16xi32>
      tpu.vector_store_idx %arg6[%parallel_loop3A_48], %broadcast_in_dim3A_19 {add = true} : memref<49152xf32, #tpu.memory_space<vmem>>[vector<16xi32>], vector<16xf32>,
      %parallel_loop3A_49 = arith.constant 16 : i32
      %parallel_loop3A_50 = arith.muli %parallel_loop3A_26, %parallel_loop3A_49 : i32
      %parallel_loop3A_51 = arith.constant 0 : i32
      %parallel_loop3A_52 = arith.constant 1 : i32
      %parallel_loop3A_53 = arith.index_cast %parallel_loop3A_51 : i32 to index
      %parallel_loop3A_54 = arith.index_cast %parallel_loop3A_52 : i32 to index
      %parallel_loop3A_55 = arith.index_cast %parallel_loop3A_50 : i32 to index
      %parallel_loop3A_56 = tpu.vector_load %arg5[%parallel_loop3A_53, %parallel_loop3A_54, %parallel_loop3A_55] {strides = array<i32>} : memref<26x4x128xi32, #tpu.memory_space<vmem>>, vector<16xi32>,
      %parallel_loop3A_57 = arith.constant 4 : i32
      %parallel_loop3A_58 = vector.broadcast %parallel_loop3A_57 : i32 to vector<16xi32>
      %parallel_loop3A_59 = arith.muli %parallel_loop3A_56, %parallel_loop3A_58 : vector<16xi32>
      %parallel_loop3A_60 = arith.addi %parallel_loop3A_33, %parallel_loop3A_59 : vector<16xi32>
      %parallel_loop3A_61 = arith.constant 1 : i32
      %parallel_loop3A_62 = vector.broadcast %parallel_loop3A_61 : i32 to vector<16xi32>
      %parallel_loop3A_63 = arith.addi %parallel_loop3A_60, %parallel_loop3A_62 : vector<16xi32>
      tpu.vector_store_idx %arg6[%parallel_loop3A_63], %broadcast_in_dim3A_19 {add = true} : memref<49152xf32, #tpu.memory_space<vmem>>[vector<16xi32>], vector<16xf32>,
      %parallel_loop3A_64 = arith.constant 16 : i32
      %parallel_loop3A_65 = arith.muli %parallel_loop3A_26, %parallel_loop3A_64 : i32
      %parallel_loop3A_66 = arith.constant 0 : i32
      %parallel_loop3A_67 = arith.constant 2 : i32
      %parallel_loop3A_68 = arith.index_cast %parallel_loop3A_66 : i32 to index
      %parallel_loop3A_69 = arith.index_cast %parallel_loop3A_67 : i32 to index
      %parallel_loop3A_70 = arith.index_cast %parallel_loop3A_65 : i32 to index
      %parallel_loop3A_71 = tpu.vector_load %arg5[%parallel_loop3A_68, %parallel_loop3A_69, %parallel_loop3A_70] {strides = array<i32>} : memref<26x4x128xi32, #tpu.memory_space<vmem>>, vector<16xi32>,
      %parallel_loop3A_72 = arith.constant 4 : i32
      %parallel_loop3A_73 = vector.broadcast %parallel_loop3A_72 : i32 to vector<16xi32>
      %parallel_loop3A_74 = arith.muli %parallel_loop3A_71, %parallel_loop3A_73 : vector<16xi32>
      %parallel_loop3A_75 = arith.addi %parallel_loop3A_33, %parallel_loop3A_74 : vector<16xi32>
      %parallel_loop3A_76 = arith.constant 2 : i32
      %parallel_loop3A_77 = vector.broadcast %parallel_loop3A_76 : i32 to vector<16xi32>
      %parallel_loop3A_78 = arith.addi %parallel_loop3A_75, %parallel_loop3A_77 : vector<16xi32>
      tpu.vector_store_idx %arg6[%parallel_loop3A_78], %broadcast_in_dim3A_19 {add = true} : memref<49152xf32, #tpu.memory_space<vmem>>[vector<16xi32>], vector<16xf32>,
      %parallel_loop3A_79 = arith.constant 16 : i32
      %parallel_loop3A_80 = arith.muli %parallel_loop3A_26, %parallel_loop3A_79 : i32
      %parallel_loop3A_81 = arith.constant 0 : i32
      %parallel_loop3A_82 = arith.constant 3 : i32
      %parallel_loop3A_83 = arith.index_cast %parallel_loop3A_81 : i32 to index
      %parallel_loop3A_84 = arith.index_cast %parallel_loop3A_82 : i32 to index
      %parallel_loop3A_85 = arith.index_cast %parallel_loop3A_80 : i32 to index
      %parallel_loop3A_86 = tpu.vector_load %arg5[%parallel_loop3A_83, %parallel_loop3A_84, %parallel_loop3A_85] {strides = array<i32>} : memref<26x4x128xi32, #tpu.memory_space<vmem>>, vector<16xi32>,
      %parallel_loop3A_87 = arith.constant 4 : i32
      %parallel_loop3A_88 = vector.broadcast %parallel_loop3A_87 : i32 to vector<16xi32>
      %parallel_loop3A_89 = arith.muli %parallel_loop3A_86, %parallel_loop3A_88 : vector<16xi32>
      %parallel_loop3A_90 = arith.addi %parallel_loop3A_33, %parallel_loop3A_89 : vector<16xi32>
      %parallel_loop3A_91 = arith.constant 3 : i32
      %parallel_loop3A_92 = vector.broadcast %parallel_loop3A_91 : i32 to vector<16xi32>
      %parallel_loop3A_93 = arith.addi %parallel_loop3A_90, %parallel_loop3A_92 : vector<16xi32>
      tpu.vector_store_idx %arg6[%parallel_loop3A_93], %broadcast_in_dim3A_19 {add = true} : memref<49152xf32, #tpu.memory_space<vmem>>[vector<16xi32>], vector<16xf32>,
      %parallel_loop3A_94 = arith.constant 16 : i32
      %parallel_loop3A_95 = arith.muli %parallel_loop3A_26, %parallel_loop3A_94 : i32
      %parallel_loop3A_96 = arith.constant 1 : i32
      %parallel_loop3A_97 = arith.constant 0 : i32
      %parallel_loop3A_98 = arith.index_cast %parallel_loop3A_96 : i32 to index
      %parallel_loop3A_99 = arith.index_cast %parallel_loop3A_97 : i32 to index
      %parallel_loop3A_100 = arith.index_cast %parallel_loop3A_95 : i32 to index
      %parallel_loop3A_101 = tpu.vector_load %arg5[%parallel_loop3A_98, %parallel_loop3A_99, %parallel_loop3A_100] {strides = array<i32>} : memref<26x4x128xi32, #tpu.memory_space<vmem>>, vector<16xi32>,
      %parallel_loop3A_102 = arith.constant 4 : i32
      %parallel_loop3A_103 = vector.broadcast %parallel_loop3A_102 : i32 to vector<16xi32>
      %parallel_loop3A_104 = arith.muli %parallel_loop3A_101, %parallel_loop3A_103 : vector<16xi32>
      %parallel_loop3A_105 = arith.addi %parallel_loop3A_33, %parallel_loop3A_104 : vector<16xi32>
      %parallel_loop3A_106 = arith.constant 0 : i32
      %parallel_loop3A_107 = vector.broadcast %parallel_loop3A_106 : i32 to vector<16xi32>
      %parallel_loop3A_108 = arith.addi %parallel_loop3A_105, %parallel_loop3A_107 : vector<16xi32>
      tpu.vector_store_idx %arg6[%parallel_loop3A_108], %broadcast_in_dim3A_19 {add = true} : memref<49152xf32, #tpu.memory_space<vmem>>[vector<16xi32>], vector<16xf32>,
      %parallel_loop3A_109 = arith.constant 16 : i32
      %parallel_loop3A_110 = arith.muli %parallel_loop3A_26, %parallel_loop3A_109 : i32
      %parallel_loop3A_111 = arith.constant 1 : i32
      %parallel_loop3A_112 = arith.constant 1 : i32
      %parallel_loop3A_113 = arith.index_cast %parallel_loop3A_111 : i32 to index
      %parallel_loop3A_114 = arith.index_cast %parallel_loop3A_112 : i32 to index
      %parallel_loop3A_115 = arith.index_cast %parallel_loop3A_110 : i32 to index
      %parallel_loop3A_116 = tpu.vector_load %arg5[%parallel_loop3A_113, %parallel_loop3A_114, %parallel_loop3A_115] {strides = array<i32>} : memref<26x4x128xi32, #tpu.memory_space<vmem>>, vector<16xi32>,
      %parallel_loop3A_117 = arith.constant 4 : i32
      %parallel_loop3A_118 = vector.broadcast %parallel_loop3A_117 : i32 to vector<16xi32>
      %parallel_loop3A_119 = arith.muli %parallel_loop3A_116, %parallel_loop3A_118 : vector<16xi32>
      %parallel_loop3A_120 = arith.addi %parallel_loop3A_33, %parallel_loop3A_119 : vector<16xi32>
      %parallel_loop3A_121 = arith.constant 1 : i32
      %parallel_loop3A_122 = vector.broadcast %parallel_loop3A_121 : i32 to vector<16xi32>
      %parallel_loop3A_123 = arith.addi %parallel_loop3A_120, %parallel_loop3A_122 : vector<16xi32>
      tpu.vector_store_idx %arg6[%parallel_loop3A_123], %broadcast_in_dim3A_19 {add = true} : memref<49152xf32, #tpu.memory_space<vmem>>[vector<16xi32>], vector<16xf32>,
      %parallel_loop3A_124 = arith.constant 16 : i32
      %parallel_loop3A_125 = arith.muli %parallel_loop3A_26, %parallel_loop3A_124 : i32
      %parallel_loop3A_126 = arith.constant 1 : i32
      %parallel_loop3A_127 = arith.constant 2 : i32
      %parallel_loop3A_128 = arith.index_cast %parallel_loop3A_126 : i32 to index
      %parallel_loop3A_129 = arith.index_cast %parallel_loop3A_127 : i32 to index
      %parallel_loop3A_130 = arith.index_cast %parallel_loop3A_125 : i32 to index
      %parallel_loop3A_131 = tpu.vector_load %arg5[%parallel_loop3A_128, %parallel_loop3A_129, %parallel_loop3A_130] {strides = array<i32>} : memref<26x4x128xi32, #tpu.memory_space<vmem>>, vector<16xi32>,
      %parallel_loop3A_132 = arith.constant 4 : i32
      %parallel_loop3A_133 = vector.broadcast %parallel_loop3A_132 : i32 to vector<16xi32>
      %parallel_loop3A_134 = arith.muli %parallel_loop3A_131, %parallel_loop3A_133 : vector<16xi32>
      %parallel_loop3A_135 = arith.addi %parallel_loop3A_33, %parallel_loop3A_134 : vector<16xi32>
      %parallel_loop3A_136 = arith.constant 2 : i32
      %parallel_loop3A_137 = vector.broadcast %parallel_loop3A_136 : i32 to vector<16xi32>
      %parallel_loop3A_138 = arith.addi %parallel_loop3A_135, %parallel_loop3A_137 : vector<16xi32>
      tpu.vector_store_idx %arg6[%parallel_loop3A_138], %broadcast_in_dim3A_19 {add = true} : memref<49152xf32, #tpu.memory_space<vmem>>[vector<16xi32>], vector<16xf32>,
      %parallel_loop3A_139 = arith.constant 16 : i32
      %parallel_loop3A_140 = arith.muli %parallel_loop3A_26, %parallel_loop3A_139 : i32
      %parallel_loop3A_141 = arith.constant 1 : i32
      %parallel_loop3A_142 = arith.constant 3 : i32
      %parallel_loop3A_143 = arith.index_cast %parallel_loop3A_141 : i32 to index
      %parallel_loop3A_144 = arith.index_cast %parallel_loop3A_142 : i32 to index
      %parallel_loop3A_145 = arith.index_cast %parallel_loop3A_140 : i32 to index
      %parallel_loop3A_146 = tpu.vector_load %arg5[%parallel_loop3A_143, %parallel_loop3A_144, %parallel_loop3A_145] {strides = array<i32>} : memref<26x4x128xi32, #tpu.memory_space<vmem>>, vector<16xi32>,
      %parallel_loop3A_147 = arith.constant 4 : i32
      %parallel_loop3A_148 = vector.broadcast %parallel_loop3A_147 : i32 to vector<16xi32>
      %parallel_loop3A_149 = arith.muli %parallel_loop3A_146, %parallel_loop3A_148 : vector<16xi32>
      %parallel_loop3A_150 = arith.addi %parallel_loop3A_33, %parallel_loop3A_149 : vector<16xi32>
      %parallel_loop3A_151 = arith.constant 3 : i32
      %parallel_loop3A_152 = vector.broadcast %parallel_loop3A_151 : i32 to vector<16xi32>
      %parallel_loop3A_153 = arith.addi %parallel_loop3A_150, %parallel_loop3A_152 : vector<16xi32>
      tpu.vector_store_idx %arg6[%parallel_loop3A_153], %broadcast_in_dim3A_19 {add = true} : memref<49152xf32, #tpu.memory_space<vmem>>[vector<16xi32>], vector<16xf32>,
      %parallel_loop3A_154 = arith.constant 16 : i32
      %parallel_loop3A_155 = arith.muli %parallel_loop3A_26, %parallel_loop3A_154 : i32
      %parallel_loop3A_156 = arith.constant 2 : i32
      %parallel_loop3A_157 = arith.constant 0 : i32
      %parallel_loop3A_158 = arith.index_cast %parallel_loop3A_156 : i32 to index
      %parallel_loop3A_159 = arith.index_cast %parallel_loop3A_157 : i32 to index
      %parallel_loop3A_160 = arith.index_cast %parallel_loop3A_155 : i32 to index
      %parallel_loop3A_161 = tpu.vector_load %arg5[%parallel_loop3A_158, %parallel_loop3A_159, %parallel_loop3A_160] {strides = array<i32>} : memref<26x4x128xi32, #tpu.memory_space<vmem>>, vector<16xi32>,
      %parallel_loop3A_162 = arith.constant 4 : i32
      %parallel_loop3A_163 = vector.broadcast %parallel_loop3A_162 : i32 to vector<16xi32>
      %parallel_loop3A_164 = arith.muli %parallel_loop3A_161, %parallel_loop3A_163 : vector<16xi32>
      %parallel_loop3A_165 = arith.addi %parallel_loop3A_33, %parallel_loop3A_164 : vector<16xi32>
      %parallel_loop3A_166 = arith.constant 0 : i32
      %parallel_loop3A_167 = vector.broadcast %parallel_loop3A_166 : i32 to vector<16xi32>
      %parallel_loop3A_168 = arith.addi %parallel_loop3A_165, %parallel_loop3A_167 : vector<16xi32>
      tpu.vector_store_idx %arg6[%parallel_loop3A_168], %broadcast_in_dim3A_19 {add = true} : memref<49152xf32, #tpu.memory_space<vmem>>[vector<16xi32>], vector<16xf32>,
      %parallel_loop3A_169 = arith.constant 16 : i32
      %parallel_loop3A_170 = arith.muli %parallel_loop3A_26, %parallel_loop3A_169 : i32
      %parallel_loop3A_171 = arith.constant 2 : i32
      %parallel_loop3A_172 = arith.constant 1 : i32
      %parallel_loop3A_173 = arith.index_cast %parallel_loop3A_171 : i32 to index
      %parallel_loop3A_174 = arith.index_cast %parallel_loop3A_172 : i32 to index
      %parallel_loop3A_175 = arith.index_cast %parallel_loop3A_170 : i32 to index
      %parallel_loop3A_176 = tpu.vector_load %arg5[%parallel_loop3A_173, %parallel_loop3A_174, %parallel_loop3A_175] {strides = array<i32>} : memref<26x4x128xi32, #tpu.memory_space<vmem>>, vector<16xi32>,
      %parallel_loop3A_177 = arith.constant 4 : i32
      %parallel_loop3A_178 = vector.broadcast %parallel_loop3A_177 : i32 to vector<16xi32>
      %parallel_loop3A_179 = arith.muli %parallel_loop3A_176, %parallel_loop3A_178 : vector<16xi32>
      %parallel_loop3A_180 = arith.addi %parallel_loop3A_33, %parallel_loop3A_179 : vector<16xi32>
      %parallel_loop3A_181 = arith.constant 1 : i32
      %parallel_loop3A_182 = vector.broadcast %parallel_loop3A_181 : i32 to vector<16xi32>
      %parallel_loop3A_183 = arith.addi %parallel_loop3A_180, %parallel_loop3A_182 : vector<16xi32>
      tpu.vector_store_idx %arg6[%parallel_loop3A_183], %broadcast_in_dim3A_19 {add = true} : memref<49152xf32, #tpu.memory_space<vmem>>[vector<16xi32>], vector<16xf32>,
      %parallel_loop3A_184 = arith.constant 16 : i32
      %parallel_loop3A_185 = arith.muli %parallel_loop3A_26, %parallel_loop3A_184 : i32
      %parallel_loop3A_186 = arith.constant 2 : i32
      %parallel_loop3A_187 = arith.constant 2 : i32
      %parallel_loop3A_188 = arith.index_cast %parallel_loop3A_186 : i32 to index
      %parallel_loop3A_189 = arith.index_cast %parallel_loop3A_187 : i32 to index
      %parallel_loop3A_190 = arith.index_cast %parallel_loop3A_185 : i32 to index
      %parallel_loop3A_191 = tpu.vector_load %arg5[%parallel_loop3A_188, %parallel_loop3A_189, %parallel_loop3A_190] {strides = array<i32>} : memref<26x4x128xi32, #tpu.memory_space<vmem>>, vector<16xi32>,
      %parallel_loop3A_192 = arith.constant 4 : i32
      %parallel_loop3A_193 = vector.broadcast %parallel_loop3A_192 : i32 to vector<16xi32>
      %parallel_loop3A_194 = arith.muli %parallel_loop3A_191, %parallel_loop3A_193 : vector<16xi32>
      %parallel_loop3A_195 = arith.addi %parallel_loop3A_33, %parallel_loop3A_194 : vector<16xi32>
      %parallel_loop3A_196 = arith.constant 2 : i32
      %parallel_loop3A_197 = vector.broadcast %parallel_loop3A_196 : i32 to vector<16xi32>
      %parallel_loop3A_198 = arith.addi %parallel_loop3A_195, %parallel_loop3A_197 : vector<16xi32>
      tpu.vector_store_idx %arg6[%parallel_loop3A_198], %broadcast_in_dim3A_19 {add = true} : memref<49152xf32, #tpu.memory_space<vmem>>[vector<16xi32>], vector<16xf32>,
      %parallel_loop3A_199 = arith.constant 16 : i32
      %parallel_loop3A_200 = arith.muli %parallel_loop3A_26, %parallel_loop3A_199 : i32
      %parallel_loop3A_201 = arith.constant 2 : i32
      %parallel_loop3A_202 = arith.constant 3 : i32
      %parallel_loop3A_203 = arith.index_cast %parallel_loop3A_201 : i32 to index
      %parallel_loop3A_204 = arith.index_cast %parallel_loop3A_202 : i32 to index
      %parallel_loop3A_205 = arith.index_cast %parallel_loop3A_200 : i32 to index
      %parallel_loop3A_206 = tpu.vector_load %arg5[%parallel_loop3A_203, %parallel_loop3A_204, %parallel_loop3A_205] {strides = array<i32>} : memref<26x4x128xi32, #tpu.memory_space<vmem>>, vector<16xi32>,
      %parallel_loop3A_207 = arith.constant 4 : i32
      %parallel_loop3A_208 = vector.broadcast %parallel_loop3A_207 : i32 to vector<16xi32>
      %parallel_loop3A_209 = arith.muli %parallel_loop3A_206, %parallel_loop3A_208 : vector<16xi32>
      %parallel_loop3A_210 = arith.addi %parallel_loop3A_33, %parallel_loop3A_209 : vector<16xi32>
      %parallel_loop3A_211 = arith.constant 3 : i32
      %parallel_loop3A_212 = vector.broadcast %parallel_loop3A_211 : i32 to vector<16xi32>
      %parallel_loop3A_213 = arith.addi %parallel_loop3A_210, %parallel_loop3A_212 : vector<16xi32>
      tpu.vector_store_idx %arg6[%parallel_loop3A_213], %broadcast_in_dim3A_19 {add = true} : memref<49152xf32, #tpu.memory_space<vmem>>[vector<16xi32>], vector<16xf32>,
      %parallel_loop3A_214 = arith.constant 16 : i32
      %parallel_loop3A_215 = arith.muli %parallel_loop3A_26, %parallel_loop3A_214 : i32
      %parallel_loop3A_216 = arith.constant 3 : i32
      %parallel_loop3A_217 = arith.constant 0 : i32
      %parallel_loop3A_218 = arith.index_cast %parallel_loop3A_216 : i32 to index
      %parallel_loop3A_219 = arith.index_cast %parallel_loop3A_217 : i32 to index
      %parallel_loop3A_220 = arith.index_cast %parallel_loop3A_215 : i32 to index
      %parallel_loop3A_221 = tpu.vector_load %arg5[%parallel_loop3A_218, %parallel_loop3A_219, %parallel_loop3A_220] {strides = array<i32>} : memref<26x4x128xi32, #tpu.memory_space<vmem>>, vector<16xi32>,
      %parallel_loop3A_222 = arith.constant 4 : i32
      %parallel_loop3A_223 = vector.broadcast %parallel_loop3A_222 : i32 to vector<16xi32>
      %parallel_loop3A_224 = arith.muli %parallel_loop3A_221, %parallel_loop3A_223 : vector<16xi32>
      %parallel_loop3A_225 = arith.addi %parallel_loop3A_33, %parallel_loop3A_224 : vector<16xi32>
      %parallel_loop3A_226 = arith.constant 0 : i32
      %parallel_loop3A_227 = vector.broadcast %parallel_loop3A_226 : i32 to vector<16xi32>
      %parallel_loop3A_228 = arith.addi %parallel_loop3A_225, %parallel_loop3A_227 : vector<16xi32>
      tpu.vector_store_idx %arg6[%parallel_loop3A_228], %broadcast_in_dim3A_19 {add = true} : memref<49152xf32, #tpu.memory_space<vmem>>[vector<16xi32>], vector<16xf32>,
      %parallel_loop3A_229 = arith.constant 16 : i32
      %parallel_loop3A_230 = arith.muli %parallel_loop3A_26, %parallel_loop3A_229 : i32
      %parallel_loop3A_231 = arith.constant 3 : i32
      %parallel_loop3A_232 = arith.constant 1 : i32
      %parallel_loop3A_233 = arith.index_cast %parallel_loop3A_231 : i32 to index
      %parallel_loop3A_234 = arith.index_cast %parallel_loop3A_232 : i32 to index
      %parallel_loop3A_235 = arith.index_cast %parallel_loop3A_230 : i32 to index
      %parallel_loop3A_236 = tpu.vector_load %arg5[%parallel_loop3A_233, %parallel_loop3A_234, %parallel_loop3A_235] {strides = array<i32>} : memref<26x4x128xi32, #tpu.memory_space<vmem>>, vector<16xi32>,
      %parallel_loop3A_237 = arith.constant 4 : i32
      %parallel_loop3A_238 = vector.broadcast %parallel_loop3A_237 : i32 to vector<16xi32>
      %parallel_loop3A_239 = arith.muli %parallel_loop3A_236, %parallel_loop3A_238 : vector<16xi32>
      %parallel_loop3A_240 = arith.addi %parallel_loop3A_33, %parallel_loop3A_239 : vector<16xi32>
      %parallel_loop3A_241 = arith.constant 1 : i32
      %parallel_loop3A_242 = vector.broadcast %parallel_loop3A_241 : i32 to vector<16xi32>
      %parallel_loop3A_243 = arith.addi %parallel_loop3A_240, %parallel_loop3A_242 : vector<16xi32>
      tpu.vector_store_idx %arg6[%parallel_loop3A_243], %broadcast_in_dim3A_19 {add = true} : memref<49152xf32, #tpu.memory_space<vmem>>[vector<16xi32>], vector<16xf32>,
      %parallel_loop3A_244 = arith.constant 16 : i32
      %parallel_loop3A_245 = arith.muli %parallel_loop3A_26, %parallel_loop3A_244 : i32
      %parallel_loop3A_246 = arith.constant 3 : i32
      %parallel_loop3A_247 = arith.constant 2 : i32
      %parallel_loop3A_248 = arith.index_cast %parallel_loop3A_246 : i32 to index
      %parallel_loop3A_249 = arith.index_cast %parallel_loop3A_247 : i32 to index
      %parallel_loop3A_250 = arith.index_cast %parallel_loop3A_245 : i32 to index
      %parallel_loop3A_251 = tpu.vector_load %arg5[%parallel_loop3A_248, %parallel_loop3A_249, %parallel_loop3A_250] {strides = array<i32>} : memref<26x4x128xi32, #tpu.memory_space<vmem>>, vector<16xi32>,
      %parallel_loop3A_252 = arith.constant 4 : i32
      %parallel_loop3A_253 = vector.broadcast %parallel_loop3A_252 : i32 to vector<16xi32>
      %parallel_loop3A_254 = arith.muli %parallel_loop3A_251, %parallel_loop3A_253 : vector<16xi32>
      %parallel_loop3A_255 = arith.addi %parallel_loop3A_33, %parallel_loop3A_254 : vector<16xi32>
      %parallel_loop3A_256 = arith.constant 2 : i32
      %parallel_loop3A_257 = vector.broadcast %parallel_loop3A_256 : i32 to vector<16xi32>
      %parallel_loop3A_258 = arith.addi %parallel_loop3A_255, %parallel_loop3A_257 : vector<16xi32>
      tpu.vector_store_idx %arg6[%parallel_loop3A_258], %broadcast_in_dim3A_19 {add = true} : memref<49152xf32, #tpu.memory_space<vmem>>[vector<16xi32>], vector<16xf32>,
      %parallel_loop3A_259 = arith.constant 16 : i32
      %parallel_loop3A_260 = arith.muli %parallel_loop3A_26, %parallel_loop3A_259 : i32
      %parallel_loop3A_261 = arith.constant 3 : i32
      %parallel_loop3A_262 = arith.constant 3 : i32
      %parallel_loop3A_263 = arith.index_cast %parallel_loop3A_261 : i32 to index
      %parallel_loop3A_264 = arith.index_cast %parallel_loop3A_262 : i32 to index
      %parallel_loop3A_265 = arith.index_cast %parallel_loop3A_260 : i32 to index
      %parallel_loop3A_266 = tpu.vector_load %arg5[%parallel_loop3A_263, %parallel_loop3A_264, %parallel_loop3A_265] {strides = array<i32>} : memref<26x4x128xi32, #tpu.memory_space<vmem>>, vector<16xi32>,
      %parallel_loop3A_267 = arith.constant 4 : i32
      %parallel_loop3A_268 = vector.broadcast %parallel_loop3A_267 : i32 to vector<16xi32>
      %parallel_loop3A_269 = arith.muli %parallel_loop3A_266, %parallel_loop3A_268 : vector<16xi32>
      %parallel_loop3A_270 = arith.addi %parallel_loop3A_33, %parallel_loop3A_269 : vector<16xi32>
      %parallel_loop3A_271 = arith.constant 3 : i32
      %parallel_loop3A_272 = vector.broadcast %parallel_loop3A_271 : i32 to vector<16xi32>
      %parallel_loop3A_273 = arith.addi %parallel_loop3A_270, %parallel_loop3A_272 : vector<16xi32>
      tpu.vector_store_idx %arg6[%parallel_loop3A_273], %broadcast_in_dim3A_19 {add = true} : memref<49152xf32, #tpu.memory_space<vmem>>[vector<16xi32>], vector<16xf32>,
      %parallel_loop3A_274 = arith.constant 16 : i32
      %parallel_loop3A_275 = arith.muli %parallel_loop3A_26, %parallel_loop3A_274 : i32
      %parallel_loop3A_276 = arith.constant 4 : i32
      %parallel_loop3A_277 = arith.constant 0 : i32
      %parallel_loop3A_278 = arith.index_cast %parallel_loop3A_276 : i32 to index
      %parallel_loop3A_279 = arith.index_cast %parallel_loop3A_277 : i32 to index
      %parallel_loop3A_280 = arith.index_cast %parallel_loop3A_275 : i32 to index
      %parallel_loop3A_281 = tpu.vector_load %arg5[%parallel_loop3A_278, %parallel_loop3A_279, %parallel_loop3A_280] {strides = array<i32>} : memref<26x4x128xi32, #tpu.memory_space<vmem>>, vector<16xi32>,
      %parallel_loop3A_282 = arith.constant 4 : i32
      %parallel_loop3A_283 = vector.broadcast %parallel_loop3A_282 : i32 to vector<16xi32>
      %parallel_loop3A_284 = arith.muli %parallel_loop3A_281, %parallel_loop3A_283 : vector<16xi32>
      %parallel_loop3A_285 = arith.addi %parallel_loop3A_33, %parallel_loop3A_284 : vector<16xi32>
      %parallel_loop3A_286 = arith.constant 0 : i32
      %parallel_loop3A_287 = vector.broadcast %parallel_loop3A_286 : i32 to vector<16xi32>
      %parallel_loop3A_288 = arith.addi %parallel_loop3A_285, %parallel_loop3A_287 : vector<16xi32>
      tpu.vector_store_idx %arg6[%parallel_loop3A_288], %broadcast_in_dim3A_19 {add = true} : memref<49152xf32, #tpu.memory_space<vmem>>[vector<16xi32>], vector<16xf32>,
      %parallel_loop3A_289 = arith.constant 16 : i32
      %parallel_loop3A_290 = arith.muli %parallel_loop3A_26, %parallel_loop3A_289 : i32
      %parallel_loop3A_291 = arith.constant 4 : i32
      %parallel_loop3A_292 = arith.constant 1 : i32
      %parallel_loop3A_293 = arith.index_cast %parallel_loop3A_291 : i32 to index
      %parallel_loop3A_294 = arith.index_cast %parallel_loop3A_292 : i32 to index
      %parallel_loop3A_295 = arith.index_cast %parallel_loop3A_290 : i32 to index
      %parallel_loop3A_296 = tpu.vector_load %arg5[%parallel_loop3A_293, %parallel_loop3A_294, %parallel_loop3A_295] {strides = array<i32>} : memref<26x4x128xi32, #tpu.memory_space<vmem>>, vector<16xi32>,
      %parallel_loop3A_297 = arith.constant 4 : i32
      %parallel_loop3A_298 = vector.broadcast %parallel_loop3A_297 : i32 to vector<16xi32>
      %parallel_loop3A_299 = arith.muli %parallel_loop3A_296, %parallel_loop3A_298 : vector<16xi32>
      %parallel_loop3A_300 = arith.addi %parallel_loop3A_33, %parallel_loop3A_299 : vector<16xi32>
      %parallel_loop3A_301 = arith.constant 1 : i32
      %parallel_loop3A_302 = vector.broadcast %parallel_loop3A_301 : i32 to vector<16xi32>
      %parallel_loop3A_303 = arith.addi %parallel_loop3A_300, %parallel_loop3A_302 : vector<16xi32>
      tpu.vector_store_idx %arg6[%parallel_loop3A_303], %broadcast_in_dim3A_19 {add = true} : memref<49152xf32, #tpu.memory_space<vmem>>[vector<16xi32>], vector<16xf32>,
      %parallel_loop3A_304 = arith.constant 16 : i32
      %parallel_loop3A_305 = arith.muli %parallel_loop3A_26, %parallel_loop3A_304 : i32
      %parallel_loop3A_306 = arith.constant 4 : i32
      %parallel_loop3A_307 = arith.constant 2 : i32
      %parallel_loop3A_308 = arith.index_cast %parallel_loop3A_306 : i32 to index
      %parallel_loop3A_309 = arith.index_cast %parallel_loop3A_307 : i32 to index
      %parallel_loop3A_310 = arith.index_cast %parallel_loop3A_305 : i32 to index
      %parallel_loop3A_311 = tpu.vector_load %arg5[%parallel_loop3A_308, %parallel_loop3A_309, %parallel_loop3A_310] {strides = array<i32>} : memref<26x4x128xi32, #tpu.memory_space<vmem>>, vector<16xi32>,
      %parallel_loop3A_312 = arith.constant 4 : i32
      %parallel_loop3A_313 = vector.broadcast %parallel_loop3A_312 : i32 to vector<16xi32>
      %parallel_loop3A_314 = arith.muli %parallel_loop3A_311, %parallel_loop3A_313 : vector<16xi32>
      %parallel_loop3A_315 = arith.addi %parallel_loop3A_33, %parallel_loop3A_314 : vector<16xi32>
      %parallel_loop3A_316 = arith.constant 2 : i32
      %parallel_loop3A_317 = vector.broadcast %parallel_loop3A_316 : i32 to vector<16xi32>
      %parallel_loop3A_318 = arith.addi %parallel_loop3A_315, %parallel_loop3A_317 : vector<16xi32>
      tpu.vector_store_idx %arg6[%parallel_loop3A_318], %broadcast_in_dim3A_19 {add = true} : memref<49152xf32, #tpu.memory_space<vmem>>[vector<16xi32>], vector<16xf32>,
      %parallel_loop3A_319 = arith.constant 16 : i32
      %parallel_loop3A_320 = arith.muli %parallel_loop3A_26, %parallel_loop3A_319 : i32
      %parallel_loop3A_321 = arith.constant 4 : i32
      %parallel_loop3A_322 = arith.constant 3 : i32
      %parallel_loop3A_323 = arith.index_cast %parallel_loop3A_321 : i32 to index
      %parallel_loop3A_324 = arith.index_cast %parallel_loop3A_322 : i32 to index
      %parallel_loop3A_325 = arith.index_cast %parallel_loop3A_320 : i32 to index
      %parallel_loop3A_326 = tpu.vector_load %arg5[%parallel_loop3A_323, %parallel_loop3A_324, %parallel_loop3A_325] {strides = array<i32>} : memref<26x4x128xi32, #tpu.memory_space<vmem>>, vector<16xi32>,
      %parallel_loop3A_327 = arith.constant 4 : i32
      %parallel_loop3A_328 = vector.broadcast %parallel_loop3A_327 : i32 to vector<16xi32>
      %parallel_loop3A_329 = arith.muli %parallel_loop3A_326, %parallel_loop3A_328 : vector<16xi32>
      %parallel_loop3A_330 = arith.addi %parallel_loop3A_33, %parallel_loop3A_329 : vector<16xi32>
      %parallel_loop3A_331 = arith.constant 3 : i32
      %parallel_loop3A_332 = vector.broadcast %parallel_loop3A_331 : i32 to vector<16xi32>
      %parallel_loop3A_333 = arith.addi %parallel_loop3A_330, %parallel_loop3A_332 : vector<16xi32>
      tpu.vector_store_idx %arg6[%parallel_loop3A_333], %broadcast_in_dim3A_19 {add = true} : memref<49152xf32, #tpu.memory_space<vmem>>[vector<16xi32>], vector<16xf32>,
      %parallel_loop3A_334 = arith.constant 16 : i32
      %parallel_loop3A_335 = arith.muli %parallel_loop3A_26, %parallel_loop3A_334 : i32
      %parallel_loop3A_336 = arith.constant 5 : i32
      %parallel_loop3A_337 = arith.constant 0 : i32
      %parallel_loop3A_338 = arith.index_cast %parallel_loop3A_336 : i32 to index
      %parallel_loop3A_339 = arith.index_cast %parallel_loop3A_337 : i32 to index
      %parallel_loop3A_340 = arith.index_cast %parallel_loop3A_335 : i32 to index
      %parallel_loop3A_341 = tpu.vector_load %arg5[%parallel_loop3A_338, %parallel_loop3A_339, %parallel_loop3A_340] {strides = array<i32>} : memref<26x4x128xi32, #tpu.memory_space<vmem>>, vector<16xi32>,
      %parallel_loop3A_342 = arith.constant 4 : i32
      %parallel_loop3A_343 = vector.broadcast %parallel_loop3A_342 : i32 to vector<16xi32>
      %parallel_loop3A_344 = arith.muli %parallel_loop3A_341, %parallel_loop3A_343 : vector<16xi32>
      %parallel_loop3A_345 = arith.addi %parallel_loop3A_33, %parallel_loop3A_344 : vector<16xi32>
      %parallel_loop3A_346 = arith.constant 0 : i32
      %parallel_loop3A_347 = vector.broadcast %parallel_loop3A_346 : i32 to vector<16xi32>
      %parallel_loop3A_348 = arith.addi %parallel_loop3A_345, %parallel_loop3A_347 : vector<16xi32>
      tpu.vector_store_idx %arg6[%parallel_loop3A_348], %broadcast_in_dim3A_19 {add = true} : memref<49152xf32, #tpu.memory_space<vmem>>[vector<16xi32>], vector<16xf32>,
      %parallel_loop3A_349 = arith.constant 16 : i32
      %parallel_loop3A_350 = arith.muli %parallel_loop3A_26, %parallel_loop3A_349 : i32
      %parallel_loop3A_351 = arith.constant 5 : i32
      %parallel_loop3A_352 = arith.constant 1 : i32
      %parallel_loop3A_353 = arith.index_cast %parallel_loop3A_351 : i32 to index
      %parallel_loop3A_354 = arith.index_cast %parallel_loop3A_352 : i32 to index
      %parallel_loop3A_355 = arith.index_cast %parallel_loop3A_350 : i32 to index
      %parallel_loop3A_356 = tpu.vector_load %arg5[%parallel_loop3A_353, %parallel_loop3A_354, %parallel_loop3A_355] {strides = array<i32>} : memref<26x4x128xi32, #tpu.memory_space<vmem>>, vector<16xi32>,
      %parallel_loop3A_357 = arith.constant 4 : i32
      %parallel_loop3A_358 = vector.broadcast %parallel_loop3A_357 : i32 to vector<16xi32>
      %parallel_loop3A_359 = arith.muli %parallel_loop3A_356, %parallel_loop3A_358 : vector<16xi32>
      %parallel_loop3A_360 = arith.addi %parallel_loop3A_33, %parallel_loop3A_359 : vector<16xi32>
      %parallel_loop3A_361 = arith.constant 1 : i32
      %parallel_loop3A_362 = vector.broadcast %parallel_loop3A_361 : i32 to vector<16xi32>
      %parallel_loop3A_363 = arith.addi %parallel_loop3A_360, %parallel_loop3A_362 : vector<16xi32>
      tpu.vector_store_idx %arg6[%parallel_loop3A_363], %broadcast_in_dim3A_19 {add = true} : memref<49152xf32, #tpu.memory_space<vmem>>[vector<16xi32>], vector<16xf32>,
      %parallel_loop3A_364 = arith.constant 16 : i32
      %parallel_loop3A_365 = arith.muli %parallel_loop3A_26, %parallel_loop3A_364 : i32
      %parallel_loop3A_366 = arith.constant 5 : i32
      %parallel_loop3A_367 = arith.constant 2 : i32
      %parallel_loop3A_368 = arith.index_cast %parallel_loop3A_366 : i32 to index
      %parallel_loop3A_369 = arith.index_cast %parallel_loop3A_367 : i32 to index
      %parallel_loop3A_370 = arith.index_cast %parallel_loop3A_365 : i32 to index
      %parallel_loop3A_371 = tpu.vector_load %arg5[%parallel_loop3A_368, %parallel_loop3A_369, %parallel_loop3A_370] {strides = array<i32>} : memref<26x4x128xi32, #tpu.memory_space<vmem>>, vector<16xi32>,
      %parallel_loop3A_372 = arith.constant 4 : i32
      %parallel_loop3A_373 = vector.broadcast %parallel_loop3A_372 : i32 to vector<16xi32>
      %parallel_loop3A_374 = arith.muli %parallel_loop3A_371, %parallel_loop3A_373 : vector<16xi32>
      %parallel_loop3A_375 = arith.addi %parallel_loop3A_33, %parallel_loop3A_374 : vector<16xi32>
      %parallel_loop3A_376 = arith.constant 2 : i32
      %parallel_loop3A_377 = vector.broadcast %parallel_loop3A_376 : i32 to vector<16xi32>
      %parallel_loop3A_378 = arith.addi %parallel_loop3A_375, %parallel_loop3A_377 : vector<16xi32>
      tpu.vector_store_idx %arg6[%parallel_loop3A_378], %broadcast_in_dim3A_19 {add = true} : memref<49152xf32, #tpu.memory_space<vmem>>[vector<16xi32>], vector<16xf32>,
      %parallel_loop3A_379 = arith.constant 16 : i32
      %parallel_loop3A_380 = arith.muli %parallel_loop3A_26, %parallel_loop3A_379 : i32
      %parallel_loop3A_381 = arith.constant 5 : i32
      %parallel_loop3A_382 = arith.constant 3 : i32
      %parallel_loop3A_383 = arith.index_cast %parallel_loop3A_381 : i32 to index
      %parallel_loop3A_384 = arith.index_cast %parallel_loop3A_382 : i32 to index
      %parallel_loop3A_385 = arith.index_cast %parallel_loop3A_380 : i32 to index
      %parallel_loop3A_386 = tpu.vector_load %arg5[%parallel_loop3A_383, %parallel_loop3A_384, %parallel_loop3A_385] {strides = array<i32>} : memref<26x4x128xi32, #tpu.memory_space<vmem>>, vector<16xi32>,
      %parallel_loop3A_387 = arith.constant 4 : i32
      %parallel_loop3A_388 = vector.broadcast %parallel_loop3A_387 : i32 to vector<16xi32>
      %parallel_loop3A_389 = arith.muli %parallel_loop3A_386, %parallel_loop3A_388 : vector<16xi32>
      %parallel_loop3A_390 = arith.addi %parallel_loop3A_33, %parallel_loop3A_389 : vector<16xi32>
      %parallel_loop3A_391 = arith.constant 3 : i32
      %parallel_loop3A_392 = vector.broadcast %parallel_loop3A_391 : i32 to vector<16xi32>
      %parallel_loop3A_393 = arith.addi %parallel_loop3A_390, %parallel_loop3A_392 : vector<16xi32>
      tpu.vector_store_idx %arg6[%parallel_loop3A_393], %broadcast_in_dim3A_19 {add = true} : memref<49152xf32, #tpu.memory_space<vmem>>[vector<16xi32>], vector<16xf32>,
      %parallel_loop3A_394 = arith.constant 16 : i32
      %parallel_loop3A_395 = arith.muli %parallel_loop3A_26, %parallel_loop3A_394 : i32
      %parallel_loop3A_396 = arith.constant 6 : i32
      %parallel_loop3A_397 = arith.constant 0 : i32
      %parallel_loop3A_398 = arith.index_cast %parallel_loop3A_396 : i32 to index
      %parallel_loop3A_399 = arith.index_cast %parallel_loop3A_397 : i32 to index
      %parallel_loop3A_400 = arith.index_cast %parallel_loop3A_395 : i32 to index
      %parallel_loop3A_401 = tpu.vector_load %arg5[%parallel_loop3A_398, %parallel_loop3A_399, %parallel_loop3A_400] {strides = array<i32>} : memref<26x4x128xi32, #tpu.memory_space<vmem>>, vector<16xi32>,
      %parallel_loop3A_402 = arith.constant 4 : i32
      %parallel_loop3A_403 = vector.broadcast %parallel_loop3A_402 : i32 to vector<16xi32>
      %parallel_loop3A_404 = arith.muli %parallel_loop3A_401, %parallel_loop3A_403 : vector<16xi32>
      %parallel_loop3A_405 = arith.addi %parallel_loop3A_33, %parallel_loop3A_404 : vector<16xi32>
      %parallel_loop3A_406 = arith.constant 0 : i32
      %parallel_loop3A_407 = vector.broadcast %parallel_loop3A_406 : i32 to vector<16xi32>
      %parallel_loop3A_408 = arith.addi %parallel_loop3A_405, %parallel_loop3A_407 : vector<16xi32>
      tpu.vector_store_idx %arg6[%parallel_loop3A_408], %broadcast_in_dim3A_19 {add = true} : memref<49152xf32, #tpu.memory_space<vmem>>[vector<16xi32>], vector<16xf32>,
      %parallel_loop3A_409 = arith.constant 16 : i32
      %parallel_loop3A_410 = arith.muli %parallel_loop3A_26, %parallel_loop3A_409 : i32
      %parallel_loop3A_411 = arith.constant 6 : i32
      %parallel_loop3A_412 = arith.constant 1 : i32
      %parallel_loop3A_413 = arith.index_cast %parallel_loop3A_411 : i32 to index
      %parallel_loop3A_414 = arith.index_cast %parallel_loop3A_412 : i32 to index
      %parallel_loop3A_415 = arith.index_cast %parallel_loop3A_410 : i32 to index
      %parallel_loop3A_416 = tpu.vector_load %arg5[%parallel_loop3A_413, %parallel_loop3A_414, %parallel_loop3A_415] {strides = array<i32>} : memref<26x4x128xi32, #tpu.memory_space<vmem>>, vector<16xi32>,
      %parallel_loop3A_417 = arith.constant 4 : i32
      %parallel_loop3A_418 = vector.broadcast %parallel_loop3A_417 : i32 to vector<16xi32>
      %parallel_loop3A_419 = arith.muli %parallel_loop3A_416, %parallel_loop3A_418 : vector<16xi32>
      %parallel_loop3A_420 = arith.addi %parallel_loop3A_33, %parallel_loop3A_419 : vector<16xi32>
      %parallel_loop3A_421 = arith.constant 1 : i32
      %parallel_loop3A_422 = vector.broadcast %parallel_loop3A_421 : i32 to vector<16xi32>
      %parallel_loop3A_423 = arith.addi %parallel_loop3A_420, %parallel_loop3A_422 : vector<16xi32>
      tpu.vector_store_idx %arg6[%parallel_loop3A_423], %broadcast_in_dim3A_19 {add = true} : memref<49152xf32, #tpu.memory_space<vmem>>[vector<16xi32>], vector<16xf32>,
      %parallel_loop3A_424 = arith.constant 16 : i32
      %parallel_loop3A_425 = arith.muli %parallel_loop3A_26, %parallel_loop3A_424 : i32
      %parallel_loop3A_426 = arith.constant 6 : i32
      %parallel_loop3A_427 = arith.constant 2 : i32
      %parallel_loop3A_428 = arith.index_cast %parallel_loop3A_426 : i32 to index
      %parallel_loop3A_429 = arith.index_cast %parallel_loop3A_427 : i32 to index
      %parallel_loop3A_430 = arith.index_cast %parallel_loop3A_425 : i32 to index
      %parallel_loop3A_431 = tpu.vector_load %arg5[%parallel_loop3A_428, %parallel_loop3A_429, %parallel_loop3A_430] {strides = array<i32>} : memref<26x4x128xi32, #tpu.memory_space<vmem>>, vector<16xi32>,
      %parallel_loop3A_432 = arith.constant 4 : i32
      %parallel_loop3A_433 = vector.broadcast %parallel_loop3A_432 : i32 to vector<16xi32>
      %parallel_loop3A_434 = arith.muli %parallel_loop3A_431, %parallel_loop3A_433 : vector<16xi32>
      %parallel_loop3A_435 = arith.addi %parallel_loop3A_33, %parallel_loop3A_434 : vector<16xi32>
      %parallel_loop3A_436 = arith.constant 2 : i32
      %parallel_loop3A_437 = vector.broadcast %parallel_loop3A_436 : i32 to vector<16xi32>
      %parallel_loop3A_438 = arith.addi %parallel_loop3A_435, %parallel_loop3A_437 : vector<16xi32>
      tpu.vector_store_idx %arg6[%parallel_loop3A_438], %broadcast_in_dim3A_19 {add = true} : memref<49152xf32, #tpu.memory_space<vmem>>[vector<16xi32>], vector<16xf32>,
      %parallel_loop3A_439 = arith.constant 16 : i32
      %parallel_loop3A_440 = arith.muli %parallel_loop3A_26, %parallel_loop3A_439 : i32
      %parallel_loop3A_441 = arith.constant 6 : i32
      %parallel_loop3A_442 = arith.constant 3 : i32
      %parallel_loop3A_443 = arith.index_cast %parallel_loop3A_441 : i32 to index
      %parallel_loop3A_444 = arith.index_cast %parallel_loop3A_442 : i32 to index
      %parallel_loop3A_445 = arith.index_cast %parallel_loop3A_440 : i32 to index
      %parallel_loop3A_446 = tpu.vector_load %arg5[%parallel_loop3A_443, %parallel_loop3A_444, %parallel_loop3A_445] {strides = array<i32>} : memref<26x4x128xi32, #tpu.memory_space<vmem>>, vector<16xi32>,
      %parallel_loop3A_447 = arith.constant 4 : i32
      %parallel_loop3A_448 = vector.broadcast %parallel_loop3A_447 : i32 to vector<16xi32>
      %parallel_loop3A_449 = arith.muli %parallel_loop3A_446, %parallel_loop3A_448 : vector<16xi32>
      %parallel_loop3A_450 = arith.addi %parallel_loop3A_33, %parallel_loop3A_449 : vector<16xi32>
      %parallel_loop3A_451 = arith.constant 3 : i32
      %parallel_loop3A_452 = vector.broadcast %parallel_loop3A_451 : i32 to vector<16xi32>
      %parallel_loop3A_453 = arith.addi %parallel_loop3A_450, %parallel_loop3A_452 : vector<16xi32>
      tpu.vector_store_idx %arg6[%parallel_loop3A_453], %broadcast_in_dim3A_19 {add = true} : memref<49152xf32, #tpu.memory_space<vmem>>[vector<16xi32>], vector<16xf32>,
      %parallel_loop3A_454 = arith.constant 16 : i32
      %parallel_loop3A_455 = arith.muli %parallel_loop3A_26, %parallel_loop3A_454 : i32
      %parallel_loop3A_456 = arith.constant 7 : i32
      %parallel_loop3A_457 = arith.constant 0 : i32
      %parallel_loop3A_458 = arith.index_cast %parallel_loop3A_456 : i32 to index
      %parallel_loop3A_459 = arith.index_cast %parallel_loop3A_457 : i32 to index
      %parallel_loop3A_460 = arith.index_cast %parallel_loop3A_455 : i32 to index
      %parallel_loop3A_461 = tpu.vector_load %arg5[%parallel_loop3A_458, %parallel_loop3A_459, %parallel_loop3A_460] {strides = array<i32>} : memref<26x4x128xi32, #tpu.memory_space<vmem>>, vector<16xi32>,
      %parallel_loop3A_462 = arith.constant 4 : i32
      %parallel_loop3A_463 = vector.broadcast %parallel_loop3A_462 : i32 to vector<16xi32>
      %parallel_loop3A_464 = arith.muli %parallel_loop3A_461, %parallel_loop3A_463 : vector<16xi32>
      %parallel_loop3A_465 = arith.addi %parallel_loop3A_33, %parallel_loop3A_464 : vector<16xi32>
      %parallel_loop3A_466 = arith.constant 0 : i32
      %parallel_loop3A_467 = vector.broadcast %parallel_loop3A_466 : i32 to vector<16xi32>
      %parallel_loop3A_468 = arith.addi %parallel_loop3A_465, %parallel_loop3A_467 : vector<16xi32>
      tpu.vector_store_idx %arg6[%parallel_loop3A_468], %broadcast_in_dim3A_19 {add = true} : memref<49152xf32, #tpu.memory_space<vmem>>[vector<16xi32>], vector<16xf32>,
      %parallel_loop3A_469 = arith.constant 16 : i32
      %parallel_loop3A_470 = arith.muli %parallel_loop3A_26, %parallel_loop3A_469 : i32
      %parallel_loop3A_471 = arith.constant 7 : i32
      %parallel_loop3A_472 = arith.constant 1 : i32
      %parallel_loop3A_473 = arith.index_cast %parallel_loop3A_471 : i32 to index
      %parallel_loop3A_474 = arith.index_cast %parallel_loop3A_472 : i32 to index
      %parallel_loop3A_475 = arith.index_cast %parallel_loop3A_470 : i32 to index
      %parallel_loop3A_476 = tpu.vector_load %arg5[%parallel_loop3A_473, %parallel_loop3A_474, %parallel_loop3A_475] {strides = array<i32>} : memref<26x4x128xi32, #tpu.memory_space<vmem>>, vector<16xi32>,
      %parallel_loop3A_477 = arith.constant 4 : i32
      %parallel_loop3A_478 = vector.broadcast %parallel_loop3A_477 : i32 to vector<16xi32>
      %parallel_loop3A_479 = arith.muli %parallel_loop3A_476, %parallel_loop3A_478 : vector<16xi32>
      %parallel_loop3A_480 = arith.addi %parallel_loop3A_33, %parallel_loop3A_479 : vector<16xi32>
      %parallel_loop3A_481 = arith.constant 1 : i32
      %parallel_loop3A_482 = vector.broadcast %parallel_loop3A_481 : i32 to vector<16xi32>
      %parallel_loop3A_483 = arith.addi %parallel_loop3A_480, %parallel_loop3A_482 : vector<16xi32>
      tpu.vector_store_idx %arg6[%parallel_loop3A_483], %broadcast_in_dim3A_19 {add = true} : memref<49152xf32, #tpu.memory_space<vmem>>[vector<16xi32>], vector<16xf32>,
      %parallel_loop3A_484 = arith.constant 16 : i32
      %parallel_loop3A_485 = arith.muli %parallel_loop3A_26, %parallel_loop3A_484 : i32
      %parallel_loop3A_486 = arith.constant 7 : i32
      %parallel_loop3A_487 = arith.constant 2 : i32
      %parallel_loop3A_488 = arith.index_cast %parallel_loop3A_486 : i32 to index
      %parallel_loop3A_489 = arith.index_cast %parallel_loop3A_487 : i32 to index
      %parallel_loop3A_490 = arith.index_cast %parallel_loop3A_485 : i32 to index
      %parallel_loop3A_491 = tpu.vector_load %arg5[%parallel_loop3A_488, %parallel_loop3A_489, %parallel_loop3A_490] {strides = array<i32>} : memref<26x4x128xi32, #tpu.memory_space<vmem>>, vector<16xi32>,
      %parallel_loop3A_492 = arith.constant 4 : i32
      %parallel_loop3A_493 = vector.broadcast %parallel_loop3A_492 : i32 to vector<16xi32>
      %parallel_loop3A_494 = arith.muli %parallel_loop3A_491, %parallel_loop3A_493 : vector<16xi32>
      %parallel_loop3A_495 = arith.addi %parallel_loop3A_33, %parallel_loop3A_494 : vector<16xi32>
      %parallel_loop3A_496 = arith.constant 2 : i32
      %parallel_loop3A_497 = vector.broadcast %parallel_loop3A_496 : i32 to vector<16xi32>
      %parallel_loop3A_498 = arith.addi %parallel_loop3A_495, %parallel_loop3A_497 : vector<16xi32>
      tpu.vector_store_idx %arg6[%parallel_loop3A_498], %broadcast_in_dim3A_19 {add = true} : memref<49152xf32, #tpu.memory_space<vmem>>[vector<16xi32>], vector<16xf32>,
      %parallel_loop3A_499 = arith.constant 16 : i32
      %parallel_loop3A_500 = arith.muli %parallel_loop3A_26, %parallel_loop3A_499 : i32
      %parallel_loop3A_501 = arith.constant 7 : i32
      %parallel_loop3A_502 = arith.constant 3 : i32
      %parallel_loop3A_503 = arith.index_cast %parallel_loop3A_501 : i32 to index
      %parallel_loop3A_504 = arith.index_cast %parallel_loop3A_502 : i32 to index
      %parallel_loop3A_505 = arith.index_cast %parallel_loop3A_500 : i32 to index
      %parallel_loop3A_506 = tpu.vector_load %arg5[%parallel_loop3A_503, %parallel_loop3A_504, %parallel_loop3A_505] {strides = array<i32>} : memref<26x4x128xi32, #tpu.memory_space<vmem>>, vector<16xi32>,
      %parallel_loop3A_507 = arith.constant 4 : i32
      %parallel_loop3A_508 = vector.broadcast %parallel_loop3A_507 : i32 to vector<16xi32>
      %parallel_loop3A_509 = arith.muli %parallel_loop3A_506, %parallel_loop3A_508 : vector<16xi32>
      %parallel_loop3A_510 = arith.addi %parallel_loop3A_33, %parallel_loop3A_509 : vector<16xi32>
      %parallel_loop3A_511 = arith.constant 3 : i32
      %parallel_loop3A_512 = vector.broadcast %parallel_loop3A_511 : i32 to vector<16xi32>
      %parallel_loop3A_513 = arith.addi %parallel_loop3A_510, %parallel_loop3A_512 : vector<16xi32>
      tpu.vector_store_idx %arg6[%parallel_loop3A_513], %broadcast_in_dim3A_19 {add = true} : memref<49152xf32, #tpu.memory_space<vmem>>[vector<16xi32>], vector<16xf32>,
      %parallel_loop3A_514 = arith.constant 16 : i32
      %parallel_loop3A_515 = arith.muli %parallel_loop3A_26, %parallel_loop3A_514 : i32
      %parallel_loop3A_516 = arith.constant 8 : i32
      %parallel_loop3A_517 = arith.constant 0 : i32
      %parallel_loop3A_518 = arith.index_cast %parallel_loop3A_516 : i32 to index
      %parallel_loop3A_519 = arith.index_cast %parallel_loop3A_517 : i32 to index
      %parallel_loop3A_520 = arith.index_cast %parallel_loop3A_515 : i32 to index
      %parallel_loop3A_521 = tpu.vector_load %arg5[%parallel_loop3A_518, %parallel_loop3A_519, %parallel_loop3A_520] {strides = array<i32>} : memref<26x4x128xi32, #tpu.memory_space<vmem>>, vector<16xi32>,
      %parallel_loop3A_522 = arith.constant 4 : i32
      %parallel_loop3A_523 = vector.broadcast %parallel_loop3A_522 : i32 to vector<16xi32>
      %parallel_loop3A_524 = arith.muli %parallel_loop3A_521, %parallel_loop3A_523 : vector<16xi32>
      %parallel_loop3A_525 = arith.addi %parallel_loop3A_33, %parallel_loop3A_524 : vector<16xi32>
      %parallel_loop3A_526 = arith.constant 0 : i32
      %parallel_loop3A_527 = vector.broadcast %parallel_loop3A_526 : i32 to vector<16xi32>
      %parallel_loop3A_528 = arith.addi %parallel_loop3A_525, %parallel_loop3A_527 : vector<16xi32>
      tpu.vector_store_idx %arg6[%parallel_loop3A_528], %broadcast_in_dim3A_19 {add = true} : memref<49152xf32, #tpu.memory_space<vmem>>[vector<16xi32>], vector<16xf32>,
      %parallel_loop3A_529 = arith.constant 16 : i32
      %parallel_loop3A_530 = arith.muli %parallel_loop3A_26, %parallel_loop3A_529 : i32
      %parallel_loop3A_531 = arith.constant 8 : i32
      %parallel_loop3A_532 = arith.constant 1 : i32
      %parallel_loop3A_533 = arith.index_cast %parallel_loop3A_531 : i32 to index
      %parallel_loop3A_534 = arith.index_cast %parallel_loop3A_532 : i32 to index
      %parallel_loop3A_535 = arith.index_cast %parallel_loop3A_530 : i32 to index
      %parallel_loop3A_536 = tpu.vector_load %arg5[%parallel_loop3A_533, %parallel_loop3A_534, %parallel_loop3A_535] {strides = array<i32>} : memref<26x4x128xi32, #tpu.memory_space<vmem>>, vector<16xi32>,
      %parallel_loop3A_537 = arith.constant 4 : i32
      %parallel_loop3A_538 = vector.broadcast %parallel_loop3A_537 : i32 to vector<16xi32>
      %parallel_loop3A_539 = arith.muli %parallel_loop3A_536, %parallel_loop3A_538 : vector<16xi32>
      %parallel_loop3A_540 = arith.addi %parallel_loop3A_33, %parallel_loop3A_539 : vector<16xi32>
      %parallel_loop3A_541 = arith.constant 1 : i32
      %parallel_loop3A_542 = vector.broadcast %parallel_loop3A_541 : i32 to vector<16xi32>
      %parallel_loop3A_543 = arith.addi %parallel_loop3A_540, %parallel_loop3A_542 : vector<16xi32>
      tpu.vector_store_idx %arg6[%parallel_loop3A_543], %broadcast_in_dim3A_19 {add = true} : memref<49152xf32, #tpu.memory_space<vmem>>[vector<16xi32>], vector<16xf32>,
      %parallel_loop3A_544 = arith.constant 16 : i32
      %parallel_loop3A_545 = arith.muli %parallel_loop3A_26, %parallel_loop3A_544 : i32
      %parallel_loop3A_546 = arith.constant 8 : i32
      %parallel_loop3A_547 = arith.constant 2 : i32
      %parallel_loop3A_548 = arith.index_cast %parallel_loop3A_546 : i32 to index
      %parallel_loop3A_549 = arith.index_cast %parallel_loop3A_547 : i32 to index
      %parallel_loop3A_550 = arith.index_cast %parallel_loop3A_545 : i32 to index
      %parallel_loop3A_551 = tpu.vector_load %arg5[%parallel_loop3A_548, %parallel_loop3A_549, %parallel_loop3A_550] {strides = array<i32>} : memref<26x4x128xi32, #tpu.memory_space<vmem>>, vector<16xi32>,
      %parallel_loop3A_552 = arith.constant 4 : i32
      %parallel_loop3A_553 = vector.broadcast %parallel_loop3A_552 : i32 to vector<16xi32>
      %parallel_loop3A_554 = arith.muli %parallel_loop3A_551, %parallel_loop3A_553 : vector<16xi32>
      %parallel_loop3A_555 = arith.addi %parallel_loop3A_33, %parallel_loop3A_554 : vector<16xi32>
      %parallel_loop3A_556 = arith.constant 2 : i32
      %parallel_loop3A_557 = vector.broadcast %parallel_loop3A_556 : i32 to vector<16xi32>
      %parallel_loop3A_558 = arith.addi %parallel_loop3A_555, %parallel_loop3A_557 : vector<16xi32>
      tpu.vector_store_idx %arg6[%parallel_loop3A_558], %broadcast_in_dim3A_19 {add = true} : memref<49152xf32, #tpu.memory_space<vmem>>[vector<16xi32>], vector<16xf32>,
      %parallel_loop3A_559 = arith.constant 16 : i32
      %parallel_loop3A_560 = arith.muli %parallel_loop3A_26, %parallel_loop3A_559 : i32
      %parallel_loop3A_561 = arith.constant 8 : i32
      %parallel_loop3A_562 = arith.constant 3 : i32
      %parallel_loop3A_563 = arith.index_cast %parallel_loop3A_561 : i32 to index
      %parallel_loop3A_564 = arith.index_cast %parallel_loop3A_562 : i32 to index
      %parallel_loop3A_565 = arith.index_cast %parallel_loop3A_560 : i32 to index
      %parallel_loop3A_566 = tpu.vector_load %arg5[%parallel_loop3A_563, %parallel_loop3A_564, %parallel_loop3A_565] {strides = array<i32>} : memref<26x4x128xi32, #tpu.memory_space<vmem>>, vector<16xi32>,
      %parallel_loop3A_567 = arith.constant 4 : i32
      %parallel_loop3A_568 = vector.broadcast %parallel_loop3A_567 : i32 to vector<16xi32>
      %parallel_loop3A_569 = arith.muli %parallel_loop3A_566, %parallel_loop3A_568 : vector<16xi32>
      %parallel_loop3A_570 = arith.addi %parallel_loop3A_33, %parallel_loop3A_569 : vector<16xi32>
      %parallel_loop3A_571 = arith.constant 3 : i32
      %parallel_loop3A_572 = vector.broadcast %parallel_loop3A_571 : i32 to vector<16xi32>
      %parallel_loop3A_573 = arith.addi %parallel_loop3A_570, %parallel_loop3A_572 : vector<16xi32>
      tpu.vector_store_idx %arg6[%parallel_loop3A_573], %broadcast_in_dim3A_19 {add = true} : memref<49152xf32, #tpu.memory_space<vmem>>[vector<16xi32>], vector<16xf32>,
      %parallel_loop3A_574 = arith.constant 16 : i32
      %parallel_loop3A_575 = arith.muli %parallel_loop3A_26, %parallel_loop3A_574 : i32
      %parallel_loop3A_576 = arith.constant 9 : i32
      %parallel_loop3A_577 = arith.constant 0 : i32
      %parallel_loop3A_578 = arith.index_cast %parallel_loop3A_576 : i32 to index
      %parallel_loop3A_579 = arith.index_cast %parallel_loop3A_577 : i32 to index
      %parallel_loop3A_580 = arith.index_cast %parallel_loop3A_575 : i32 to index
      %parallel_loop3A_581 = tpu.vector_load %arg5[%parallel_loop3A_578, %parallel_loop3A_579, %parallel_loop3A_580] {strides = array<i32>} : memref<26x4x128xi32, #tpu.memory_space<vmem>>, vector<16xi32>,
      %parallel_loop3A_582 = arith.constant 4 : i32
      %parallel_loop3A_583 = vector.broadcast %parallel_loop3A_582 : i32 to vector<16xi32>
      %parallel_loop3A_584 = arith.muli %parallel_loop3A_581, %parallel_loop3A_583 : vector<16xi32>
      %parallel_loop3A_585 = arith.addi %parallel_loop3A_33, %parallel_loop3A_584 : vector<16xi32>
      %parallel_loop3A_586 = arith.constant 0 : i32
      %parallel_loop3A_587 = vector.broadcast %parallel_loop3A_586 : i32 to vector<16xi32>
      %parallel_loop3A_588 = arith.addi %parallel_loop3A_585, %parallel_loop3A_587 : vector<16xi32>
      tpu.vector_store_idx %arg6[%parallel_loop3A_588], %broadcast_in_dim3A_19 {add = true} : memref<49152xf32, #tpu.memory_space<vmem>>[vector<16xi32>], vector<16xf32>,
      %parallel_loop3A_589 = arith.constant 16 : i32
      %parallel_loop3A_590 = arith.muli %parallel_loop3A_26, %parallel_loop3A_589 : i32
      %parallel_loop3A_591 = arith.constant 9 : i32
      %parallel_loop3A_592 = arith.constant 1 : i32
      %parallel_loop3A_593 = arith.index_cast %parallel_loop3A_591 : i32 to index
      %parallel_loop3A_594 = arith.index_cast %parallel_loop3A_592 : i32 to index
      %parallel_loop3A_595 = arith.index_cast %parallel_loop3A_590 : i32 to index
      %parallel_loop3A_596 = tpu.vector_load %arg5[%parallel_loop3A_593, %parallel_loop3A_594, %parallel_loop3A_595] {strides = array<i32>} : memref<26x4x128xi32, #tpu.memory_space<vmem>>, vector<16xi32>,
      %parallel_loop3A_597 = arith.constant 4 : i32
      %parallel_loop3A_598 = vector.broadcast %parallel_loop3A_597 : i32 to vector<16xi32>
      %parallel_loop3A_599 = arith.muli %parallel_loop3A_596, %parallel_loop3A_598 : vector<16xi32>
      %parallel_loop3A_600 = arith.addi %parallel_loop3A_33, %parallel_loop3A_599 : vector<16xi32>
      %parallel_loop3A_601 = arith.constant 1 : i32
      %parallel_loop3A_602 = vector.broadcast %parallel_loop3A_601 : i32 to vector<16xi32>
      %parallel_loop3A_603 = arith.addi %parallel_loop3A_600, %parallel_loop3A_602 : vector<16xi32>
      tpu.vector_store_idx %arg6[%parallel_loop3A_603], %broadcast_in_dim3A_19 {add = true} : memref<49152xf32, #tpu.memory_space<vmem>>[vector<16xi32>], vector<16xf32>,
      %parallel_loop3A_604 = arith.constant 16 : i32
      %parallel_loop3A_605 = arith.muli %parallel_loop3A_26, %parallel_loop3A_604 : i32
      %parallel_loop3A_606 = arith.constant 9 : i32
      %parallel_loop3A_607 = arith.constant 2 : i32
      %parallel_loop3A_608 = arith.index_cast %parallel_loop3A_606 : i32 to index
      %parallel_loop3A_609 = arith.index_cast %parallel_loop3A_607 : i32 to index
      %parallel_loop3A_610 = arith.index_cast %parallel_loop3A_605 : i32 to index
      %parallel_loop3A_611 = tpu.vector_load %arg5[%parallel_loop3A_608, %parallel_loop3A_609, %parallel_loop3A_610] {strides = array<i32>} : memref<26x4x128xi32, #tpu.memory_space<vmem>>, vector<16xi32>,
      %parallel_loop3A_612 = arith.constant 4 : i32
      %parallel_loop3A_613 = vector.broadcast %parallel_loop3A_612 : i32 to vector<16xi32>
      %parallel_loop3A_614 = arith.muli %parallel_loop3A_611, %parallel_loop3A_613 : vector<16xi32>
      %parallel_loop3A_615 = arith.addi %parallel_loop3A_33, %parallel_loop3A_614 : vector<16xi32>
      %parallel_loop3A_616 = arith.constant 2 : i32
      %parallel_loop3A_617 = vector.broadcast %parallel_loop3A_616 : i32 to vector<16xi32>
      %parallel_loop3A_618 = arith.addi %parallel_loop3A_615, %parallel_loop3A_617 : vector<16xi32>
      tpu.vector_store_idx %arg6[%parallel_loop3A_618], %broadcast_in_dim3A_19 {add = true} : memref<49152xf32, #tpu.memory_space<vmem>>[vector<16xi32>], vector<16xf32>,
      %parallel_loop3A_619 = arith.constant 16 : i32
      %parallel_loop3A_620 = arith.muli %parallel_loop3A_26, %parallel_loop3A_619 : i32
      %parallel_loop3A_621 = arith.constant 9 : i32
      %parallel_loop3A_622 = arith.constant 3 : i32
      %parallel_loop3A_623 = arith.index_cast %parallel_loop3A_621 : i32 to index
      %parallel_loop3A_624 = arith.index_cast %parallel_loop3A_622 : i32 to index
      %parallel_loop3A_625 = arith.index_cast %parallel_loop3A_620 : i32 to index
      %parallel_loop3A_626 = tpu.vector_load %arg5[%parallel_loop3A_623, %parallel_loop3A_624, %parallel_loop3A_625] {strides = array<i32>} : memref<26x4x128xi32, #tpu.memory_space<vmem>>, vector<16xi32>,
      %parallel_loop3A_627 = arith.constant 4 : i32
      %parallel_loop3A_628 = vector.broadcast %parallel_loop3A_627 : i32 to vector<16xi32>
      %parallel_loop3A_629 = arith.muli %parallel_loop3A_626, %parallel_loop3A_628 : vector<16xi32>
      %parallel_loop3A_630 = arith.addi %parallel_loop3A_33, %parallel_loop3A_629 : vector<16xi32>
      %parallel_loop3A_631 = arith.constant 3 : i32
      %parallel_loop3A_632 = vector.broadcast %parallel_loop3A_631 : i32 to vector<16xi32>
      %parallel_loop3A_633 = arith.addi %parallel_loop3A_630, %parallel_loop3A_632 : vector<16xi32>
      tpu.vector_store_idx %arg6[%parallel_loop3A_633], %broadcast_in_dim3A_19 {add = true} : memref<49152xf32, #tpu.memory_space<vmem>>[vector<16xi32>], vector<16xf32>,
      %parallel_loop3A_634 = arith.constant 16 : i32
      %parallel_loop3A_635 = arith.muli %parallel_loop3A_26, %parallel_loop3A_634 : i32
      %parallel_loop3A_636 = arith.constant 10 : i32
      %parallel_loop3A_637 = arith.constant 0 : i32
      %parallel_loop3A_638 = arith.index_cast %parallel_loop3A_636 : i32 to index
      %parallel_loop3A_639 = arith.index_cast %parallel_loop3A_637 : i32 to index
      %parallel_loop3A_640 = arith.index_cast %parallel_loop3A_635 : i32 to index
      %parallel_loop3A_641 = tpu.vector_load %arg5[%parallel_loop3A_638, %parallel_loop3A_639, %parallel_loop3A_640] {strides = array<i32>} : memref<26x4x128xi32, #tpu.memory_space<vmem>>, vector<16xi32>,
      %parallel_loop3A_642 = arith.constant 4 : i32
      %parallel_loop3A_643 = vector.broadcast %parallel_loop3A_642 : i32 to vector<16xi32>
      %parallel_loop3A_644 = arith.muli %parallel_loop3A_641, %parallel_loop3A_643 : vector<16xi32>
      %parallel_loop3A_645 = arith.addi %parallel_loop3A_33, %parallel_loop3A_644 : vector<16xi32>
      %parallel_loop3A_646 = arith.constant 0 : i32
      %parallel_loop3A_647 = vector.broadcast %parallel_loop3A_646 : i32 to vector<16xi32>
      %parallel_loop3A_648 = arith.addi %parallel_loop3A_645, %parallel_loop3A_647 : vector<16xi32>
      tpu.vector_store_idx %arg6[%parallel_loop3A_648], %broadcast_in_dim3A_19 {add = true} : memref<49152xf32, #tpu.memory_space<vmem>>[vector<16xi32>], vector<16xf32>,
      %parallel_loop3A_649 = arith.constant 16 : i32
      %parallel_loop3A_650 = arith.muli %parallel_loop3A_26, %parallel_loop3A_649 : i32
      %parallel_loop3A_651 = arith.constant 10 : i32
      %parallel_loop3A_652 = arith.constant 1 : i32
      %parallel_loop3A_653 = arith.index_cast %parallel_loop3A_651 : i32 to index
      %parallel_loop3A_654 = arith.index_cast %parallel_loop3A_652 : i32 to index
      %parallel_loop3A_655 = arith.index_cast %parallel_loop3A_650 : i32 to index
      %parallel_loop3A_656 = tpu.vector_load %arg5[%parallel_loop3A_653, %parallel_loop3A_654, %parallel_loop3A_655] {strides = array<i32>} : memref<26x4x128xi32, #tpu.memory_space<vmem>>, vector<16xi32>,
      %parallel_loop3A_657 = arith.constant 4 : i32
      %parallel_loop3A_658 = vector.broadcast %parallel_loop3A_657 : i32 to vector<16xi32>
      %parallel_loop3A_659 = arith.muli %parallel_loop3A_656, %parallel_loop3A_658 : vector<16xi32>
      %parallel_loop3A_660 = arith.addi %parallel_loop3A_33, %parallel_loop3A_659 : vector<16xi32>
      %parallel_loop3A_661 = arith.constant 1 : i32
      %parallel_loop3A_662 = vector.broadcast %parallel_loop3A_661 : i32 to vector<16xi32>
      %parallel_loop3A_663 = arith.addi %parallel_loop3A_660, %parallel_loop3A_662 : vector<16xi32>
      tpu.vector_store_idx %arg6[%parallel_loop3A_663], %broadcast_in_dim3A_19 {add = true} : memref<49152xf32, #tpu.memory_space<vmem>>[vector<16xi32>], vector<16xf32>,
      %parallel_loop3A_664 = arith.constant 16 : i32
      %parallel_loop3A_665 = arith.muli %parallel_loop3A_26, %parallel_loop3A_664 : i32
      %parallel_loop3A_666 = arith.constant 10 : i32
      %parallel_loop3A_667 = arith.constant 2 : i32
      %parallel_loop3A_668 = arith.index_cast %parallel_loop3A_666 : i32 to index
      %parallel_loop3A_669 = arith.index_cast %parallel_loop3A_667 : i32 to index
      %parallel_loop3A_670 = arith.index_cast %parallel_loop3A_665 : i32 to index
      %parallel_loop3A_671 = tpu.vector_load %arg5[%parallel_loop3A_668, %parallel_loop3A_669, %parallel_loop3A_670] {strides = array<i32>} : memref<26x4x128xi32, #tpu.memory_space<vmem>>, vector<16xi32>,
      %parallel_loop3A_672 = arith.constant 4 : i32
      %parallel_loop3A_673 = vector.broadcast %parallel_loop3A_672 : i32 to vector<16xi32>
      %parallel_loop3A_674 = arith.muli %parallel_loop3A_671, %parallel_loop3A_673 : vector<16xi32>
      %parallel_loop3A_675 = arith.addi %parallel_loop3A_33, %parallel_loop3A_674 : vector<16xi32>
      %parallel_loop3A_676 = arith.constant 2 : i32
      %parallel_loop3A_677 = vector.broadcast %parallel_loop3A_676 : i32 to vector<16xi32>
      %parallel_loop3A_678 = arith.addi %parallel_loop3A_675, %parallel_loop3A_677 : vector<16xi32>
      tpu.vector_store_idx %arg6[%parallel_loop3A_678], %broadcast_in_dim3A_19 {add = true} : memref<49152xf32, #tpu.memory_space<vmem>>[vector<16xi32>], vector<16xf32>,
      %parallel_loop3A_679 = arith.constant 16 : i32
      %parallel_loop3A_680 = arith.muli %parallel_loop3A_26, %parallel_loop3A_679 : i32
      %parallel_loop3A_681 = arith.constant 10 : i32
      %parallel_loop3A_682 = arith.constant 3 : i32
      %parallel_loop3A_683 = arith.index_cast %parallel_loop3A_681 : i32 to index
      %parallel_loop3A_684 = arith.index_cast %parallel_loop3A_682 : i32 to index
      %parallel_loop3A_685 = arith.index_cast %parallel_loop3A_680 : i32 to index
      %parallel_loop3A_686 = tpu.vector_load %arg5[%parallel_loop3A_683, %parallel_loop3A_684, %parallel_loop3A_685] {strides = array<i32>} : memref<26x4x128xi32, #tpu.memory_space<vmem>>, vector<16xi32>,
      %parallel_loop3A_687 = arith.constant 4 : i32
      %parallel_loop3A_688 = vector.broadcast %parallel_loop3A_687 : i32 to vector<16xi32>
      %parallel_loop3A_689 = arith.muli %parallel_loop3A_686, %parallel_loop3A_688 : vector<16xi32>
      %parallel_loop3A_690 = arith.addi %parallel_loop3A_33, %parallel_loop3A_689 : vector<16xi32>
      %parallel_loop3A_691 = arith.constant 3 : i32
      %parallel_loop3A_692 = vector.broadcast %parallel_loop3A_691 : i32 to vector<16xi32>
      %parallel_loop3A_693 = arith.addi %parallel_loop3A_690, %parallel_loop3A_692 : vector<16xi32>
      tpu.vector_store_idx %arg6[%parallel_loop3A_693], %broadcast_in_dim3A_19 {add = true} : memref<49152xf32, #tpu.memory_space<vmem>>[vector<16xi32>], vector<16xf32>,
      %parallel_loop3A_694 = arith.constant 16 : i32
      %parallel_loop3A_695 = arith.muli %parallel_loop3A_26, %parallel_loop3A_694 : i32
      %parallel_loop3A_696 = arith.constant 11 : i32
      %parallel_loop3A_697 = arith.constant 0 : i32
      %parallel_loop3A_698 = arith.index_cast %parallel_loop3A_696 : i32 to index
      %parallel_loop3A_699 = arith.index_cast %parallel_loop3A_697 : i32 to index
      %parallel_loop3A_700 = arith.index_cast %parallel_loop3A_695 : i32 to index
      %parallel_loop3A_701 = tpu.vector_load %arg5[%parallel_loop3A_698, %parallel_loop3A_699, %parallel_loop3A_700] {strides = array<i32>} : memref<26x4x128xi32, #tpu.memory_space<vmem>>, vector<16xi32>,
      %parallel_loop3A_702 = arith.constant 4 : i32
      %parallel_loop3A_703 = vector.broadcast %parallel_loop3A_702 : i32 to vector<16xi32>
      %parallel_loop3A_704 = arith.muli %parallel_loop3A_701, %parallel_loop3A_703 : vector<16xi32>
      %parallel_loop3A_705 = arith.addi %parallel_loop3A_33, %parallel_loop3A_704 : vector<16xi32>
      %parallel_loop3A_706 = arith.constant 0 : i32
      %parallel_loop3A_707 = vector.broadcast %parallel_loop3A_706 : i32 to vector<16xi32>
      %parallel_loop3A_708 = arith.addi %parallel_loop3A_705, %parallel_loop3A_707 : vector<16xi32>
      tpu.vector_store_idx %arg6[%parallel_loop3A_708], %broadcast_in_dim3A_19 {add = true} : memref<49152xf32, #tpu.memory_space<vmem>>[vector<16xi32>], vector<16xf32>,
      %parallel_loop3A_709 = arith.constant 16 : i32
      %parallel_loop3A_710 = arith.muli %parallel_loop3A_26, %parallel_loop3A_709 : i32
      %parallel_loop3A_711 = arith.constant 11 : i32
      %parallel_loop3A_712 = arith.constant 1 : i32
      %parallel_loop3A_713 = arith.index_cast %parallel_loop3A_711 : i32 to index
      %parallel_loop3A_714 = arith.index_cast %parallel_loop3A_712 : i32 to index
      %parallel_loop3A_715 = arith.index_cast %parallel_loop3A_710 : i32 to index
      %parallel_loop3A_716 = tpu.vector_load %arg5[%parallel_loop3A_713, %parallel_loop3A_714, %parallel_loop3A_715] {strides = array<i32>} : memref<26x4x128xi32, #tpu.memory_space<vmem>>, vector<16xi32>,
      %parallel_loop3A_717 = arith.constant 4 : i32
      %parallel_loop3A_718 = vector.broadcast %parallel_loop3A_717 : i32 to vector<16xi32>
      %parallel_loop3A_719 = arith.muli %parallel_loop3A_716, %parallel_loop3A_718 : vector<16xi32>
      %parallel_loop3A_720 = arith.addi %parallel_loop3A_33, %parallel_loop3A_719 : vector<16xi32>
      %parallel_loop3A_721 = arith.constant 1 : i32
      %parallel_loop3A_722 = vector.broadcast %parallel_loop3A_721 : i32 to vector<16xi32>
      %parallel_loop3A_723 = arith.addi %parallel_loop3A_720, %parallel_loop3A_722 : vector<16xi32>
      tpu.vector_store_idx %arg6[%parallel_loop3A_723], %broadcast_in_dim3A_19 {add = true} : memref<49152xf32, #tpu.memory_space<vmem>>[vector<16xi32>], vector<16xf32>,
      %parallel_loop3A_724 = arith.constant 16 : i32
      %parallel_loop3A_725 = arith.muli %parallel_loop3A_26, %parallel_loop3A_724 : i32
      %parallel_loop3A_726 = arith.constant 11 : i32
      %parallel_loop3A_727 = arith.constant 2 : i32
      %parallel_loop3A_728 = arith.index_cast %parallel_loop3A_726 : i32 to index
      %parallel_loop3A_729 = arith.index_cast %parallel_loop3A_727 : i32 to index
      %parallel_loop3A_730 = arith.index_cast %parallel_loop3A_725 : i32 to index
      %parallel_loop3A_731 = tpu.vector_load %arg5[%parallel_loop3A_728, %parallel_loop3A_729, %parallel_loop3A_730] {strides = array<i32>} : memref<26x4x128xi32, #tpu.memory_space<vmem>>, vector<16xi32>,
      %parallel_loop3A_732 = arith.constant 4 : i32
      %parallel_loop3A_733 = vector.broadcast %parallel_loop3A_732 : i32 to vector<16xi32>
      %parallel_loop3A_734 = arith.muli %parallel_loop3A_731, %parallel_loop3A_733 : vector<16xi32>
      %parallel_loop3A_735 = arith.addi %parallel_loop3A_33, %parallel_loop3A_734 : vector<16xi32>
      %parallel_loop3A_736 = arith.constant 2 : i32
      %parallel_loop3A_737 = vector.broadcast %parallel_loop3A_736 : i32 to vector<16xi32>
      %parallel_loop3A_738 = arith.addi %parallel_loop3A_735, %parallel_loop3A_737 : vector<16xi32>
      tpu.vector_store_idx %arg6[%parallel_loop3A_738], %broadcast_in_dim3A_19 {add = true} : memref<49152xf32, #tpu.memory_space<vmem>>[vector<16xi32>], vector<16xf32>,
      %parallel_loop3A_739 = arith.constant 16 : i32
      %parallel_loop3A_740 = arith.muli %parallel_loop3A_26, %parallel_loop3A_739 : i32
      %parallel_loop3A_741 = arith.constant 11 : i32
      %parallel_loop3A_742 = arith.constant 3 : i32
      %parallel_loop3A_743 = arith.index_cast %parallel_loop3A_741 : i32 to index
      %parallel_loop3A_744 = arith.index_cast %parallel_loop3A_742 : i32 to index
      %parallel_loop3A_745 = arith.index_cast %parallel_loop3A_740 : i32 to index
      %parallel_loop3A_746 = tpu.vector_load %arg5[%parallel_loop3A_743, %parallel_loop3A_744, %parallel_loop3A_745] {strides = array<i32>} : memref<26x4x128xi32, #tpu.memory_space<vmem>>, vector<16xi32>,
      %parallel_loop3A_747 = arith.constant 4 : i32
      %parallel_loop3A_748 = vector.broadcast %parallel_loop3A_747 : i32 to vector<16xi32>
      %parallel_loop3A_749 = arith.muli %parallel_loop3A_746, %parallel_loop3A_748 : vector<16xi32>
      %parallel_loop3A_750 = arith.addi %parallel_loop3A_33, %parallel_loop3A_749 : vector<16xi32>
      %parallel_loop3A_751 = arith.constant 3 : i32
      %parallel_loop3A_752 = vector.broadcast %parallel_loop3A_751 : i32 to vector<16xi32>
      %parallel_loop3A_753 = arith.addi %parallel_loop3A_750, %parallel_loop3A_752 : vector<16xi32>
      tpu.vector_store_idx %arg6[%parallel_loop3A_753], %broadcast_in_dim3A_19 {add = true} : memref<49152xf32, #tpu.memory_space<vmem>>[vector<16xi32>], vector<16xf32>,
      %parallel_loop3A_754 = arith.constant 16 : i32
      %parallel_loop3A_755 = arith.muli %parallel_loop3A_26, %parallel_loop3A_754 : i32
      %parallel_loop3A_756 = arith.constant 12 : i32
      %parallel_loop3A_757 = arith.constant 0 : i32
      %parallel_loop3A_758 = arith.index_cast %parallel_loop3A_756 : i32 to index
      %parallel_loop3A_759 = arith.index_cast %parallel_loop3A_757 : i32 to index
      %parallel_loop3A_760 = arith.index_cast %parallel_loop3A_755 : i32 to index
      %parallel_loop3A_761 = tpu.vector_load %arg5[%parallel_loop3A_758, %parallel_loop3A_759, %parallel_loop3A_760] {strides = array<i32>} : memref<26x4x128xi32, #tpu.memory_space<vmem>>, vector<16xi32>,
      %parallel_loop3A_762 = arith.constant 4 : i32
      %parallel_loop3A_763 = vector.broadcast %parallel_loop3A_762 : i32 to vector<16xi32>
      %parallel_loop3A_764 = arith.muli %parallel_loop3A_761, %parallel_loop3A_763 : vector<16xi32>
      %parallel_loop3A_765 = arith.addi %parallel_loop3A_33, %parallel_loop3A_764 : vector<16xi32>
      %parallel_loop3A_766 = arith.constant 0 : i32
      %parallel_loop3A_767 = vector.broadcast %parallel_loop3A_766 : i32 to vector<16xi32>
      %parallel_loop3A_768 = arith.addi %parallel_loop3A_765, %parallel_loop3A_767 : vector<16xi32>
      tpu.vector_store_idx %arg6[%parallel_loop3A_768], %broadcast_in_dim3A_19 {add = true} : memref<49152xf32, #tpu.memory_space<vmem>>[vector<16xi32>], vector<16xf32>,
      %parallel_loop3A_769 = arith.constant 16 : i32
      %parallel_loop3A_770 = arith.muli %parallel_loop3A_26, %parallel_loop3A_769 : i32
      %parallel_loop3A_771 = arith.constant 12 : i32
      %parallel_loop3A_772 = arith.constant 1 : i32
      %parallel_loop3A_773 = arith.index_cast %parallel_loop3A_771 : i32 to index
      %parallel_loop3A_774 = arith.index_cast %parallel_loop3A_772 : i32 to index
      %parallel_loop3A_775 = arith.index_cast %parallel_loop3A_770 : i32 to index
      %parallel_loop3A_776 = tpu.vector_load %arg5[%parallel_loop3A_773, %parallel_loop3A_774, %parallel_loop3A_775] {strides = array<i32>} : memref<26x4x128xi32, #tpu.memory_space<vmem>>, vector<16xi32>,
      %parallel_loop3A_777 = arith.constant 4 : i32
      %parallel_loop3A_778 = vector.broadcast %parallel_loop3A_777 : i32 to vector<16xi32>
      %parallel_loop3A_779 = arith.muli %parallel_loop3A_776, %parallel_loop3A_778 : vector<16xi32>
      %parallel_loop3A_780 = arith.addi %parallel_loop3A_33, %parallel_loop3A_779 : vector<16xi32>
      %parallel_loop3A_781 = arith.constant 1 : i32
      %parallel_loop3A_782 = vector.broadcast %parallel_loop3A_781 : i32 to vector<16xi32>
      %parallel_loop3A_783 = arith.addi %parallel_loop3A_780, %parallel_loop3A_782 : vector<16xi32>
      tpu.vector_store_idx %arg6[%parallel_loop3A_783], %broadcast_in_dim3A_19 {add = true} : memref<49152xf32, #tpu.memory_space<vmem>>[vector<16xi32>], vector<16xf32>,
      %parallel_loop3A_784 = arith.constant 16 : i32
      %parallel_loop3A_785 = arith.muli %parallel_loop3A_26, %parallel_loop3A_784 : i32
      %parallel_loop3A_786 = arith.constant 12 : i32
      %parallel_loop3A_787 = arith.constant 2 : i32
      %parallel_loop3A_788 = arith.index_cast %parallel_loop3A_786 : i32 to index
      %parallel_loop3A_789 = arith.index_cast %parallel_loop3A_787 : i32 to index
      %parallel_loop3A_790 = arith.index_cast %parallel_loop3A_785 : i32 to index
      %parallel_loop3A_791 = tpu.vector_load %arg5[%parallel_loop3A_788, %parallel_loop3A_789, %parallel_loop3A_790] {strides = array<i32>} : memref<26x4x128xi32, #tpu.memory_space<vmem>>, vector<16xi32>,
      %parallel_loop3A_792 = arith.constant 4 : i32
      %parallel_loop3A_793 = vector.broadcast %parallel_loop3A_792 : i32 to vector<16xi32>
      %parallel_loop3A_794 = arith.muli %parallel_loop3A_791, %parallel_loop3A_793 : vector<16xi32>
      %parallel_loop3A_795 = arith.addi %parallel_loop3A_33, %parallel_loop3A_794 : vector<16xi32>
      %parallel_loop3A_796 = arith.constant 2 : i32
      %parallel_loop3A_797 = vector.broadcast %parallel_loop3A_796 : i32 to vector<16xi32>
      %parallel_loop3A_798 = arith.addi %parallel_loop3A_795, %parallel_loop3A_797 : vector<16xi32>
      tpu.vector_store_idx %arg6[%parallel_loop3A_798], %broadcast_in_dim3A_19 {add = true} : memref<49152xf32, #tpu.memory_space<vmem>>[vector<16xi32>], vector<16xf32>,
      %parallel_loop3A_799 = arith.constant 16 : i32
      %parallel_loop3A_800 = arith.muli %parallel_loop3A_26, %parallel_loop3A_799 : i32
      %parallel_loop3A_801 = arith.constant 12 : i32
      %parallel_loop3A_802 = arith.constant 3 : i32
      %parallel_loop3A_803 = arith.index_cast %parallel_loop3A_801 : i32 to index
      %parallel_loop3A_804 = arith.index_cast %parallel_loop3A_802 : i32 to index
      %parallel_loop3A_805 = arith.index_cast %parallel_loop3A_800 : i32 to index
      %parallel_loop3A_806 = tpu.vector_load %arg5[%parallel_loop3A_803, %parallel_loop3A_804, %parallel_loop3A_805] {strides = array<i32>} : memref<26x4x128xi32, #tpu.memory_space<vmem>>, vector<16xi32>,
      %parallel_loop3A_807 = arith.constant 4 : i32
      %parallel_loop3A_808 = vector.broadcast %parallel_loop3A_807 : i32 to vector<16xi32>
      %parallel_loop3A_809 = arith.muli %parallel_loop3A_806, %parallel_loop3A_808 : vector<16xi32>
      %parallel_loop3A_810 = arith.addi %parallel_loop3A_33, %parallel_loop3A_809 : vector<16xi32>
      %parallel_loop3A_811 = arith.constant 3 : i32
      %parallel_loop3A_812 = vector.broadcast %parallel_loop3A_811 : i32 to vector<16xi32>
      %parallel_loop3A_813 = arith.addi %parallel_loop3A_810, %parallel_loop3A_812 : vector<16xi32>
      tpu.vector_store_idx %arg6[%parallel_loop3A_813], %broadcast_in_dim3A_19 {add = true} : memref<49152xf32, #tpu.memory_space<vmem>>[vector<16xi32>], vector<16xf32>,
      %parallel_loop3A_814 = arith.constant 16 : i32
      %parallel_loop3A_815 = arith.muli %parallel_loop3A_26, %parallel_loop3A_814 : i32
      %parallel_loop3A_816 = arith.constant 13 : i32
      %parallel_loop3A_817 = arith.constant 0 : i32
      %parallel_loop3A_818 = arith.index_cast %parallel_loop3A_816 : i32 to index
      %parallel_loop3A_819 = arith.index_cast %parallel_loop3A_817 : i32 to index
      %parallel_loop3A_820 = arith.index_cast %parallel_loop3A_815 : i32 to index
      %parallel_loop3A_821 = tpu.vector_load %arg5[%parallel_loop3A_818, %parallel_loop3A_819, %parallel_loop3A_820] {strides = array<i32>} : memref<26x4x128xi32, #tpu.memory_space<vmem>>, vector<16xi32>,
      %parallel_loop3A_822 = arith.constant 4 : i32
      %parallel_loop3A_823 = vector.broadcast %parallel_loop3A_822 : i32 to vector<16xi32>
      %parallel_loop3A_824 = arith.muli %parallel_loop3A_821, %parallel_loop3A_823 : vector<16xi32>
      %parallel_loop3A_825 = arith.addi %parallel_loop3A_33, %parallel_loop3A_824 : vector<16xi32>
      %parallel_loop3A_826 = arith.constant 128 : i32
      %parallel_loop3A_827 = vector.broadcast %parallel_loop3A_826 : i32 to vector<16xi32>
      %parallel_loop3A_828 = arith.addi %parallel_loop3A_825, %parallel_loop3A_827 : vector<16xi32>
      tpu.vector_store_idx %arg6[%parallel_loop3A_828], %broadcast_in_dim3A_19 {add = true} : memref<49152xf32, #tpu.memory_space<vmem>>[vector<16xi32>], vector<16xf32>,
      %parallel_loop3A_829 = arith.constant 16 : i32
      %parallel_loop3A_830 = arith.muli %parallel_loop3A_26, %parallel_loop3A_829 : i32
      %parallel_loop3A_831 = arith.constant 13 : i32
      %parallel_loop3A_832 = arith.constant 1 : i32
      %parallel_loop3A_833 = arith.index_cast %parallel_loop3A_831 : i32 to index
      %parallel_loop3A_834 = arith.index_cast %parallel_loop3A_832 : i32 to index
      %parallel_loop3A_835 = arith.index_cast %parallel_loop3A_830 : i32 to index
      %parallel_loop3A_836 = tpu.vector_load %arg5[%parallel_loop3A_833, %parallel_loop3A_834, %parallel_loop3A_835] {strides = array<i32>} : memref<26x4x128xi32, #tpu.memory_space<vmem>>, vector<16xi32>,
      %parallel_loop3A_837 = arith.constant 4 : i32
      %parallel_loop3A_838 = vector.broadcast %parallel_loop3A_837 : i32 to vector<16xi32>
      %parallel_loop3A_839 = arith.muli %parallel_loop3A_836, %parallel_loop3A_838 : vector<16xi32>
      %parallel_loop3A_840 = arith.addi %parallel_loop3A_33, %parallel_loop3A_839 : vector<16xi32>
      %parallel_loop3A_841 = arith.constant 129 : i32
      %parallel_loop3A_842 = vector.broadcast %parallel_loop3A_841 : i32 to vector<16xi32>
      %parallel_loop3A_843 = arith.addi %parallel_loop3A_840, %parallel_loop3A_842 : vector<16xi32>
      tpu.vector_store_idx %arg6[%parallel_loop3A_843], %broadcast_in_dim3A_19 {add = true} : memref<49152xf32, #tpu.memory_space<vmem>>[vector<16xi32>], vector<16xf32>,
      %parallel_loop3A_844 = arith.constant 16 : i32
      %parallel_loop3A_845 = arith.muli %parallel_loop3A_26, %parallel_loop3A_844 : i32
      %parallel_loop3A_846 = arith.constant 13 : i32
      %parallel_loop3A_847 = arith.constant 2 : i32
      %parallel_loop3A_848 = arith.index_cast %parallel_loop3A_846 : i32 to index
      %parallel_loop3A_849 = arith.index_cast %parallel_loop3A_847 : i32 to index
      %parallel_loop3A_850 = arith.index_cast %parallel_loop3A_845 : i32 to index
      %parallel_loop3A_851 = tpu.vector_load %arg5[%parallel_loop3A_848, %parallel_loop3A_849, %parallel_loop3A_850] {strides = array<i32>} : memref<26x4x128xi32, #tpu.memory_space<vmem>>, vector<16xi32>,
      %parallel_loop3A_852 = arith.constant 4 : i32
      %parallel_loop3A_853 = vector.broadcast %parallel_loop3A_852 : i32 to vector<16xi32>
      %parallel_loop3A_854 = arith.muli %parallel_loop3A_851, %parallel_loop3A_853 : vector<16xi32>
      %parallel_loop3A_855 = arith.addi %parallel_loop3A_33, %parallel_loop3A_854 : vector<16xi32>
      %parallel_loop3A_856 = arith.constant 130 : i32
      %parallel_loop3A_857 = vector.broadcast %parallel_loop3A_856 : i32 to vector<16xi32>
      %parallel_loop3A_858 = arith.addi %parallel_loop3A_855, %parallel_loop3A_857 : vector<16xi32>
      tpu.vector_store_idx %arg6[%parallel_loop3A_858], %broadcast_in_dim3A_19 {add = true} : memref<49152xf32, #tpu.memory_space<vmem>>[vector<16xi32>], vector<16xf32>,
      %parallel_loop3A_859 = arith.constant 16 : i32
      %parallel_loop3A_860 = arith.muli %parallel_loop3A_26, %parallel_loop3A_859 : i32
      %parallel_loop3A_861 = arith.constant 13 : i32
      %parallel_loop3A_862 = arith.constant 3 : i32
      %parallel_loop3A_863 = arith.index_cast %parallel_loop3A_861 : i32 to index
      %parallel_loop3A_864 = arith.index_cast %parallel_loop3A_862 : i32 to index
      %parallel_loop3A_865 = arith.index_cast %parallel_loop3A_860 : i32 to index
      %parallel_loop3A_866 = tpu.vector_load %arg5[%parallel_loop3A_863, %parallel_loop3A_864, %parallel_loop3A_865] {strides = array<i32>} : memref<26x4x128xi32, #tpu.memory_space<vmem>>, vector<16xi32>,
      %parallel_loop3A_867 = arith.constant 4 : i32
      %parallel_loop3A_868 = vector.broadcast %parallel_loop3A_867 : i32 to vector<16xi32>
      %parallel_loop3A_869 = arith.muli %parallel_loop3A_866, %parallel_loop3A_868 : vector<16xi32>
      %parallel_loop3A_870 = arith.addi %parallel_loop3A_33, %parallel_loop3A_869 : vector<16xi32>
      %parallel_loop3A_871 = arith.constant 131 : i32
      %parallel_loop3A_872 = vector.broadcast %parallel_loop3A_871 : i32 to vector<16xi32>
      %parallel_loop3A_873 = arith.addi %parallel_loop3A_870, %parallel_loop3A_872 : vector<16xi32>
      tpu.vector_store_idx %arg6[%parallel_loop3A_873], %broadcast_in_dim3A_19 {add = true} : memref<49152xf32, #tpu.memory_space<vmem>>[vector<16xi32>], vector<16xf32>,
      %parallel_loop3A_874 = arith.constant 16 : i32
      %parallel_loop3A_875 = arith.muli %parallel_loop3A_26, %parallel_loop3A_874 : i32
      %parallel_loop3A_876 = arith.constant 14 : i32
      %parallel_loop3A_877 = arith.constant 0 : i32
      %parallel_loop3A_878 = arith.index_cast %parallel_loop3A_876 : i32 to index
      %parallel_loop3A_879 = arith.index_cast %parallel_loop3A_877 : i32 to index
      %parallel_loop3A_880 = arith.index_cast %parallel_loop3A_875 : i32 to index
      %parallel_loop3A_881 = tpu.vector_load %arg5[%parallel_loop3A_878, %parallel_loop3A_879, %parallel_loop3A_880] {strides = array<i32>} : memref<26x4x128xi32, #tpu.memory_space<vmem>>, vector<16xi32>,
      %parallel_loop3A_882 = arith.constant 4 : i32
      %parallel_loop3A_883 = vector.broadcast %parallel_loop3A_882 : i32 to vector<16xi32>
      %parallel_loop3A_884 = arith.muli %parallel_loop3A_881, %parallel_loop3A_883 : vector<16xi32>
      %parallel_loop3A_885 = arith.addi %parallel_loop3A_33, %parallel_loop3A_884 : vector<16xi32>
      %parallel_loop3A_886 = arith.constant 128 : i32
      %parallel_loop3A_887 = vector.broadcast %parallel_loop3A_886 : i32 to vector<16xi32>
      %parallel_loop3A_888 = arith.addi %parallel_loop3A_885, %parallel_loop3A_887 : vector<16xi32>
      tpu.vector_store_idx %arg6[%parallel_loop3A_888], %broadcast_in_dim3A_19 {add = true} : memref<49152xf32, #tpu.memory_space<vmem>>[vector<16xi32>], vector<16xf32>,
      %parallel_loop3A_889 = arith.constant 16 : i32
      %parallel_loop3A_890 = arith.muli %parallel_loop3A_26, %parallel_loop3A_889 : i32
      %parallel_loop3A_891 = arith.constant 14 : i32
      %parallel_loop3A_892 = arith.constant 1 : i32
      %parallel_loop3A_893 = arith.index_cast %parallel_loop3A_891 : i32 to index
      %parallel_loop3A_894 = arith.index_cast %parallel_loop3A_892 : i32 to index
      %parallel_loop3A_895 = arith.index_cast %parallel_loop3A_890 : i32 to index
      %parallel_loop3A_896 = tpu.vector_load %arg5[%parallel_loop3A_893, %parallel_loop3A_894, %parallel_loop3A_895] {strides = array<i32>} : memref<26x4x128xi32, #tpu.memory_space<vmem>>, vector<16xi32>,
      %parallel_loop3A_897 = arith.constant 4 : i32
      %parallel_loop3A_898 = vector.broadcast %parallel_loop3A_897 : i32 to vector<16xi32>
      %parallel_loop3A_899 = arith.muli %parallel_loop3A_896, %parallel_loop3A_898 : vector<16xi32>
      %parallel_loop3A_900 = arith.addi %parallel_loop3A_33, %parallel_loop3A_899 : vector<16xi32>
      %parallel_loop3A_901 = arith.constant 129 : i32
      %parallel_loop3A_902 = vector.broadcast %parallel_loop3A_901 : i32 to vector<16xi32>
      %parallel_loop3A_903 = arith.addi %parallel_loop3A_900, %parallel_loop3A_902 : vector<16xi32>
      tpu.vector_store_idx %arg6[%parallel_loop3A_903], %broadcast_in_dim3A_19 {add = true} : memref<49152xf32, #tpu.memory_space<vmem>>[vector<16xi32>], vector<16xf32>,
      %parallel_loop3A_904 = arith.constant 16 : i32
      %parallel_loop3A_905 = arith.muli %parallel_loop3A_26, %parallel_loop3A_904 : i32
      %parallel_loop3A_906 = arith.constant 14 : i32
      %parallel_loop3A_907 = arith.constant 2 : i32
      %parallel_loop3A_908 = arith.index_cast %parallel_loop3A_906 : i32 to index
      %parallel_loop3A_909 = arith.index_cast %parallel_loop3A_907 : i32 to index
      %parallel_loop3A_910 = arith.index_cast %parallel_loop3A_905 : i32 to index
      %parallel_loop3A_911 = tpu.vector_load %arg5[%parallel_loop3A_908, %parallel_loop3A_909, %parallel_loop3A_910] {strides = array<i32>} : memref<26x4x128xi32, #tpu.memory_space<vmem>>, vector<16xi32>,
      %parallel_loop3A_912 = arith.constant 4 : i32
      %parallel_loop3A_913 = vector.broadcast %parallel_loop3A_912 : i32 to vector<16xi32>
      %parallel_loop3A_914 = arith.muli %parallel_loop3A_911, %parallel_loop3A_913 : vector<16xi32>
      %parallel_loop3A_915 = arith.addi %parallel_loop3A_33, %parallel_loop3A_914 : vector<16xi32>
      %parallel_loop3A_916 = arith.constant 130 : i32
      %parallel_loop3A_917 = vector.broadcast %parallel_loop3A_916 : i32 to vector<16xi32>
      %parallel_loop3A_918 = arith.addi %parallel_loop3A_915, %parallel_loop3A_917 : vector<16xi32>
      tpu.vector_store_idx %arg6[%parallel_loop3A_918], %broadcast_in_dim3A_19 {add = true} : memref<49152xf32, #tpu.memory_space<vmem>>[vector<16xi32>], vector<16xf32>,
      %parallel_loop3A_919 = arith.constant 16 : i32
      %parallel_loop3A_920 = arith.muli %parallel_loop3A_26, %parallel_loop3A_919 : i32
      %parallel_loop3A_921 = arith.constant 14 : i32
      %parallel_loop3A_922 = arith.constant 3 : i32
      %parallel_loop3A_923 = arith.index_cast %parallel_loop3A_921 : i32 to index
      %parallel_loop3A_924 = arith.index_cast %parallel_loop3A_922 : i32 to index
      %parallel_loop3A_925 = arith.index_cast %parallel_loop3A_920 : i32 to index
      %parallel_loop3A_926 = tpu.vector_load %arg5[%parallel_loop3A_923, %parallel_loop3A_924, %parallel_loop3A_925] {strides = array<i32>} : memref<26x4x128xi32, #tpu.memory_space<vmem>>, vector<16xi32>,
      %parallel_loop3A_927 = arith.constant 4 : i32
      %parallel_loop3A_928 = vector.broadcast %parallel_loop3A_927 : i32 to vector<16xi32>
      %parallel_loop3A_929 = arith.muli %parallel_loop3A_926, %parallel_loop3A_928 : vector<16xi32>
      %parallel_loop3A_930 = arith.addi %parallel_loop3A_33, %parallel_loop3A_929 : vector<16xi32>
      %parallel_loop3A_931 = arith.constant 131 : i32
      %parallel_loop3A_932 = vector.broadcast %parallel_loop3A_931 : i32 to vector<16xi32>
      %parallel_loop3A_933 = arith.addi %parallel_loop3A_930, %parallel_loop3A_932 : vector<16xi32>
      tpu.vector_store_idx %arg6[%parallel_loop3A_933], %broadcast_in_dim3A_19 {add = true} : memref<49152xf32, #tpu.memory_space<vmem>>[vector<16xi32>], vector<16xf32>,
      %parallel_loop3A_934 = arith.constant 16 : i32
      %parallel_loop3A_935 = arith.muli %parallel_loop3A_26, %parallel_loop3A_934 : i32
      %parallel_loop3A_936 = arith.constant 15 : i32
      %parallel_loop3A_937 = arith.constant 0 : i32
      %parallel_loop3A_938 = arith.index_cast %parallel_loop3A_936 : i32 to index
      %parallel_loop3A_939 = arith.index_cast %parallel_loop3A_937 : i32 to index
      %parallel_loop3A_940 = arith.index_cast %parallel_loop3A_935 : i32 to index
      %parallel_loop3A_941 = tpu.vector_load %arg5[%parallel_loop3A_938, %parallel_loop3A_939, %parallel_loop3A_940] {strides = array<i32>} : memref<26x4x128xi32, #tpu.memory_space<vmem>>, vector<16xi32>,
      %parallel_loop3A_942 = arith.constant 4 : i32
      %parallel_loop3A_943 = vector.broadcast %parallel_loop3A_942 : i32 to vector<16xi32>
      %parallel_loop3A_944 = arith.muli %parallel_loop3A_941, %parallel_loop3A_943 : vector<16xi32>
      %parallel_loop3A_945 = arith.addi %parallel_loop3A_33, %parallel_loop3A_944 : vector<16xi32>
      %parallel_loop3A_946 = arith.constant 128 : i32
      %parallel_loop3A_947 = vector.broadcast %parallel_loop3A_946 : i32 to vector<16xi32>
      %parallel_loop3A_948 = arith.addi %parallel_loop3A_945, %parallel_loop3A_947 : vector<16xi32>
      tpu.vector_store_idx %arg6[%parallel_loop3A_948], %broadcast_in_dim3A_19 {add = true} : memref<49152xf32, #tpu.memory_space<vmem>>[vector<16xi32>], vector<16xf32>,
      %parallel_loop3A_949 = arith.constant 16 : i32
      %parallel_loop3A_950 = arith.muli %parallel_loop3A_26, %parallel_loop3A_949 : i32
      %parallel_loop3A_951 = arith.constant 15 : i32
      %parallel_loop3A_952 = arith.constant 1 : i32
      %parallel_loop3A_953 = arith.index_cast %parallel_loop3A_951 : i32 to index
      %parallel_loop3A_954 = arith.index_cast %parallel_loop3A_952 : i32 to index
      %parallel_loop3A_955 = arith.index_cast %parallel_loop3A_950 : i32 to index
      %parallel_loop3A_956 = tpu.vector_load %arg5[%parallel_loop3A_953, %parallel_loop3A_954, %parallel_loop3A_955] {strides = array<i32>} : memref<26x4x128xi32, #tpu.memory_space<vmem>>, vector<16xi32>,
      %parallel_loop3A_957 = arith.constant 4 : i32
      %parallel_loop3A_958 = vector.broadcast %parallel_loop3A_957 : i32 to vector<16xi32>
      %parallel_loop3A_959 = arith.muli %parallel_loop3A_956, %parallel_loop3A_958 : vector<16xi32>
      %parallel_loop3A_960 = arith.addi %parallel_loop3A_33, %parallel_loop3A_959 : vector<16xi32>
      %parallel_loop3A_961 = arith.constant 129 : i32
      %parallel_loop3A_962 = vector.broadcast %parallel_loop3A_961 : i32 to vector<16xi32>
      %parallel_loop3A_963 = arith.addi %parallel_loop3A_960, %parallel_loop3A_962 : vector<16xi32>
      tpu.vector_store_idx %arg6[%parallel_loop3A_963], %broadcast_in_dim3A_19 {add = true} : memref<49152xf32, #tpu.memory_space<vmem>>[vector<16xi32>], vector<16xf32>,
      %parallel_loop3A_964 = arith.constant 16 : i32
      %parallel_loop3A_965 = arith.muli %parallel_loop3A_26, %parallel_loop3A_964 : i32
      %parallel_loop3A_966 = arith.constant 15 : i32
      %parallel_loop3A_967 = arith.constant 2 : i32
      %parallel_loop3A_968 = arith.index_cast %parallel_loop3A_966 : i32 to index
      %parallel_loop3A_969 = arith.index_cast %parallel_loop3A_967 : i32 to index
      %parallel_loop3A_970 = arith.index_cast %parallel_loop3A_965 : i32 to index
      %parallel_loop3A_971 = tpu.vector_load %arg5[%parallel_loop3A_968, %parallel_loop3A_969, %parallel_loop3A_970] {strides = array<i32>} : memref<26x4x128xi32, #tpu.memory_space<vmem>>, vector<16xi32>,
      %parallel_loop3A_972 = arith.constant 4 : i32
      %parallel_loop3A_973 = vector.broadcast %parallel_loop3A_972 : i32 to vector<16xi32>
      %parallel_loop3A_974 = arith.muli %parallel_loop3A_971, %parallel_loop3A_973 : vector<16xi32>
      %parallel_loop3A_975 = arith.addi %parallel_loop3A_33, %parallel_loop3A_974 : vector<16xi32>
      %parallel_loop3A_976 = arith.constant 130 : i32
      %parallel_loop3A_977 = vector.broadcast %parallel_loop3A_976 : i32 to vector<16xi32>
      %parallel_loop3A_978 = arith.addi %parallel_loop3A_975, %parallel_loop3A_977 : vector<16xi32>
      tpu.vector_store_idx %arg6[%parallel_loop3A_978], %broadcast_in_dim3A_19 {add = true} : memref<49152xf32, #tpu.memory_space<vmem>>[vector<16xi32>], vector<16xf32>,
      %parallel_loop3A_979 = arith.constant 16 : i32
      %parallel_loop3A_980 = arith.muli %parallel_loop3A_26, %parallel_loop3A_979 : i32
      %parallel_loop3A_981 = arith.constant 15 : i32
      %parallel_loop3A_982 = arith.constant 3 : i32
      %parallel_loop3A_983 = arith.index_cast %parallel_loop3A_981 : i32 to index
      %parallel_loop3A_984 = arith.index_cast %parallel_loop3A_982 : i32 to index
      %parallel_loop3A_985 = arith.index_cast %parallel_loop3A_980 : i32 to index
      %parallel_loop3A_986 = tpu.vector_load %arg5[%parallel_loop3A_983, %parallel_loop3A_984, %parallel_loop3A_985] {strides = array<i32>} : memref<26x4x128xi32, #tpu.memory_space<vmem>>, vector<16xi32>,
      %parallel_loop3A_987 = arith.constant 4 : i32
      %parallel_loop3A_988 = vector.broadcast %parallel_loop3A_987 : i32 to vector<16xi32>
      %parallel_loop3A_989 = arith.muli %parallel_loop3A_986, %parallel_loop3A_988 : vector<16xi32>
      %parallel_loop3A_990 = arith.addi %parallel_loop3A_33, %parallel_loop3A_989 : vector<16xi32>
      %parallel_loop3A_991 = arith.constant 131 : i32
      %parallel_loop3A_992 = vector.broadcast %parallel_loop3A_991 : i32 to vector<16xi32>
      %parallel_loop3A_993 = arith.addi %parallel_loop3A_990, %parallel_loop3A_992 : vector<16xi32>
      tpu.vector_store_idx %arg6[%parallel_loop3A_993], %broadcast_in_dim3A_19 {add = true} : memref<49152xf32, #tpu.memory_space<vmem>>[vector<16xi32>], vector<16xf32>,
      %parallel_loop3A_994 = arith.constant 16 : i32
      %parallel_loop3A_995 = arith.muli %parallel_loop3A_26, %parallel_loop3A_994 : i32
      %parallel_loop3A_996 = arith.constant 16 : i32
      %parallel_loop3A_997 = arith.constant 0 : i32
      %parallel_loop3A_998 = arith.index_cast %parallel_loop3A_996 : i32 to index
      %parallel_loop3A_999 = arith.index_cast %parallel_loop3A_997 : i32 to index
      %parallel_loop3A_1000 = arith.index_cast %parallel_loop3A_995 : i32 to index
      %parallel_loop3A_1001 = tpu.vector_load %arg5[%parallel_loop3A_998, %parallel_loop3A_999, %parallel_loop3A_1000] {strides = array<i32>} : memref<26x4x128xi32, #tpu.memory_space<vmem>>, vector<16xi32>,
      %parallel_loop3A_1002 = arith.constant 4 : i32
      %parallel_loop3A_1003 = vector.broadcast %parallel_loop3A_1002 : i32 to vector<16xi32>
      %parallel_loop3A_1004 = arith.muli %parallel_loop3A_1001, %parallel_loop3A_1003 : vector<16xi32>
      %parallel_loop3A_1005 = arith.addi %parallel_loop3A_33, %parallel_loop3A_1004 : vector<16xi32>
      %parallel_loop3A_1006 = arith.constant 128 : i32
      %parallel_loop3A_1007 = vector.broadcast %parallel_loop3A_1006 : i32 to vector<16xi32>
      %parallel_loop3A_1008 = arith.addi %parallel_loop3A_1005, %parallel_loop3A_1007 : vector<16xi32>
      tpu.vector_store_idx %arg6[%parallel_loop3A_1008], %broadcast_in_dim3A_19 {add = true} : memref<49152xf32, #tpu.memory_space<vmem>>[vector<16xi32>], vector<16xf32>,
      %parallel_loop3A_1009 = arith.constant 16 : i32
      %parallel_loop3A_1010 = arith.muli %parallel_loop3A_26, %parallel_loop3A_1009 : i32
      %parallel_loop3A_1011 = arith.constant 16 : i32
      %parallel_loop3A_1012 = arith.constant 1 : i32
      %parallel_loop3A_1013 = arith.index_cast %parallel_loop3A_1011 : i32 to index
      %parallel_loop3A_1014 = arith.index_cast %parallel_loop3A_1012 : i32 to index
      %parallel_loop3A_1015 = arith.index_cast %parallel_loop3A_1010 : i32 to index
      %parallel_loop3A_1016 = tpu.vector_load %arg5[%parallel_loop3A_1013, %parallel_loop3A_1014, %parallel_loop3A_1015] {strides = array<i32>} : memref<26x4x128xi32, #tpu.memory_space<vmem>>, vector<16xi32>,
      %parallel_loop3A_1017 = arith.constant 4 : i32
      %parallel_loop3A_1018 = vector.broadcast %parallel_loop3A_1017 : i32 to vector<16xi32>
      %parallel_loop3A_1019 = arith.muli %parallel_loop3A_1016, %parallel_loop3A_1018 : vector<16xi32>
      %parallel_loop3A_1020 = arith.addi %parallel_loop3A_33, %parallel_loop3A_1019 : vector<16xi32>
      %parallel_loop3A_1021 = arith.constant 129 : i32
      %parallel_loop3A_1022 = vector.broadcast %parallel_loop3A_1021 : i32 to vector<16xi32>
      %parallel_loop3A_1023 = arith.addi %parallel_loop3A_1020, %parallel_loop3A_1022 : vector<16xi32>
      tpu.vector_store_idx %arg6[%parallel_loop3A_1023], %broadcast_in_dim3A_19 {add = true} : memref<49152xf32, #tpu.memory_space<vmem>>[vector<16xi32>], vector<16xf32>,
      %parallel_loop3A_1024 = arith.constant 16 : i32
      %parallel_loop3A_1025 = arith.muli %parallel_loop3A_26, %parallel_loop3A_1024 : i32
      %parallel_loop3A_1026 = arith.constant 16 : i32
      %parallel_loop3A_1027 = arith.constant 2 : i32
      %parallel_loop3A_1028 = arith.index_cast %parallel_loop3A_1026 : i32 to index
      %parallel_loop3A_1029 = arith.index_cast %parallel_loop3A_1027 : i32 to index
      %parallel_loop3A_1030 = arith.index_cast %parallel_loop3A_1025 : i32 to index
      %parallel_loop3A_1031 = tpu.vector_load %arg5[%parallel_loop3A_1028, %parallel_loop3A_1029, %parallel_loop3A_1030] {strides = array<i32>} : memref<26x4x128xi32, #tpu.memory_space<vmem>>, vector<16xi32>,
      %parallel_loop3A_1032 = arith.constant 4 : i32
      %parallel_loop3A_1033 = vector.broadcast %parallel_loop3A_1032 : i32 to vector<16xi32>
      %parallel_loop3A_1034 = arith.muli %parallel_loop3A_1031, %parallel_loop3A_1033 : vector<16xi32>
      %parallel_loop3A_1035 = arith.addi %parallel_loop3A_33, %parallel_loop3A_1034 : vector<16xi32>
      %parallel_loop3A_1036 = arith.constant 130 : i32
      %parallel_loop3A_1037 = vector.broadcast %parallel_loop3A_1036 : i32 to vector<16xi32>
      %parallel_loop3A_1038 = arith.addi %parallel_loop3A_1035, %parallel_loop3A_1037 : vector<16xi32>
      tpu.vector_store_idx %arg6[%parallel_loop3A_1038], %broadcast_in_dim3A_19 {add = true} : memref<49152xf32, #tpu.memory_space<vmem>>[vector<16xi32>], vector<16xf32>,
      %parallel_loop3A_1039 = arith.constant 16 : i32
      %parallel_loop3A_1040 = arith.muli %parallel_loop3A_26, %parallel_loop3A_1039 : i32
      %parallel_loop3A_1041 = arith.constant 16 : i32
      %parallel_loop3A_1042 = arith.constant 3 : i32
      %parallel_loop3A_1043 = arith.index_cast %parallel_loop3A_1041 : i32 to index
      %parallel_loop3A_1044 = arith.index_cast %parallel_loop3A_1042 : i32 to index
      %parallel_loop3A_1045 = arith.index_cast %parallel_loop3A_1040 : i32 to index
      %parallel_loop3A_1046 = tpu.vector_load %arg5[%parallel_loop3A_1043, %parallel_loop3A_1044, %parallel_loop3A_1045] {strides = array<i32>} : memref<26x4x128xi32, #tpu.memory_space<vmem>>, vector<16xi32>,
      %parallel_loop3A_1047 = arith.constant 4 : i32
      %parallel_loop3A_1048 = vector.broadcast %parallel_loop3A_1047 : i32 to vector<16xi32>
      %parallel_loop3A_1049 = arith.muli %parallel_loop3A_1046, %parallel_loop3A_1048 : vector<16xi32>
      %parallel_loop3A_1050 = arith.addi %parallel_loop3A_33, %parallel_loop3A_1049 : vector<16xi32>
      %parallel_loop3A_1051 = arith.constant 131 : i32
      %parallel_loop3A_1052 = vector.broadcast %parallel_loop3A_1051 : i32 to vector<16xi32>
      %parallel_loop3A_1053 = arith.addi %parallel_loop3A_1050, %parallel_loop3A_1052 : vector<16xi32>
      tpu.vector_store_idx %arg6[%parallel_loop3A_1053], %broadcast_in_dim3A_19 {add = true} : memref<49152xf32, #tpu.memory_space<vmem>>[vector<16xi32>], vector<16xf32>,
      %parallel_loop3A_1054 = arith.constant 16 : i32
      %parallel_loop3A_1055 = arith.muli %parallel_loop3A_26, %parallel_loop3A_1054 : i32
      %parallel_loop3A_1056 = arith.constant 17 : i32
      %parallel_loop3A_1057 = arith.constant 0 : i32
      %parallel_loop3A_1058 = arith.index_cast %parallel_loop3A_1056 : i32 to index
      %parallel_loop3A_1059 = arith.index_cast %parallel_loop3A_1057 : i32 to index
      %parallel_loop3A_1060 = arith.index_cast %parallel_loop3A_1055 : i32 to index
      %parallel_loop3A_1061 = tpu.vector_load %arg5[%parallel_loop3A_1058, %parallel_loop3A_1059, %parallel_loop3A_1060] {strides = array<i32>} : memref<26x4x128xi32, #tpu.memory_space<vmem>>, vector<16xi32>,
      %parallel_loop3A_1062 = arith.constant 4 : i32
      %parallel_loop3A_1063 = vector.broadcast %parallel_loop3A_1062 : i32 to vector<16xi32>
      %parallel_loop3A_1064 = arith.muli %parallel_loop3A_1061, %parallel_loop3A_1063 : vector<16xi32>
      %parallel_loop3A_1065 = arith.addi %parallel_loop3A_33, %parallel_loop3A_1064 : vector<16xi32>
      %parallel_loop3A_1066 = arith.constant 128 : i32
      %parallel_loop3A_1067 = vector.broadcast %parallel_loop3A_1066 : i32 to vector<16xi32>
      %parallel_loop3A_1068 = arith.addi %parallel_loop3A_1065, %parallel_loop3A_1067 : vector<16xi32>
      tpu.vector_store_idx %arg6[%parallel_loop3A_1068], %broadcast_in_dim3A_19 {add = true} : memref<49152xf32, #tpu.memory_space<vmem>>[vector<16xi32>], vector<16xf32>,
      %parallel_loop3A_1069 = arith.constant 16 : i32
      %parallel_loop3A_1070 = arith.muli %parallel_loop3A_26, %parallel_loop3A_1069 : i32
      %parallel_loop3A_1071 = arith.constant 17 : i32
      %parallel_loop3A_1072 = arith.constant 1 : i32
      %parallel_loop3A_1073 = arith.index_cast %parallel_loop3A_1071 : i32 to index
      %parallel_loop3A_1074 = arith.index_cast %parallel_loop3A_1072 : i32 to index
      %parallel_loop3A_1075 = arith.index_cast %parallel_loop3A_1070 : i32 to index
      %parallel_loop3A_1076 = tpu.vector_load %arg5[%parallel_loop3A_1073, %parallel_loop3A_1074, %parallel_loop3A_1075] {strides = array<i32>} : memref<26x4x128xi32, #tpu.memory_space<vmem>>, vector<16xi32>,
      %parallel_loop3A_1077 = arith.constant 4 : i32
      %parallel_loop3A_1078 = vector.broadcast %parallel_loop3A_1077 : i32 to vector<16xi32>
      %parallel_loop3A_1079 = arith.muli %parallel_loop3A_1076, %parallel_loop3A_1078 : vector<16xi32>
      %parallel_loop3A_1080 = arith.addi %parallel_loop3A_33, %parallel_loop3A_1079 : vector<16xi32>
      %parallel_loop3A_1081 = arith.constant 129 : i32
      %parallel_loop3A_1082 = vector.broadcast %parallel_loop3A_1081 : i32 to vector<16xi32>
      %parallel_loop3A_1083 = arith.addi %parallel_loop3A_1080, %parallel_loop3A_1082 : vector<16xi32>
      tpu.vector_store_idx %arg6[%parallel_loop3A_1083], %broadcast_in_dim3A_19 {add = true} : memref<49152xf32, #tpu.memory_space<vmem>>[vector<16xi32>], vector<16xf32>,
      %parallel_loop3A_1084 = arith.constant 16 : i32
      %parallel_loop3A_1085 = arith.muli %parallel_loop3A_26, %parallel_loop3A_1084 : i32
      %parallel_loop3A_1086 = arith.constant 17 : i32
      %parallel_loop3A_1087 = arith.constant 2 : i32
      %parallel_loop3A_1088 = arith.index_cast %parallel_loop3A_1086 : i32 to index
      %parallel_loop3A_1089 = arith.index_cast %parallel_loop3A_1087 : i32 to index
      %parallel_loop3A_1090 = arith.index_cast %parallel_loop3A_1085 : i32 to index
      %parallel_loop3A_1091 = tpu.vector_load %arg5[%parallel_loop3A_1088, %parallel_loop3A_1089, %parallel_loop3A_1090] {strides = array<i32>} : memref<26x4x128xi32, #tpu.memory_space<vmem>>, vector<16xi32>,
      %parallel_loop3A_1092 = arith.constant 4 : i32
      %parallel_loop3A_1093 = vector.broadcast %parallel_loop3A_1092 : i32 to vector<16xi32>
      %parallel_loop3A_1094 = arith.muli %parallel_loop3A_1091, %parallel_loop3A_1093 : vector<16xi32>
      %parallel_loop3A_1095 = arith.addi %parallel_loop3A_33, %parallel_loop3A_1094 : vector<16xi32>
      %parallel_loop3A_1096 = arith.constant 130 : i32
      %parallel_loop3A_1097 = vector.broadcast %parallel_loop3A_1096 : i32 to vector<16xi32>
      %parallel_loop3A_1098 = arith.addi %parallel_loop3A_1095, %parallel_loop3A_1097 : vector<16xi32>
      tpu.vector_store_idx %arg6[%parallel_loop3A_1098], %broadcast_in_dim3A_19 {add = true} : memref<49152xf32, #tpu.memory_space<vmem>>[vector<16xi32>], vector<16xf32>,
      %parallel_loop3A_1099 = arith.constant 16 : i32
      %parallel_loop3A_1100 = arith.muli %parallel_loop3A_26, %parallel_loop3A_1099 : i32
      %parallel_loop3A_1101 = arith.constant 17 : i32
      %parallel_loop3A_1102 = arith.constant 3 : i32
      %parallel_loop3A_1103 = arith.index_cast %parallel_loop3A_1101 : i32 to index
      %parallel_loop3A_1104 = arith.index_cast %parallel_loop3A_1102 : i32 to index
      %parallel_loop3A_1105 = arith.index_cast %parallel_loop3A_1100 : i32 to index
      %parallel_loop3A_1106 = tpu.vector_load %arg5[%parallel_loop3A_1103, %parallel_loop3A_1104, %parallel_loop3A_1105] {strides = array<i32>} : memref<26x4x128xi32, #tpu.memory_space<vmem>>, vector<16xi32>,
      %parallel_loop3A_1107 = arith.constant 4 : i32
      %parallel_loop3A_1108 = vector.broadcast %parallel_loop3A_1107 : i32 to vector<16xi32>
      %parallel_loop3A_1109 = arith.muli %parallel_loop3A_1106, %parallel_loop3A_1108 : vector<16xi32>
      %parallel_loop3A_1110 = arith.addi %parallel_loop3A_33, %parallel_loop3A_1109 : vector<16xi32>
      %parallel_loop3A_1111 = arith.constant 131 : i32
      %parallel_loop3A_1112 = vector.broadcast %parallel_loop3A_1111 : i32 to vector<16xi32>
      %parallel_loop3A_1113 = arith.addi %parallel_loop3A_1110, %parallel_loop3A_1112 : vector<16xi32>
      tpu.vector_store_idx %arg6[%parallel_loop3A_1113], %broadcast_in_dim3A_19 {add = true} : memref<49152xf32, #tpu.memory_space<vmem>>[vector<16xi32>], vector<16xf32>,
      %parallel_loop3A_1114 = arith.constant 16 : i32
      %parallel_loop3A_1115 = arith.muli %parallel_loop3A_26, %parallel_loop3A_1114 : i32
      %parallel_loop3A_1116 = arith.constant 18 : i32
      %parallel_loop3A_1117 = arith.constant 0 : i32
      %parallel_loop3A_1118 = arith.index_cast %parallel_loop3A_1116 : i32 to index
      %parallel_loop3A_1119 = arith.index_cast %parallel_loop3A_1117 : i32 to index
      %parallel_loop3A_1120 = arith.index_cast %parallel_loop3A_1115 : i32 to index
      %parallel_loop3A_1121 = tpu.vector_load %arg5[%parallel_loop3A_1118, %parallel_loop3A_1119, %parallel_loop3A_1120] {strides = array<i32>} : memref<26x4x128xi32, #tpu.memory_space<vmem>>, vector<16xi32>,
      %parallel_loop3A_1122 = arith.constant 4 : i32
      %parallel_loop3A_1123 = vector.broadcast %parallel_loop3A_1122 : i32 to vector<16xi32>
      %parallel_loop3A_1124 = arith.muli %parallel_loop3A_1121, %parallel_loop3A_1123 : vector<16xi32>
      %parallel_loop3A_1125 = arith.addi %parallel_loop3A_33, %parallel_loop3A_1124 : vector<16xi32>
      %parallel_loop3A_1126 = arith.constant 128 : i32
      %parallel_loop3A_1127 = vector.broadcast %parallel_loop3A_1126 : i32 to vector<16xi32>
      %parallel_loop3A_1128 = arith.addi %parallel_loop3A_1125, %parallel_loop3A_1127 : vector<16xi32>
      tpu.vector_store_idx %arg6[%parallel_loop3A_1128], %broadcast_in_dim3A_19 {add = true} : memref<49152xf32, #tpu.memory_space<vmem>>[vector<16xi32>], vector<16xf32>,
      %parallel_loop3A_1129 = arith.constant 16 : i32
      %parallel_loop3A_1130 = arith.muli %parallel_loop3A_26, %parallel_loop3A_1129 : i32
      %parallel_loop3A_1131 = arith.constant 18 : i32
      %parallel_loop3A_1132 = arith.constant 1 : i32
      %parallel_loop3A_1133 = arith.index_cast %parallel_loop3A_1131 : i32 to index
      %parallel_loop3A_1134 = arith.index_cast %parallel_loop3A_1132 : i32 to index
      %parallel_loop3A_1135 = arith.index_cast %parallel_loop3A_1130 : i32 to index
      %parallel_loop3A_1136 = tpu.vector_load %arg5[%parallel_loop3A_1133, %parallel_loop3A_1134, %parallel_loop3A_1135] {strides = array<i32>} : memref<26x4x128xi32, #tpu.memory_space<vmem>>, vector<16xi32>,
      %parallel_loop3A_1137 = arith.constant 4 : i32
      %parallel_loop3A_1138 = vector.broadcast %parallel_loop3A_1137 : i32 to vector<16xi32>
      %parallel_loop3A_1139 = arith.muli %parallel_loop3A_1136, %parallel_loop3A_1138 : vector<16xi32>
      %parallel_loop3A_1140 = arith.addi %parallel_loop3A_33, %parallel_loop3A_1139 : vector<16xi32>
      %parallel_loop3A_1141 = arith.constant 129 : i32
      %parallel_loop3A_1142 = vector.broadcast %parallel_loop3A_1141 : i32 to vector<16xi32>
      %parallel_loop3A_1143 = arith.addi %parallel_loop3A_1140, %parallel_loop3A_1142 : vector<16xi32>
      tpu.vector_store_idx %arg6[%parallel_loop3A_1143], %broadcast_in_dim3A_19 {add = true} : memref<49152xf32, #tpu.memory_space<vmem>>[vector<16xi32>], vector<16xf32>,
      %parallel_loop3A_1144 = arith.constant 16 : i32
      %parallel_loop3A_1145 = arith.muli %parallel_loop3A_26, %parallel_loop3A_1144 : i32
      %parallel_loop3A_1146 = arith.constant 18 : i32
      %parallel_loop3A_1147 = arith.constant 2 : i32
      %parallel_loop3A_1148 = arith.index_cast %parallel_loop3A_1146 : i32 to index
      %parallel_loop3A_1149 = arith.index_cast %parallel_loop3A_1147 : i32 to index
      %parallel_loop3A_1150 = arith.index_cast %parallel_loop3A_1145 : i32 to index
      %parallel_loop3A_1151 = tpu.vector_load %arg5[%parallel_loop3A_1148, %parallel_loop3A_1149, %parallel_loop3A_1150] {strides = array<i32>} : memref<26x4x128xi32, #tpu.memory_space<vmem>>, vector<16xi32>,
      %parallel_loop3A_1152 = arith.constant 4 : i32
      %parallel_loop3A_1153 = vector.broadcast %parallel_loop3A_1152 : i32 to vector<16xi32>
      %parallel_loop3A_1154 = arith.muli %parallel_loop3A_1151, %parallel_loop3A_1153 : vector<16xi32>
      %parallel_loop3A_1155 = arith.addi %parallel_loop3A_33, %parallel_loop3A_1154 : vector<16xi32>
      %parallel_loop3A_1156 = arith.constant 130 : i32
      %parallel_loop3A_1157 = vector.broadcast %parallel_loop3A_1156 : i32 to vector<16xi32>
      %parallel_loop3A_1158 = arith.addi %parallel_loop3A_1155, %parallel_loop3A_1157 : vector<16xi32>
      tpu.vector_store_idx %arg6[%parallel_loop3A_1158], %broadcast_in_dim3A_19 {add = true} : memref<49152xf32, #tpu.memory_space<vmem>>[vector<16xi32>], vector<16xf32>,
      %parallel_loop3A_1159 = arith.constant 16 : i32
      %parallel_loop3A_1160 = arith.muli %parallel_loop3A_26, %parallel_loop3A_1159 : i32
      %parallel_loop3A_1161 = arith.constant 18 : i32
      %parallel_loop3A_1162 = arith.constant 3 : i32
      %parallel_loop3A_1163 = arith.index_cast %parallel_loop3A_1161 : i32 to index
      %parallel_loop3A_1164 = arith.index_cast %parallel_loop3A_1162 : i32 to index
      %parallel_loop3A_1165 = arith.index_cast %parallel_loop3A_1160 : i32 to index
      %parallel_loop3A_1166 = tpu.vector_load %arg5[%parallel_loop3A_1163, %parallel_loop3A_1164, %parallel_loop3A_1165] {strides = array<i32>} : memref<26x4x128xi32, #tpu.memory_space<vmem>>, vector<16xi32>,
      %parallel_loop3A_1167 = arith.constant 4 : i32
      %parallel_loop3A_1168 = vector.broadcast %parallel_loop3A_1167 : i32 to vector<16xi32>
      %parallel_loop3A_1169 = arith.muli %parallel_loop3A_1166, %parallel_loop3A_1168 : vector<16xi32>
      %parallel_loop3A_1170 = arith.addi %parallel_loop3A_33, %parallel_loop3A_1169 : vector<16xi32>
      %parallel_loop3A_1171 = arith.constant 131 : i32
      %parallel_loop3A_1172 = vector.broadcast %parallel_loop3A_1171 : i32 to vector<16xi32>
      %parallel_loop3A_1173 = arith.addi %parallel_loop3A_1170, %parallel_loop3A_1172 : vector<16xi32>
      tpu.vector_store_idx %arg6[%parallel_loop3A_1173], %broadcast_in_dim3A_19 {add = true} : memref<49152xf32, #tpu.memory_space<vmem>>[vector<16xi32>], vector<16xf32>,
      %parallel_loop3A_1174 = arith.constant 16 : i32
      %parallel_loop3A_1175 = arith.muli %parallel_loop3A_26, %parallel_loop3A_1174 : i32
      %parallel_loop3A_1176 = arith.constant 19 : i32
      %parallel_loop3A_1177 = arith.constant 0 : i32
      %parallel_loop3A_1178 = arith.index_cast %parallel_loop3A_1176 : i32 to index
      %parallel_loop3A_1179 = arith.index_cast %parallel_loop3A_1177 : i32 to index
      %parallel_loop3A_1180 = arith.index_cast %parallel_loop3A_1175 : i32 to index
      %parallel_loop3A_1181 = tpu.vector_load %arg5[%parallel_loop3A_1178, %parallel_loop3A_1179, %parallel_loop3A_1180] {strides = array<i32>} : memref<26x4x128xi32, #tpu.memory_space<vmem>>, vector<16xi32>,
      %parallel_loop3A_1182 = arith.constant 4 : i32
      %parallel_loop3A_1183 = vector.broadcast %parallel_loop3A_1182 : i32 to vector<16xi32>
      %parallel_loop3A_1184 = arith.muli %parallel_loop3A_1181, %parallel_loop3A_1183 : vector<16xi32>
      %parallel_loop3A_1185 = arith.addi %parallel_loop3A_33, %parallel_loop3A_1184 : vector<16xi32>
      %parallel_loop3A_1186 = arith.constant 128 : i32
      %parallel_loop3A_1187 = vector.broadcast %parallel_loop3A_1186 : i32 to vector<16xi32>
      %parallel_loop3A_1188 = arith.addi %parallel_loop3A_1185, %parallel_loop3A_1187 : vector<16xi32>
      tpu.vector_store_idx %arg6[%parallel_loop3A_1188], %broadcast_in_dim3A_19 {add = true} : memref<49152xf32, #tpu.memory_space<vmem>>[vector<16xi32>], vector<16xf32>,
      %parallel_loop3A_1189 = arith.constant 16 : i32
      %parallel_loop3A_1190 = arith.muli %parallel_loop3A_26, %parallel_loop3A_1189 : i32
      %parallel_loop3A_1191 = arith.constant 19 : i32
      %parallel_loop3A_1192 = arith.constant 1 : i32
      %parallel_loop3A_1193 = arith.index_cast %parallel_loop3A_1191 : i32 to index
      %parallel_loop3A_1194 = arith.index_cast %parallel_loop3A_1192 : i32 to index
      %parallel_loop3A_1195 = arith.index_cast %parallel_loop3A_1190 : i32 to index
      %parallel_loop3A_1196 = tpu.vector_load %arg5[%parallel_loop3A_1193, %parallel_loop3A_1194, %parallel_loop3A_1195] {strides = array<i32>} : memref<26x4x128xi32, #tpu.memory_space<vmem>>, vector<16xi32>,
      %parallel_loop3A_1197 = arith.constant 4 : i32
      %parallel_loop3A_1198 = vector.broadcast %parallel_loop3A_1197 : i32 to vector<16xi32>
      %parallel_loop3A_1199 = arith.muli %parallel_loop3A_1196, %parallel_loop3A_1198 : vector<16xi32>
      %parallel_loop3A_1200 = arith.addi %parallel_loop3A_33, %parallel_loop3A_1199 : vector<16xi32>
      %parallel_loop3A_1201 = arith.constant 129 : i32
      %parallel_loop3A_1202 = vector.broadcast %parallel_loop3A_1201 : i32 to vector<16xi32>
      %parallel_loop3A_1203 = arith.addi %parallel_loop3A_1200, %parallel_loop3A_1202 : vector<16xi32>
      tpu.vector_store_idx %arg6[%parallel_loop3A_1203], %broadcast_in_dim3A_19 {add = true} : memref<49152xf32, #tpu.memory_space<vmem>>[vector<16xi32>], vector<16xf32>,
      %parallel_loop3A_1204 = arith.constant 16 : i32
      %parallel_loop3A_1205 = arith.muli %parallel_loop3A_26, %parallel_loop3A_1204 : i32
      %parallel_loop3A_1206 = arith.constant 19 : i32
      %parallel_loop3A_1207 = arith.constant 2 : i32
      %parallel_loop3A_1208 = arith.index_cast %parallel_loop3A_1206 : i32 to index
      %parallel_loop3A_1209 = arith.index_cast %parallel_loop3A_1207 : i32 to index
      %parallel_loop3A_1210 = arith.index_cast %parallel_loop3A_1205 : i32 to index
      %parallel_loop3A_1211 = tpu.vector_load %arg5[%parallel_loop3A_1208, %parallel_loop3A_1209, %parallel_loop3A_1210] {strides = array<i32>} : memref<26x4x128xi32, #tpu.memory_space<vmem>>, vector<16xi32>,
      %parallel_loop3A_1212 = arith.constant 4 : i32
      %parallel_loop3A_1213 = vector.broadcast %parallel_loop3A_1212 : i32 to vector<16xi32>
      %parallel_loop3A_1214 = arith.muli %parallel_loop3A_1211, %parallel_loop3A_1213 : vector<16xi32>
      %parallel_loop3A_1215 = arith.addi %parallel_loop3A_33, %parallel_loop3A_1214 : vector<16xi32>
      %parallel_loop3A_1216 = arith.constant 130 : i32
      %parallel_loop3A_1217 = vector.broadcast %parallel_loop3A_1216 : i32 to vector<16xi32>
      %parallel_loop3A_1218 = arith.addi %parallel_loop3A_1215, %parallel_loop3A_1217 : vector<16xi32>
      tpu.vector_store_idx %arg6[%parallel_loop3A_1218], %broadcast_in_dim3A_19 {add = true} : memref<49152xf32, #tpu.memory_space<vmem>>[vector<16xi32>], vector<16xf32>,
      %parallel_loop3A_1219 = arith.constant 16 : i32
      %parallel_loop3A_1220 = arith.muli %parallel_loop3A_26, %parallel_loop3A_1219 : i32
      %parallel_loop3A_1221 = arith.constant 19 : i32
      %parallel_loop3A_1222 = arith.constant 3 : i32
      %parallel_loop3A_1223 = arith.index_cast %parallel_loop3A_1221 : i32 to index
      %parallel_loop3A_1224 = arith.index_cast %parallel_loop3A_1222 : i32 to index
      %parallel_loop3A_1225 = arith.index_cast %parallel_loop3A_1220 : i32 to index
      %parallel_loop3A_1226 = tpu.vector_load %arg5[%parallel_loop3A_1223, %parallel_loop3A_1224, %parallel_loop3A_1225] {strides = array<i32>} : memref<26x4x128xi32, #tpu.memory_space<vmem>>, vector<16xi32>,
      %parallel_loop3A_1227 = arith.constant 4 : i32
      %parallel_loop3A_1228 = vector.broadcast %parallel_loop3A_1227 : i32 to vector<16xi32>
      %parallel_loop3A_1229 = arith.muli %parallel_loop3A_1226, %parallel_loop3A_1228 : vector<16xi32>
      %parallel_loop3A_1230 = arith.addi %parallel_loop3A_33, %parallel_loop3A_1229 : vector<16xi32>
      %parallel_loop3A_1231 = arith.constant 131 : i32
      %parallel_loop3A_1232 = vector.broadcast %parallel_loop3A_1231 : i32 to vector<16xi32>
      %parallel_loop3A_1233 = arith.addi %parallel_loop3A_1230, %parallel_loop3A_1232 : vector<16xi32>
      tpu.vector_store_idx %arg6[%parallel_loop3A_1233], %broadcast_in_dim3A_19 {add = true} : memref<49152xf32, #tpu.memory_space<vmem>>[vector<16xi32>], vector<16xf32>,
      %parallel_loop3A_1234 = arith.constant 16 : i32
      %parallel_loop3A_1235 = arith.muli %parallel_loop3A_26, %parallel_loop3A_1234 : i32
      %parallel_loop3A_1236 = arith.constant 20 : i32
      %parallel_loop3A_1237 = arith.constant 0 : i32
      %parallel_loop3A_1238 = arith.index_cast %parallel_loop3A_1236 : i32 to index
      %parallel_loop3A_1239 = arith.index_cast %parallel_loop3A_1237 : i32 to index
      %parallel_loop3A_1240 = arith.index_cast %parallel_loop3A_1235 : i32 to index
      %parallel_loop3A_1241 = tpu.vector_load %arg5[%parallel_loop3A_1238, %parallel_loop3A_1239, %parallel_loop3A_1240] {strides = array<i32>} : memref<26x4x128xi32, #tpu.memory_space<vmem>>, vector<16xi32>,
      %parallel_loop3A_1242 = arith.constant 4 : i32
      %parallel_loop3A_1243 = vector.broadcast %parallel_loop3A_1242 : i32 to vector<16xi32>
      %parallel_loop3A_1244 = arith.muli %parallel_loop3A_1241, %parallel_loop3A_1243 : vector<16xi32>
      %parallel_loop3A_1245 = arith.addi %parallel_loop3A_33, %parallel_loop3A_1244 : vector<16xi32>
      %parallel_loop3A_1246 = arith.constant 256 : i32
      %parallel_loop3A_1247 = vector.broadcast %parallel_loop3A_1246 : i32 to vector<16xi32>
      %parallel_loop3A_1248 = arith.addi %parallel_loop3A_1245, %parallel_loop3A_1247 : vector<16xi32>
      tpu.vector_store_idx %arg6[%parallel_loop3A_1248], %broadcast_in_dim3A_19 {add = true} : memref<49152xf32, #tpu.memory_space<vmem>>[vector<16xi32>], vector<16xf32>,
      %parallel_loop3A_1249 = arith.constant 16 : i32
      %parallel_loop3A_1250 = arith.muli %parallel_loop3A_26, %parallel_loop3A_1249 : i32
      %parallel_loop3A_1251 = arith.constant 20 : i32
      %parallel_loop3A_1252 = arith.constant 1 : i32
      %parallel_loop3A_1253 = arith.index_cast %parallel_loop3A_1251 : i32 to index
      %parallel_loop3A_1254 = arith.index_cast %parallel_loop3A_1252 : i32 to index
      %parallel_loop3A_1255 = arith.index_cast %parallel_loop3A_1250 : i32 to index
      %parallel_loop3A_1256 = tpu.vector_load %arg5[%parallel_loop3A_1253, %parallel_loop3A_1254, %parallel_loop3A_1255] {strides = array<i32>} : memref<26x4x128xi32, #tpu.memory_space<vmem>>, vector<16xi32>,
      %parallel_loop3A_1257 = arith.constant 4 : i32
      %parallel_loop3A_1258 = vector.broadcast %parallel_loop3A_1257 : i32 to vector<16xi32>
      %parallel_loop3A_1259 = arith.muli %parallel_loop3A_1256, %parallel_loop3A_1258 : vector<16xi32>
      %parallel_loop3A_1260 = arith.addi %parallel_loop3A_33, %parallel_loop3A_1259 : vector<16xi32>
      %parallel_loop3A_1261 = arith.constant 257 : i32
      %parallel_loop3A_1262 = vector.broadcast %parallel_loop3A_1261 : i32 to vector<16xi32>
      %parallel_loop3A_1263 = arith.addi %parallel_loop3A_1260, %parallel_loop3A_1262 : vector<16xi32>
      tpu.vector_store_idx %arg6[%parallel_loop3A_1263], %broadcast_in_dim3A_19 {add = true} : memref<49152xf32, #tpu.memory_space<vmem>>[vector<16xi32>], vector<16xf32>,
      %parallel_loop3A_1264 = arith.constant 16 : i32
      %parallel_loop3A_1265 = arith.muli %parallel_loop3A_26, %parallel_loop3A_1264 : i32
      %parallel_loop3A_1266 = arith.constant 20 : i32
      %parallel_loop3A_1267 = arith.constant 2 : i32
      %parallel_loop3A_1268 = arith.index_cast %parallel_loop3A_1266 : i32 to index
      %parallel_loop3A_1269 = arith.index_cast %parallel_loop3A_1267 : i32 to index
      %parallel_loop3A_1270 = arith.index_cast %parallel_loop3A_1265 : i32 to index
      %parallel_loop3A_1271 = tpu.vector_load %arg5[%parallel_loop3A_1268, %parallel_loop3A_1269, %parallel_loop3A_1270] {strides = array<i32>} : memref<26x4x128xi32, #tpu.memory_space<vmem>>, vector<16xi32>,
      %parallel_loop3A_1272 = arith.constant 4 : i32
      %parallel_loop3A_1273 = vector.broadcast %parallel_loop3A_1272 : i32 to vector<16xi32>
      %parallel_loop3A_1274 = arith.muli %parallel_loop3A_1271, %parallel_loop3A_1273 : vector<16xi32>
      %parallel_loop3A_1275 = arith.addi %parallel_loop3A_33, %parallel_loop3A_1274 : vector<16xi32>
      %parallel_loop3A_1276 = arith.constant 258 : i32
      %parallel_loop3A_1277 = vector.broadcast %parallel_loop3A_1276 : i32 to vector<16xi32>
      %parallel_loop3A_1278 = arith.addi %parallel_loop3A_1275, %parallel_loop3A_1277 : vector<16xi32>
      tpu.vector_store_idx %arg6[%parallel_loop3A_1278], %broadcast_in_dim3A_19 {add = true} : memref<49152xf32, #tpu.memory_space<vmem>>[vector<16xi32>], vector<16xf32>,
      %parallel_loop3A_1279 = arith.constant 16 : i32
      %parallel_loop3A_1280 = arith.muli %parallel_loop3A_26, %parallel_loop3A_1279 : i32
      %parallel_loop3A_1281 = arith.constant 20 : i32
      %parallel_loop3A_1282 = arith.constant 3 : i32
      %parallel_loop3A_1283 = arith.index_cast %parallel_loop3A_1281 : i32 to index
      %parallel_loop3A_1284 = arith.index_cast %parallel_loop3A_1282 : i32 to index
      %parallel_loop3A_1285 = arith.index_cast %parallel_loop3A_1280 : i32 to index
      %parallel_loop3A_1286 = tpu.vector_load %arg5[%parallel_loop3A_1283, %parallel_loop3A_1284, %parallel_loop3A_1285] {strides = array<i32>} : memref<26x4x128xi32, #tpu.memory_space<vmem>>, vector<16xi32>,
      %parallel_loop3A_1287 = arith.constant 4 : i32
      %parallel_loop3A_1288 = vector.broadcast %parallel_loop3A_1287 : i32 to vector<16xi32>
      %parallel_loop3A_1289 = arith.muli %parallel_loop3A_1286, %parallel_loop3A_1288 : vector<16xi32>
      %parallel_loop3A_1290 = arith.addi %parallel_loop3A_33, %parallel_loop3A_1289 : vector<16xi32>
      %parallel_loop3A_1291 = arith.constant 259 : i32
      %parallel_loop3A_1292 = vector.broadcast %parallel_loop3A_1291 : i32 to vector<16xi32>
      %parallel_loop3A_1293 = arith.addi %parallel_loop3A_1290, %parallel_loop3A_1292 : vector<16xi32>
      tpu.vector_store_idx %arg6[%parallel_loop3A_1293], %broadcast_in_dim3A_19 {add = true} : memref<49152xf32, #tpu.memory_space<vmem>>[vector<16xi32>], vector<16xf32>,
      %parallel_loop3A_1294 = arith.constant 16 : i32
      %parallel_loop3A_1295 = arith.muli %parallel_loop3A_26, %parallel_loop3A_1294 : i32
      %parallel_loop3A_1296 = arith.constant 21 : i32
      %parallel_loop3A_1297 = arith.constant 0 : i32
      %parallel_loop3A_1298 = arith.index_cast %parallel_loop3A_1296 : i32 to index
      %parallel_loop3A_1299 = arith.index_cast %parallel_loop3A_1297 : i32 to index
      %parallel_loop3A_1300 = arith.index_cast %parallel_loop3A_1295 : i32 to index
      %parallel_loop3A_1301 = tpu.vector_load %arg5[%parallel_loop3A_1298, %parallel_loop3A_1299, %parallel_loop3A_1300] {strides = array<i32>} : memref<26x4x128xi32, #tpu.memory_space<vmem>>, vector<16xi32>,
      %parallel_loop3A_1302 = arith.constant 4 : i32
      %parallel_loop3A_1303 = vector.broadcast %parallel_loop3A_1302 : i32 to vector<16xi32>
      %parallel_loop3A_1304 = arith.muli %parallel_loop3A_1301, %parallel_loop3A_1303 : vector<16xi32>
      %parallel_loop3A_1305 = arith.addi %parallel_loop3A_33, %parallel_loop3A_1304 : vector<16xi32>
      %parallel_loop3A_1306 = arith.constant 256 : i32
      %parallel_loop3A_1307 = vector.broadcast %parallel_loop3A_1306 : i32 to vector<16xi32>
      %parallel_loop3A_1308 = arith.addi %parallel_loop3A_1305, %parallel_loop3A_1307 : vector<16xi32>
      tpu.vector_store_idx %arg6[%parallel_loop3A_1308], %broadcast_in_dim3A_19 {add = true} : memref<49152xf32, #tpu.memory_space<vmem>>[vector<16xi32>], vector<16xf32>,
      %parallel_loop3A_1309 = arith.constant 16 : i32
      %parallel_loop3A_1310 = arith.muli %parallel_loop3A_26, %parallel_loop3A_1309 : i32
      %parallel_loop3A_1311 = arith.constant 21 : i32
      %parallel_loop3A_1312 = arith.constant 1 : i32
      %parallel_loop3A_1313 = arith.index_cast %parallel_loop3A_1311 : i32 to index
      %parallel_loop3A_1314 = arith.index_cast %parallel_loop3A_1312 : i32 to index
      %parallel_loop3A_1315 = arith.index_cast %parallel_loop3A_1310 : i32 to index
      %parallel_loop3A_1316 = tpu.vector_load %arg5[%parallel_loop3A_1313, %parallel_loop3A_1314, %parallel_loop3A_1315] {strides = array<i32>} : memref<26x4x128xi32, #tpu.memory_space<vmem>>, vector<16xi32>,
      %parallel_loop3A_1317 = arith.constant 4 : i32
      %parallel_loop3A_1318 = vector.broadcast %parallel_loop3A_1317 : i32 to vector<16xi32>
      %parallel_loop3A_1319 = arith.muli %parallel_loop3A_1316, %parallel_loop3A_1318 : vector<16xi32>
      %parallel_loop3A_1320 = arith.addi %parallel_loop3A_33, %parallel_loop3A_1319 : vector<16xi32>
      %parallel_loop3A_1321 = arith.constant 257 : i32
      %parallel_loop3A_1322 = vector.broadcast %parallel_loop3A_1321 : i32 to vector<16xi32>
      %parallel_loop3A_1323 = arith.addi %parallel_loop3A_1320, %parallel_loop3A_1322 : vector<16xi32>
      tpu.vector_store_idx %arg6[%parallel_loop3A_1323], %broadcast_in_dim3A_19 {add = true} : memref<49152xf32, #tpu.memory_space<vmem>>[vector<16xi32>], vector<16xf32>,
      %parallel_loop3A_1324 = arith.constant 16 : i32
      %parallel_loop3A_1325 = arith.muli %parallel_loop3A_26, %parallel_loop3A_1324 : i32
      %parallel_loop3A_1326 = arith.constant 21 : i32
      %parallel_loop3A_1327 = arith.constant 2 : i32
      %parallel_loop3A_1328 = arith.index_cast %parallel_loop3A_1326 : i32 to index
      %parallel_loop3A_1329 = arith.index_cast %parallel_loop3A_1327 : i32 to index
      %parallel_loop3A_1330 = arith.index_cast %parallel_loop3A_1325 : i32 to index
      %parallel_loop3A_1331 = tpu.vector_load %arg5[%parallel_loop3A_1328, %parallel_loop3A_1329, %parallel_loop3A_1330] {strides = array<i32>} : memref<26x4x128xi32, #tpu.memory_space<vmem>>, vector<16xi32>,
      %parallel_loop3A_1332 = arith.constant 4 : i32
      %parallel_loop3A_1333 = vector.broadcast %parallel_loop3A_1332 : i32 to vector<16xi32>
      %parallel_loop3A_1334 = arith.muli %parallel_loop3A_1331, %parallel_loop3A_1333 : vector<16xi32>
      %parallel_loop3A_1335 = arith.addi %parallel_loop3A_33, %parallel_loop3A_1334 : vector<16xi32>
      %parallel_loop3A_1336 = arith.constant 258 : i32
      %parallel_loop3A_1337 = vector.broadcast %parallel_loop3A_1336 : i32 to vector<16xi32>
      %parallel_loop3A_1338 = arith.addi %parallel_loop3A_1335, %parallel_loop3A_1337 : vector<16xi32>
      tpu.vector_store_idx %arg6[%parallel_loop3A_1338], %broadcast_in_dim3A_19 {add = true} : memref<49152xf32, #tpu.memory_space<vmem>>[vector<16xi32>], vector<16xf32>,
      %parallel_loop3A_1339 = arith.constant 16 : i32
      %parallel_loop3A_1340 = arith.muli %parallel_loop3A_26, %parallel_loop3A_1339 : i32
      %parallel_loop3A_1341 = arith.constant 21 : i32
      %parallel_loop3A_1342 = arith.constant 3 : i32
      %parallel_loop3A_1343 = arith.index_cast %parallel_loop3A_1341 : i32 to index
      %parallel_loop3A_1344 = arith.index_cast %parallel_loop3A_1342 : i32 to index
      %parallel_loop3A_1345 = arith.index_cast %parallel_loop3A_1340 : i32 to index
      %parallel_loop3A_1346 = tpu.vector_load %arg5[%parallel_loop3A_1343, %parallel_loop3A_1344, %parallel_loop3A_1345] {strides = array<i32>} : memref<26x4x128xi32, #tpu.memory_space<vmem>>, vector<16xi32>,
      %parallel_loop3A_1347 = arith.constant 4 : i32
      %parallel_loop3A_1348 = vector.broadcast %parallel_loop3A_1347 : i32 to vector<16xi32>
      %parallel_loop3A_1349 = arith.muli %parallel_loop3A_1346, %parallel_loop3A_1348 : vector<16xi32>
      %parallel_loop3A_1350 = arith.addi %parallel_loop3A_33, %parallel_loop3A_1349 : vector<16xi32>
      %parallel_loop3A_1351 = arith.constant 259 : i32
      %parallel_loop3A_1352 = vector.broadcast %parallel_loop3A_1351 : i32 to vector<16xi32>
      %parallel_loop3A_1353 = arith.addi %parallel_loop3A_1350, %parallel_loop3A_1352 : vector<16xi32>
      tpu.vector_store_idx %arg6[%parallel_loop3A_1353], %broadcast_in_dim3A_19 {add = true} : memref<49152xf32, #tpu.memory_space<vmem>>[vector<16xi32>], vector<16xf32>,
      %parallel_loop3A_1354 = arith.constant 16 : i32
      %parallel_loop3A_1355 = arith.muli %parallel_loop3A_26, %parallel_loop3A_1354 : i32
      %parallel_loop3A_1356 = arith.constant 22 : i32
      %parallel_loop3A_1357 = arith.constant 0 : i32
      %parallel_loop3A_1358 = arith.index_cast %parallel_loop3A_1356 : i32 to index
      %parallel_loop3A_1359 = arith.index_cast %parallel_loop3A_1357 : i32 to index
      %parallel_loop3A_1360 = arith.index_cast %parallel_loop3A_1355 : i32 to index
      %parallel_loop3A_1361 = tpu.vector_load %arg5[%parallel_loop3A_1358, %parallel_loop3A_1359, %parallel_loop3A_1360] {strides = array<i32>} : memref<26x4x128xi32, #tpu.memory_space<vmem>>, vector<16xi32>,
      %parallel_loop3A_1362 = arith.constant 4 : i32
      %parallel_loop3A_1363 = vector.broadcast %parallel_loop3A_1362 : i32 to vector<16xi32>
      %parallel_loop3A_1364 = arith.muli %parallel_loop3A_1361, %parallel_loop3A_1363 : vector<16xi32>
      %parallel_loop3A_1365 = arith.addi %parallel_loop3A_33, %parallel_loop3A_1364 : vector<16xi32>
      %parallel_loop3A_1366 = arith.constant 256 : i32
      %parallel_loop3A_1367 = vector.broadcast %parallel_loop3A_1366 : i32 to vector<16xi32>
      %parallel_loop3A_1368 = arith.addi %parallel_loop3A_1365, %parallel_loop3A_1367 : vector<16xi32>
      tpu.vector_store_idx %arg6[%parallel_loop3A_1368], %broadcast_in_dim3A_19 {add = true} : memref<49152xf32, #tpu.memory_space<vmem>>[vector<16xi32>], vector<16xf32>,
      %parallel_loop3A_1369 = arith.constant 16 : i32
      %parallel_loop3A_1370 = arith.muli %parallel_loop3A_26, %parallel_loop3A_1369 : i32
      %parallel_loop3A_1371 = arith.constant 22 : i32
      %parallel_loop3A_1372 = arith.constant 1 : i32
      %parallel_loop3A_1373 = arith.index_cast %parallel_loop3A_1371 : i32 to index
      %parallel_loop3A_1374 = arith.index_cast %parallel_loop3A_1372 : i32 to index
      %parallel_loop3A_1375 = arith.index_cast %parallel_loop3A_1370 : i32 to index
      %parallel_loop3A_1376 = tpu.vector_load %arg5[%parallel_loop3A_1373, %parallel_loop3A_1374, %parallel_loop3A_1375] {strides = array<i32>} : memref<26x4x128xi32, #tpu.memory_space<vmem>>, vector<16xi32>,
      %parallel_loop3A_1377 = arith.constant 4 : i32
      %parallel_loop3A_1378 = vector.broadcast %parallel_loop3A_1377 : i32 to vector<16xi32>
      %parallel_loop3A_1379 = arith.muli %parallel_loop3A_1376, %parallel_loop3A_1378 : vector<16xi32>
      %parallel_loop3A_1380 = arith.addi %parallel_loop3A_33, %parallel_loop3A_1379 : vector<16xi32>
      %parallel_loop3A_1381 = arith.constant 257 : i32
      %parallel_loop3A_1382 = vector.broadcast %parallel_loop3A_1381 : i32 to vector<16xi32>
      %parallel_loop3A_1383 = arith.addi %parallel_loop3A_1380, %parallel_loop3A_1382 : vector<16xi32>
      tpu.vector_store_idx %arg6[%parallel_loop3A_1383], %broadcast_in_dim3A_19 {add = true} : memref<49152xf32, #tpu.memory_space<vmem>>[vector<16xi32>], vector<16xf32>,
      %parallel_loop3A_1384 = arith.constant 16 : i32
      %parallel_loop3A_1385 = arith.muli %parallel_loop3A_26, %parallel_loop3A_1384 : i32
      %parallel_loop3A_1386 = arith.constant 22 : i32
      %parallel_loop3A_1387 = arith.constant 2 : i32
      %parallel_loop3A_1388 = arith.index_cast %parallel_loop3A_1386 : i32 to index
      %parallel_loop3A_1389 = arith.index_cast %parallel_loop3A_1387 : i32 to index
      %parallel_loop3A_1390 = arith.index_cast %parallel_loop3A_1385 : i32 to index
      %parallel_loop3A_1391 = tpu.vector_load %arg5[%parallel_loop3A_1388, %parallel_loop3A_1389, %parallel_loop3A_1390] {strides = array<i32>} : memref<26x4x128xi32, #tpu.memory_space<vmem>>, vector<16xi32>,
      %parallel_loop3A_1392 = arith.constant 4 : i32
      %parallel_loop3A_1393 = vector.broadcast %parallel_loop3A_1392 : i32 to vector<16xi32>
      %parallel_loop3A_1394 = arith.muli %parallel_loop3A_1391, %parallel_loop3A_1393 : vector<16xi32>
      %parallel_loop3A_1395 = arith.addi %parallel_loop3A_33, %parallel_loop3A_1394 : vector<16xi32>
      %parallel_loop3A_1396 = arith.constant 258 : i32
      %parallel_loop3A_1397 = vector.broadcast %parallel_loop3A_1396 : i32 to vector<16xi32>
      %parallel_loop3A_1398 = arith.addi %parallel_loop3A_1395, %parallel_loop3A_1397 : vector<16xi32>
      tpu.vector_store_idx %arg6[%parallel_loop3A_1398], %broadcast_in_dim3A_19 {add = true} : memref<49152xf32, #tpu.memory_space<vmem>>[vector<16xi32>], vector<16xf32>,
      %parallel_loop3A_1399 = arith.constant 16 : i32
      %parallel_loop3A_1400 = arith.muli %parallel_loop3A_26, %parallel_loop3A_1399 : i32
      %parallel_loop3A_1401 = arith.constant 22 : i32
      %parallel_loop3A_1402 = arith.constant 3 : i32
      %parallel_loop3A_1403 = arith.index_cast %parallel_loop3A_1401 : i32 to index
      %parallel_loop3A_1404 = arith.index_cast %parallel_loop3A_1402 : i32 to index
      %parallel_loop3A_1405 = arith.index_cast %parallel_loop3A_1400 : i32 to index
      %parallel_loop3A_1406 = tpu.vector_load %arg5[%parallel_loop3A_1403, %parallel_loop3A_1404, %parallel_loop3A_1405] {strides = array<i32>} : memref<26x4x128xi32, #tpu.memory_space<vmem>>, vector<16xi32>,
      %parallel_loop3A_1407 = arith.constant 4 : i32
      %parallel_loop3A_1408 = vector.broadcast %parallel_loop3A_1407 : i32 to vector<16xi32>
      %parallel_loop3A_1409 = arith.muli %parallel_loop3A_1406, %parallel_loop3A_1408 : vector<16xi32>
      %parallel_loop3A_1410 = arith.addi %parallel_loop3A_33, %parallel_loop3A_1409 : vector<16xi32>
      %parallel_loop3A_1411 = arith.constant 259 : i32
      %parallel_loop3A_1412 = vector.broadcast %parallel_loop3A_1411 : i32 to vector<16xi32>
      %parallel_loop3A_1413 = arith.addi %parallel_loop3A_1410, %parallel_loop3A_1412 : vector<16xi32>
      tpu.vector_store_idx %arg6[%parallel_loop3A_1413], %broadcast_in_dim3A_19 {add = true} : memref<49152xf32, #tpu.memory_space<vmem>>[vector<16xi32>], vector<16xf32>,
      %parallel_loop3A_1414 = arith.constant 16 : i32
      %parallel_loop3A_1415 = arith.muli %parallel_loop3A_26, %parallel_loop3A_1414 : i32
      %parallel_loop3A_1416 = arith.constant 23 : i32
      %parallel_loop3A_1417 = arith.constant 0 : i32
      %parallel_loop3A_1418 = arith.index_cast %parallel_loop3A_1416 : i32 to index
      %parallel_loop3A_1419 = arith.index_cast %parallel_loop3A_1417 : i32 to index
      %parallel_loop3A_1420 = arith.index_cast %parallel_loop3A_1415 : i32 to index
      %parallel_loop3A_1421 = tpu.vector_load %arg5[%parallel_loop3A_1418, %parallel_loop3A_1419, %parallel_loop3A_1420] {strides = array<i32>} : memref<26x4x128xi32, #tpu.memory_space<vmem>>, vector<16xi32>,
      %parallel_loop3A_1422 = arith.constant 4 : i32
      %parallel_loop3A_1423 = vector.broadcast %parallel_loop3A_1422 : i32 to vector<16xi32>
      %parallel_loop3A_1424 = arith.muli %parallel_loop3A_1421, %parallel_loop3A_1423 : vector<16xi32>
      %parallel_loop3A_1425 = arith.addi %parallel_loop3A_33, %parallel_loop3A_1424 : vector<16xi32>
      %parallel_loop3A_1426 = arith.constant 256 : i32
      %parallel_loop3A_1427 = vector.broadcast %parallel_loop3A_1426 : i32 to vector<16xi32>
      %parallel_loop3A_1428 = arith.addi %parallel_loop3A_1425, %parallel_loop3A_1427 : vector<16xi32>
      tpu.vector_store_idx %arg6[%parallel_loop3A_1428], %broadcast_in_dim3A_19 {add = true} : memref<49152xf32, #tpu.memory_space<vmem>>[vector<16xi32>], vector<16xf32>,
      %parallel_loop3A_1429 = arith.constant 16 : i32
      %parallel_loop3A_1430 = arith.muli %parallel_loop3A_26, %parallel_loop3A_1429 : i32
      %parallel_loop3A_1431 = arith.constant 23 : i32
      %parallel_loop3A_1432 = arith.constant 1 : i32
      %parallel_loop3A_1433 = arith.index_cast %parallel_loop3A_1431 : i32 to index
      %parallel_loop3A_1434 = arith.index_cast %parallel_loop3A_1432 : i32 to index
      %parallel_loop3A_1435 = arith.index_cast %parallel_loop3A_1430 : i32 to index
      %parallel_loop3A_1436 = tpu.vector_load %arg5[%parallel_loop3A_1433, %parallel_loop3A_1434, %parallel_loop3A_1435] {strides = array<i32>} : memref<26x4x128xi32, #tpu.memory_space<vmem>>, vector<16xi32>,
      %parallel_loop3A_1437 = arith.constant 4 : i32
      %parallel_loop3A_1438 = vector.broadcast %parallel_loop3A_1437 : i32 to vector<16xi32>
      %parallel_loop3A_1439 = arith.muli %parallel_loop3A_1436, %parallel_loop3A_1438 : vector<16xi32>
      %parallel_loop3A_1440 = arith.addi %parallel_loop3A_33, %parallel_loop3A_1439 : vector<16xi32>
      %parallel_loop3A_1441 = arith.constant 257 : i32
      %parallel_loop3A_1442 = vector.broadcast %parallel_loop3A_1441 : i32 to vector<16xi32>
      %parallel_loop3A_1443 = arith.addi %parallel_loop3A_1440, %parallel_loop3A_1442 : vector<16xi32>
      tpu.vector_store_idx %arg6[%parallel_loop3A_1443], %broadcast_in_dim3A_19 {add = true} : memref<49152xf32, #tpu.memory_space<vmem>>[vector<16xi32>], vector<16xf32>,
      %parallel_loop3A_1444 = arith.constant 16 : i32
      %parallel_loop3A_1445 = arith.muli %parallel_loop3A_26, %parallel_loop3A_1444 : i32
      %parallel_loop3A_1446 = arith.constant 23 : i32
      %parallel_loop3A_1447 = arith.constant 2 : i32
      %parallel_loop3A_1448 = arith.index_cast %parallel_loop3A_1446 : i32 to index
      %parallel_loop3A_1449 = arith.index_cast %parallel_loop3A_1447 : i32 to index
      %parallel_loop3A_1450 = arith.index_cast %parallel_loop3A_1445 : i32 to index
      %parallel_loop3A_1451 = tpu.vector_load %arg5[%parallel_loop3A_1448, %parallel_loop3A_1449, %parallel_loop3A_1450] {strides = array<i32>} : memref<26x4x128xi32, #tpu.memory_space<vmem>>, vector<16xi32>,
      %parallel_loop3A_1452 = arith.constant 4 : i32
      %parallel_loop3A_1453 = vector.broadcast %parallel_loop3A_1452 : i32 to vector<16xi32>
      %parallel_loop3A_1454 = arith.muli %parallel_loop3A_1451, %parallel_loop3A_1453 : vector<16xi32>
      %parallel_loop3A_1455 = arith.addi %parallel_loop3A_33, %parallel_loop3A_1454 : vector<16xi32>
      %parallel_loop3A_1456 = arith.constant 258 : i32
      %parallel_loop3A_1457 = vector.broadcast %parallel_loop3A_1456 : i32 to vector<16xi32>
      %parallel_loop3A_1458 = arith.addi %parallel_loop3A_1455, %parallel_loop3A_1457 : vector<16xi32>
      tpu.vector_store_idx %arg6[%parallel_loop3A_1458], %broadcast_in_dim3A_19 {add = true} : memref<49152xf32, #tpu.memory_space<vmem>>[vector<16xi32>], vector<16xf32>,
      %parallel_loop3A_1459 = arith.constant 16 : i32
      %parallel_loop3A_1460 = arith.muli %parallel_loop3A_26, %parallel_loop3A_1459 : i32
      %parallel_loop3A_1461 = arith.constant 23 : i32
      %parallel_loop3A_1462 = arith.constant 3 : i32
      %parallel_loop3A_1463 = arith.index_cast %parallel_loop3A_1461 : i32 to index
      %parallel_loop3A_1464 = arith.index_cast %parallel_loop3A_1462 : i32 to index
      %parallel_loop3A_1465 = arith.index_cast %parallel_loop3A_1460 : i32 to index
      %parallel_loop3A_1466 = tpu.vector_load %arg5[%parallel_loop3A_1463, %parallel_loop3A_1464, %parallel_loop3A_1465] {strides = array<i32>} : memref<26x4x128xi32, #tpu.memory_space<vmem>>, vector<16xi32>,
      %parallel_loop3A_1467 = arith.constant 4 : i32
      %parallel_loop3A_1468 = vector.broadcast %parallel_loop3A_1467 : i32 to vector<16xi32>
      %parallel_loop3A_1469 = arith.muli %parallel_loop3A_1466, %parallel_loop3A_1468 : vector<16xi32>
      %parallel_loop3A_1470 = arith.addi %parallel_loop3A_33, %parallel_loop3A_1469 : vector<16xi32>
      %parallel_loop3A_1471 = arith.constant 259 : i32
      %parallel_loop3A_1472 = vector.broadcast %parallel_loop3A_1471 : i32 to vector<16xi32>
      %parallel_loop3A_1473 = arith.addi %parallel_loop3A_1470, %parallel_loop3A_1472 : vector<16xi32>
      tpu.vector_store_idx %arg6[%parallel_loop3A_1473], %broadcast_in_dim3A_19 {add = true} : memref<49152xf32, #tpu.memory_space<vmem>>[vector<16xi32>], vector<16xf32>,
      %parallel_loop3A_1474 = arith.constant 16 : i32
      %parallel_loop3A_1475 = arith.muli %parallel_loop3A_26, %parallel_loop3A_1474 : i32
      %parallel_loop3A_1476 = arith.constant 24 : i32
      %parallel_loop3A_1477 = arith.constant 0 : i32
      %parallel_loop3A_1478 = arith.index_cast %parallel_loop3A_1476 : i32 to index
      %parallel_loop3A_1479 = arith.index_cast %parallel_loop3A_1477 : i32 to index
      %parallel_loop3A_1480 = arith.index_cast %parallel_loop3A_1475 : i32 to index
      %parallel_loop3A_1481 = tpu.vector_load %arg5[%parallel_loop3A_1478, %parallel_loop3A_1479, %parallel_loop3A_1480] {strides = array<i32>} : memref<26x4x128xi32, #tpu.memory_space<vmem>>, vector<16xi32>,
      %parallel_loop3A_1482 = arith.constant 4 : i32
      %parallel_loop3A_1483 = vector.broadcast %parallel_loop3A_1482 : i32 to vector<16xi32>
      %parallel_loop3A_1484 = arith.muli %parallel_loop3A_1481, %parallel_loop3A_1483 : vector<16xi32>
      %parallel_loop3A_1485 = arith.addi %parallel_loop3A_33, %parallel_loop3A_1484 : vector<16xi32>
      %parallel_loop3A_1486 = arith.constant 256 : i32
      %parallel_loop3A_1487 = vector.broadcast %parallel_loop3A_1486 : i32 to vector<16xi32>
      %parallel_loop3A_1488 = arith.addi %parallel_loop3A_1485, %parallel_loop3A_1487 : vector<16xi32>
      tpu.vector_store_idx %arg6[%parallel_loop3A_1488], %broadcast_in_dim3A_19 {add = true} : memref<49152xf32, #tpu.memory_space<vmem>>[vector<16xi32>], vector<16xf32>,
      %parallel_loop3A_1489 = arith.constant 16 : i32
      %parallel_loop3A_1490 = arith.muli %parallel_loop3A_26, %parallel_loop3A_1489 : i32
      %parallel_loop3A_1491 = arith.constant 24 : i32
      %parallel_loop3A_1492 = arith.constant 1 : i32
      %parallel_loop3A_1493 = arith.index_cast %parallel_loop3A_1491 : i32 to index
      %parallel_loop3A_1494 = arith.index_cast %parallel_loop3A_1492 : i32 to index
      %parallel_loop3A_1495 = arith.index_cast %parallel_loop3A_1490 : i32 to index
      %parallel_loop3A_1496 = tpu.vector_load %arg5[%parallel_loop3A_1493, %parallel_loop3A_1494, %parallel_loop3A_1495] {strides = array<i32>} : memref<26x4x128xi32, #tpu.memory_space<vmem>>, vector<16xi32>,
      %parallel_loop3A_1497 = arith.constant 4 : i32
      %parallel_loop3A_1498 = vector.broadcast %parallel_loop3A_1497 : i32 to vector<16xi32>
      %parallel_loop3A_1499 = arith.muli %parallel_loop3A_1496, %parallel_loop3A_1498 : vector<16xi32>
      %parallel_loop3A_1500 = arith.addi %parallel_loop3A_33, %parallel_loop3A_1499 : vector<16xi32>
      %parallel_loop3A_1501 = arith.constant 257 : i32
      %parallel_loop3A_1502 = vector.broadcast %parallel_loop3A_1501 : i32 to vector<16xi32>
      %parallel_loop3A_1503 = arith.addi %parallel_loop3A_1500, %parallel_loop3A_1502 : vector<16xi32>
      tpu.vector_store_idx %arg6[%parallel_loop3A_1503], %broadcast_in_dim3A_19 {add = true} : memref<49152xf32, #tpu.memory_space<vmem>>[vector<16xi32>], vector<16xf32>,
      %parallel_loop3A_1504 = arith.constant 16 : i32
      %parallel_loop3A_1505 = arith.muli %parallel_loop3A_26, %parallel_loop3A_1504 : i32
      %parallel_loop3A_1506 = arith.constant 24 : i32
      %parallel_loop3A_1507 = arith.constant 2 : i32
      %parallel_loop3A_1508 = arith.index_cast %parallel_loop3A_1506 : i32 to index
      %parallel_loop3A_1509 = arith.index_cast %parallel_loop3A_1507 : i32 to index
      %parallel_loop3A_1510 = arith.index_cast %parallel_loop3A_1505 : i32 to index
      %parallel_loop3A_1511 = tpu.vector_load %arg5[%parallel_loop3A_1508, %parallel_loop3A_1509, %parallel_loop3A_1510] {strides = array<i32>} : memref<26x4x128xi32, #tpu.memory_space<vmem>>, vector<16xi32>,
      %parallel_loop3A_1512 = arith.constant 4 : i32
      %parallel_loop3A_1513 = vector.broadcast %parallel_loop3A_1512 : i32 to vector<16xi32>
      %parallel_loop3A_1514 = arith.muli %parallel_loop3A_1511, %parallel_loop3A_1513 : vector<16xi32>
      %parallel_loop3A_1515 = arith.addi %parallel_loop3A_33, %parallel_loop3A_1514 : vector<16xi32>
      %parallel_loop3A_1516 = arith.constant 258 : i32
      %parallel_loop3A_1517 = vector.broadcast %parallel_loop3A_1516 : i32 to vector<16xi32>
      %parallel_loop3A_1518 = arith.addi %parallel_loop3A_1515, %parallel_loop3A_1517 : vector<16xi32>
      tpu.vector_store_idx %arg6[%parallel_loop3A_1518], %broadcast_in_dim3A_19 {add = true} : memref<49152xf32, #tpu.memory_space<vmem>>[vector<16xi32>], vector<16xf32>,
      %parallel_loop3A_1519 = arith.constant 16 : i32
      %parallel_loop3A_1520 = arith.muli %parallel_loop3A_26, %parallel_loop3A_1519 : i32
      %parallel_loop3A_1521 = arith.constant 24 : i32
      %parallel_loop3A_1522 = arith.constant 3 : i32
      %parallel_loop3A_1523 = arith.index_cast %parallel_loop3A_1521 : i32 to index
      %parallel_loop3A_1524 = arith.index_cast %parallel_loop3A_1522 : i32 to index
      %parallel_loop3A_1525 = arith.index_cast %parallel_loop3A_1520 : i32 to index
      %parallel_loop3A_1526 = tpu.vector_load %arg5[%parallel_loop3A_1523, %parallel_loop3A_1524, %parallel_loop3A_1525] {strides = array<i32>} : memref<26x4x128xi32, #tpu.memory_space<vmem>>, vector<16xi32>,
      %parallel_loop3A_1527 = arith.constant 4 : i32
      %parallel_loop3A_1528 = vector.broadcast %parallel_loop3A_1527 : i32 to vector<16xi32>
      %parallel_loop3A_1529 = arith.muli %parallel_loop3A_1526, %parallel_loop3A_1528 : vector<16xi32>
      %parallel_loop3A_1530 = arith.addi %parallel_loop3A_33, %parallel_loop3A_1529 : vector<16xi32>
      %parallel_loop3A_1531 = arith.constant 259 : i32
      %parallel_loop3A_1532 = vector.broadcast %parallel_loop3A_1531 : i32 to vector<16xi32>
      %parallel_loop3A_1533 = arith.addi %parallel_loop3A_1530, %parallel_loop3A_1532 : vector<16xi32>
      tpu.vector_store_idx %arg6[%parallel_loop3A_1533], %broadcast_in_dim3A_19 {add = true} : memref<49152xf32, #tpu.memory_space<vmem>>[vector<16xi32>], vector<16xf32>,
      %parallel_loop3A_1534 = arith.constant 16 : i32
      %parallel_loop3A_1535 = arith.muli %parallel_loop3A_26, %parallel_loop3A_1534 : i32
      %parallel_loop3A_1536 = arith.constant 25 : i32
      %parallel_loop3A_1537 = arith.constant 0 : i32
      %parallel_loop3A_1538 = arith.index_cast %parallel_loop3A_1536 : i32 to index
      %parallel_loop3A_1539 = arith.index_cast %parallel_loop3A_1537 : i32 to index
      %parallel_loop3A_1540 = arith.index_cast %parallel_loop3A_1535 : i32 to index
      %parallel_loop3A_1541 = tpu.vector_load %arg5[%parallel_loop3A_1538, %parallel_loop3A_1539, %parallel_loop3A_1540] {strides = array<i32>} : memref<26x4x128xi32, #tpu.memory_space<vmem>>, vector<16xi32>,
      %parallel_loop3A_1542 = arith.constant 4 : i32
      %parallel_loop3A_1543 = vector.broadcast %parallel_loop3A_1542 : i32 to vector<16xi32>
      %parallel_loop3A_1544 = arith.muli %parallel_loop3A_1541, %parallel_loop3A_1543 : vector<16xi32>
      %parallel_loop3A_1545 = arith.addi %parallel_loop3A_33, %parallel_loop3A_1544 : vector<16xi32>
      %parallel_loop3A_1546 = arith.constant 256 : i32
      %parallel_loop3A_1547 = vector.broadcast %parallel_loop3A_1546 : i32 to vector<16xi32>
      %parallel_loop3A_1548 = arith.addi %parallel_loop3A_1545, %parallel_loop3A_1547 : vector<16xi32>
      tpu.vector_store_idx %arg6[%parallel_loop3A_1548], %broadcast_in_dim3A_19 {add = true} : memref<49152xf32, #tpu.memory_space<vmem>>[vector<16xi32>], vector<16xf32>,
      %parallel_loop3A_1549 = arith.constant 16 : i32
      %parallel_loop3A_1550 = arith.muli %parallel_loop3A_26, %parallel_loop3A_1549 : i32
      %parallel_loop3A_1551 = arith.constant 25 : i32
      %parallel_loop3A_1552 = arith.constant 1 : i32
      %parallel_loop3A_1553 = arith.index_cast %parallel_loop3A_1551 : i32 to index
      %parallel_loop3A_1554 = arith.index_cast %parallel_loop3A_1552 : i32 to index
      %parallel_loop3A_1555 = arith.index_cast %parallel_loop3A_1550 : i32 to index
      %parallel_loop3A_1556 = tpu.vector_load %arg5[%parallel_loop3A_1553, %parallel_loop3A_1554, %parallel_loop3A_1555] {strides = array<i32>} : memref<26x4x128xi32, #tpu.memory_space<vmem>>, vector<16xi32>,
      %parallel_loop3A_1557 = arith.constant 4 : i32
      %parallel_loop3A_1558 = vector.broadcast %parallel_loop3A_1557 : i32 to vector<16xi32>
      %parallel_loop3A_1559 = arith.muli %parallel_loop3A_1556, %parallel_loop3A_1558 : vector<16xi32>
      %parallel_loop3A_1560 = arith.addi %parallel_loop3A_33, %parallel_loop3A_1559 : vector<16xi32>
      %parallel_loop3A_1561 = arith.constant 257 : i32
      %parallel_loop3A_1562 = vector.broadcast %parallel_loop3A_1561 : i32 to vector<16xi32>
      %parallel_loop3A_1563 = arith.addi %parallel_loop3A_1560, %parallel_loop3A_1562 : vector<16xi32>
      tpu.vector_store_idx %arg6[%parallel_loop3A_1563], %broadcast_in_dim3A_19 {add = true} : memref<49152xf32, #tpu.memory_space<vmem>>[vector<16xi32>], vector<16xf32>,
      %parallel_loop3A_1564 = arith.constant 16 : i32
      %parallel_loop3A_1565 = arith.muli %parallel_loop3A_26, %parallel_loop3A_1564 : i32
      %parallel_loop3A_1566 = arith.constant 25 : i32
      %parallel_loop3A_1567 = arith.constant 2 : i32
      %parallel_loop3A_1568 = arith.index_cast %parallel_loop3A_1566 : i32 to index
      %parallel_loop3A_1569 = arith.index_cast %parallel_loop3A_1567 : i32 to index
      %parallel_loop3A_1570 = arith.index_cast %parallel_loop3A_1565 : i32 to index
      %parallel_loop3A_1571 = tpu.vector_load %arg5[%parallel_loop3A_1568, %parallel_loop3A_1569, %parallel_loop3A_1570] {strides = array<i32>} : memref<26x4x128xi32, #tpu.memory_space<vmem>>, vector<16xi32>,
      %parallel_loop3A_1572 = arith.constant 4 : i32
      %parallel_loop3A_1573 = vector.broadcast %parallel_loop3A_1572 : i32 to vector<16xi32>
      %parallel_loop3A_1574 = arith.muli %parallel_loop3A_1571, %parallel_loop3A_1573 : vector<16xi32>
      %parallel_loop3A_1575 = arith.addi %parallel_loop3A_33, %parallel_loop3A_1574 : vector<16xi32>
      %parallel_loop3A_1576 = arith.constant 258 : i32
      %parallel_loop3A_1577 = vector.broadcast %parallel_loop3A_1576 : i32 to vector<16xi32>
      %parallel_loop3A_1578 = arith.addi %parallel_loop3A_1575, %parallel_loop3A_1577 : vector<16xi32>
      tpu.vector_store_idx %arg6[%parallel_loop3A_1578], %broadcast_in_dim3A_19 {add = true} : memref<49152xf32, #tpu.memory_space<vmem>>[vector<16xi32>], vector<16xf32>,
      %parallel_loop3A_1579 = arith.constant 16 : i32
      %parallel_loop3A_1580 = arith.muli %parallel_loop3A_26, %parallel_loop3A_1579 : i32
      %parallel_loop3A_1581 = arith.constant 25 : i32
      %parallel_loop3A_1582 = arith.constant 3 : i32
      %parallel_loop3A_1583 = arith.index_cast %parallel_loop3A_1581 : i32 to index
      %parallel_loop3A_1584 = arith.index_cast %parallel_loop3A_1582 : i32 to index
      %parallel_loop3A_1585 = arith.index_cast %parallel_loop3A_1580 : i32 to index
      %parallel_loop3A_1586 = tpu.vector_load %arg5[%parallel_loop3A_1583, %parallel_loop3A_1584, %parallel_loop3A_1585] {strides = array<i32>} : memref<26x4x128xi32, #tpu.memory_space<vmem>>, vector<16xi32>,
      %parallel_loop3A_1587 = arith.constant 4 : i32
      %parallel_loop3A_1588 = vector.broadcast %parallel_loop3A_1587 : i32 to vector<16xi32>
      %parallel_loop3A_1589 = arith.muli %parallel_loop3A_1586, %parallel_loop3A_1588 : vector<16xi32>
      %parallel_loop3A_1590 = arith.addi %parallel_loop3A_33, %parallel_loop3A_1589 : vector<16xi32>
      %parallel_loop3A_1591 = arith.constant 259 : i32
      %parallel_loop3A_1592 = vector.broadcast %parallel_loop3A_1591 : i32 to vector<16xi32>
      %parallel_loop3A_1593 = arith.addi %parallel_loop3A_1590, %parallel_loop3A_1592 : vector<16xi32>
      tpu.vector_store_idx %arg6[%parallel_loop3A_1593], %broadcast_in_dim3A_19 {add = true} : memref<49152xf32, #tpu.memory_space<vmem>>[vector<16xi32>], vector<16xf32>,
    } {sc.loop_unroll_factor = 2 : i64, sc.parallel_access}
    %mul3A_22 = arith.constant 128 : i32
    %mul3A_23 = arith.muli %add3A, %mul3A_22 : i32
    %mul3A_24 = arith.constant 384 : i32
    %mul3A_25 = arith.muli %mul3A_23, %mul3A_24 : i32
    "tpu.region"() ({
      %run_scoped3A = tpu.sem_alloc : memref<!tpu.dma_semaphore, #tpu.memory_space<semaphore_mem>>
      %dma_start3A_26 = tpu.memref_slice %arg4[%mul3A_25] : memref<1572864xf32, #tpu.memory_space<hbm>> -> memref<49152xf32, #tpu.memory_space<hbm>>
      %dma_start3A_27 = tpu.memref_slice %arg4[%mul3A_25] : memref<1572864xf32, #tpu.memory_space<hbm>> -> memref<49152xf32, #tpu.memory_space<hbm>>
      tpu.enqueue_dma source(%arg6 : memref<49152xf32, #tpu.memory_space<vmem>>) target(%dma_start3A_27 : memref<49152xf32, #tpu.memory_space<hbm>>) target_semaphore(%run_scoped3A : memref<!tpu.dma_semaphore, #tpu.memory_space<semaphore_mem>>)
      %dma_wait3A_28 = tpu.memref_slice %arg4[%mul3A_25] : memref<1572864xf32, #tpu.memory_space<hbm>> -> memref<49152xf32, #tpu.memory_space<hbm>>
      %dma_wait3A_29 = tpu.memref_slice %arg4[%mul3A_25] : memref<1572864xf32, #tpu.memory_space<hbm>> -> memref<49152xf32, #tpu.memory_space<hbm>>
      tpu.wait_dma2 semaphore(%run_scoped3A : memref<!tpu.dma_semaphore, #tpu.memory_space<semaphore_mem>>) src(%arg6 : memref<49152xf32, #tpu.memory_space<vmem>>) dst(%dma_wait3A_29 : memref<49152xf32, #tpu.memory_space<hbm>>)
      tpu.yield
    }) : () -> ()
    return
  }
}

module attributes {stable_mosaic.version = 14 : i64} {
  func.func @_flen_tc(%arg0: i32, %arg1: memref<512x384xf32, #tpu.memory_space<vmem>>, %arg2: memref<10x128x128xf32, #tpu.memory_space<vmem>>, %arg3: memref<4x128xf32, #tpu.memory_space<vmem>>, %arg4: memref<512x4xf32, #tpu.memory_space<vmem>>) attributes {dimension_semantics = [#tpu.dimension_semantics<arbitrary>], iteration_bounds = array<i64: 8>, scalar_prefetch = 0 : i64, scratch_operands = 0 : i64, tpu.core_type = #tpu.core_type<tc>, window_params = [{transform_indices = @transform_0, window_bounds = array<i64: 512, 384>}, {pipeline_mode = #tpu.pipeline_mode<synchronous>, transform_indices = @transform_1, window_bounds = array<i64: 10, 128, 128>}, {pipeline_mode = #tpu.pipeline_mode<synchronous>, transform_indices = @transform_2, window_bounds = array<i64: 4, 128>}, {transform_indices = @transform_3, window_bounds = array<i64: 512, 4>}]} {
    %get3A = arith.constant 0 : index
    %get3A_0 = arith.constant 0 : index
    %get3A_1 = vector.load %arg1[%get3A, %get3A_0] : memref<512x384xf32, #tpu.memory_space<vmem>>, vector<512x128xf32>
    %get3A_2 = arith.constant 0 : index
    %get3A_3 = arith.constant 128 : index
    %get3A_4 = vector.load %arg1[%get3A_2, %get3A_3] : memref<512x384xf32, #tpu.memory_space<vmem>>, vector<512x128xf32>
    %get3A_5 = arith.constant 0 : index
    %get3A_6 = arith.constant 256 : index
    %get3A_7 = vector.load %arg1[%get3A_5, %get3A_6] : memref<512x384xf32, #tpu.memory_space<vmem>>, vector<512x128xf32>
    %get3A_8 = arith.constant 0 : index
    %get3A_9 = arith.constant 0 : index
    %get3A_10 = arith.constant 0 : index
    %get3A_11 = vector.load %arg2[%get3A_8, %get3A_9, %get3A_10] : memref<10x128x128xf32, #tpu.memory_space<vmem>>, vector<1x128x128xf32>
    %get3A_12 = vector.shape_cast %get3A_11 : vector<1x128x128xf32> to vector<128x128xf32>
    %dot_general3A = arith.constant dense<0.000000e+00> : vector<512x128xf32>
    %dot_general3A_13 = tpu.matmul %get3A_1, %get3A_12, %dot_general3A {dimension_numbers = #tpu.dot_dimension_numbers<[1], [0], [0], [1], [0, 0, 1, 1], [], []>, transpose_lhs_hint = false} : vector<512x128xf32>, vector<128x128xf32>, vector<512x128xf32> -> vector<512x128xf32>
    %get3A_14 = arith.constant 0 : index
    %get3A_15 = arith.constant 0 : index
    %get3A_16 = arith.constant 0 : index
    %get3A_17 = vector.load %arg2[%get3A_14, %get3A_15, %get3A_16] : memref<10x128x128xf32, #tpu.memory_space<vmem>>, vector<1x128x128xf32>
    %get3A_18 = vector.shape_cast %get3A_17 : vector<1x128x128xf32> to vector<128x128xf32>
    %dot_general3A_19 = arith.constant dense<0.000000e+00> : vector<512x128xf32>
    %dot_general3A_20 = tpu.matmul %get3A_4, %get3A_18, %dot_general3A_19 {dimension_numbers = #tpu.dot_dimension_numbers<[1], [0], [0], [1], [0, 0, 1, 1], [], []>, transpose_lhs_hint = false} : vector<512x128xf32>, vector<128x128xf32>, vector<512x128xf32> -> vector<512x128xf32>
    %get3A_21 = arith.constant 0 : index
    %get3A_22 = arith.constant 0 : index
    %get3A_23 = arith.constant 0 : index
    %get3A_24 = vector.load %arg2[%get3A_21, %get3A_22, %get3A_23] : memref<10x128x128xf32, #tpu.memory_space<vmem>>, vector<1x128x128xf32>
    %get3A_25 = vector.shape_cast %get3A_24 : vector<1x128x128xf32> to vector<128x128xf32>
    %dot_general3A_26 = arith.constant dense<0.000000e+00> : vector<512x128xf32>
    %dot_general3A_27 = tpu.matmul %get3A_7, %get3A_25, %dot_general3A_26 {dimension_numbers = #tpu.dot_dimension_numbers<[1], [0], [0], [1], [0, 0, 1, 1], [], []>, transpose_lhs_hint = false} : vector<512x128xf32>, vector<128x128xf32>, vector<512x128xf32> -> vector<512x128xf32>
    %get3A_28 = arith.constant 1 : index
    %get3A_29 = arith.constant 0 : index
    %get3A_30 = arith.constant 0 : index
    %get3A_31 = vector.load %arg2[%get3A_28, %get3A_29, %get3A_30] : memref<10x128x128xf32, #tpu.memory_space<vmem>>, vector<1x128x128xf32>
    %get3A_32 = vector.shape_cast %get3A_31 : vector<1x128x128xf32> to vector<128x128xf32>
    %dot_general3A_33 = arith.constant dense<0.000000e+00> : vector<512x128xf32>
    %dot_general3A_34 = tpu.matmul %get3A_1, %get3A_32, %dot_general3A_33 {dimension_numbers = #tpu.dot_dimension_numbers<[1], [0], [0], [1], [0, 0, 1, 1], [], []>, transpose_lhs_hint = false} : vector<512x128xf32>, vector<128x128xf32>, vector<512x128xf32> -> vector<512x128xf32>
    %get3A_35 = arith.constant 1 : index
    %get3A_36 = arith.constant 0 : index
    %get3A_37 = arith.constant 0 : index
    %get3A_38 = vector.load %arg2[%get3A_35, %get3A_36, %get3A_37] : memref<10x128x128xf32, #tpu.memory_space<vmem>>, vector<1x128x128xf32>
    %get3A_39 = vector.shape_cast %get3A_38 : vector<1x128x128xf32> to vector<128x128xf32>
    %dot_general3A_40 = arith.constant dense<0.000000e+00> : vector<512x128xf32>
    %dot_general3A_41 = tpu.matmul %get3A_4, %get3A_39, %dot_general3A_40 {dimension_numbers = #tpu.dot_dimension_numbers<[1], [0], [0], [1], [0, 0, 1, 1], [], []>, transpose_lhs_hint = false} : vector<512x128xf32>, vector<128x128xf32>, vector<512x128xf32> -> vector<512x128xf32>
    %get3A_42 = arith.constant 1 : index
    %get3A_43 = arith.constant 0 : index
    %get3A_44 = arith.constant 0 : index
    %get3A_45 = vector.load %arg2[%get3A_42, %get3A_43, %get3A_44] : memref<10x128x128xf32, #tpu.memory_space<vmem>>, vector<1x128x128xf32>
    %get3A_46 = vector.shape_cast %get3A_45 : vector<1x128x128xf32> to vector<128x128xf32>
    %dot_general3A_47 = arith.constant dense<0.000000e+00> : vector<512x128xf32>
    %dot_general3A_48 = tpu.matmul %get3A_7, %get3A_46, %dot_general3A_47 {dimension_numbers = #tpu.dot_dimension_numbers<[1], [0], [0], [1], [0, 0, 1, 1], [], []>, transpose_lhs_hint = false} : vector<512x128xf32>, vector<128x128xf32>, vector<512x128xf32> -> vector<512x128xf32>
    %add3A = arith.addf %get3A_1, %get3A_4 : vector<512x128xf32>
    %add3A_49 = arith.addf %add3A, %get3A_7 : vector<512x128xf32>
    %get3A_50 = arith.constant 2 : index
    %get3A_51 = arith.constant 0 : index
    %get3A_52 = arith.constant 0 : index
    %get3A_53 = vector.load %arg2[%get3A_50, %get3A_51, %get3A_52] : memref<10x128x128xf32, #tpu.memory_space<vmem>>, vector<1x128x128xf32>
    %get3A_54 = vector.shape_cast %get3A_53 : vector<1x128x128xf32> to vector<128x128xf32>
    %dot_general3A_55 = arith.constant dense<0.000000e+00> : vector<512x128xf32>
    %dot_general3A_56 = tpu.matmul %add3A_49, %get3A_54, %dot_general3A_55 {dimension_numbers = #tpu.dot_dimension_numbers<[1], [0], [0], [1], [0, 0, 1, 1], [], []>, transpose_lhs_hint = false} : vector<512x128xf32>, vector<128x128xf32>, vector<512x128xf32> -> vector<512x128xf32>
    %get3A_57 = arith.constant 3 : index
    %get3A_58 = arith.constant 2 : index
    %get3A_59 = vector.load %arg3[%get3A_57, %get3A_58] : memref<4x128xf32, #tpu.memory_space<vmem>>, vector<1x1xf32>
    %get3A_60 = vector.extract %get3A_59[0, 0] : f32 from vector<1x1xf32>
    %mul3A = arith.mulf %dot_general3A_13, %dot_general3A_20 : vector<512x128xf32>
    %mul3A_61 = vector.broadcast %get3A_60 : f32 to vector<512x128xf32>
    %mul3A_62 = arith.mulf %mul3A_61, %mul3A : vector<512x128xf32>
    %get3A_63 = arith.constant 3 : index
    %get3A_64 = arith.constant 3 : index
    %get3A_65 = vector.load %arg3[%get3A_63, %get3A_64] : memref<4x128xf32, #tpu.memory_space<vmem>>, vector<1x1xf32>
    %get3A_66 = vector.extract %get3A_65[0, 0] : f32 from vector<1x1xf32>
    %mul3A_67 = arith.mulf %dot_general3A_13, %dot_general3A_27 : vector<512x128xf32>
    %mul3A_68 = vector.broadcast %get3A_66 : f32 to vector<512x128xf32>
    %mul3A_69 = arith.mulf %mul3A_68, %mul3A_67 : vector<512x128xf32>
    %add3A_70 = arith.addf %mul3A_62, %mul3A_69 : vector<512x128xf32>
    %get3A_71 = arith.constant 3 : index
    %get3A_72 = arith.constant 4 : index
    %get3A_73 = vector.load %arg3[%get3A_71, %get3A_72] : memref<4x128xf32, #tpu.memory_space<vmem>>, vector<1x1xf32>
    %get3A_74 = vector.extract %get3A_73[0, 0] : f32 from vector<1x1xf32>
    %mul3A_75 = arith.mulf %dot_general3A_20, %dot_general3A_27 : vector<512x128xf32>
    %mul3A_76 = vector.broadcast %get3A_74 : f32 to vector<512x128xf32>
    %mul3A_77 = arith.mulf %mul3A_76, %mul3A_75 : vector<512x128xf32>
    %add3A_78 = arith.addf %add3A_70, %mul3A_77 : vector<512x128xf32>
    %get3A_79 = arith.constant 3 : index
    %get3A_80 = arith.constant 5 : index
    %get3A_81 = vector.load %arg3[%get3A_79, %get3A_80] : memref<4x128xf32, #tpu.memory_space<vmem>>, vector<1x1xf32>
    %get3A_82 = vector.extract %get3A_81[0, 0] : f32 from vector<1x1xf32>
    %mul3A_83 = arith.mulf %dot_general3A_13, %dot_general3A_13 : vector<512x128xf32>
    %sub3A = arith.subf %mul3A_83, %dot_general3A_34 : vector<512x128xf32>
    %mul3A_84 = arith.constant 5.000000e-01 : f32
    %mul3A_85 = vector.broadcast %mul3A_84 : f32 to vector<512x128xf32>
    %mul3A_86 = arith.mulf %mul3A_85, %sub3A : vector<512x128xf32>
    %mul3A_87 = vector.broadcast %get3A_82 : f32 to vector<512x128xf32>
    %mul3A_88 = arith.mulf %mul3A_87, %mul3A_86 : vector<512x128xf32>
    %get3A_89 = arith.constant 3 : index
    %get3A_90 = arith.constant 6 : index
    %get3A_91 = vector.load %arg3[%get3A_89, %get3A_90] : memref<4x128xf32, #tpu.memory_space<vmem>>, vector<1x1xf32>
    %get3A_92 = vector.extract %get3A_91[0, 0] : f32 from vector<1x1xf32>
    %mul3A_93 = arith.mulf %dot_general3A_20, %dot_general3A_20 : vector<512x128xf32>
    %sub3A_94 = arith.subf %mul3A_93, %dot_general3A_41 : vector<512x128xf32>
    %mul3A_95 = arith.constant 5.000000e-01 : f32
    %mul3A_96 = vector.broadcast %mul3A_95 : f32 to vector<512x128xf32>
    %mul3A_97 = arith.mulf %mul3A_96, %sub3A_94 : vector<512x128xf32>
    %mul3A_98 = vector.broadcast %get3A_92 : f32 to vector<512x128xf32>
    %mul3A_99 = arith.mulf %mul3A_98, %mul3A_97 : vector<512x128xf32>
    %add3A_100 = arith.addf %mul3A_88, %mul3A_99 : vector<512x128xf32>
    %get3A_101 = arith.constant 3 : index
    %get3A_102 = arith.constant 7 : index
    %get3A_103 = vector.load %arg3[%get3A_101, %get3A_102] : memref<4x128xf32, #tpu.memory_space<vmem>>, vector<1x1xf32>
    %get3A_104 = vector.extract %get3A_103[0, 0] : f32 from vector<1x1xf32>
    %mul3A_105 = arith.mulf %dot_general3A_27, %dot_general3A_27 : vector<512x128xf32>
    %sub3A_106 = arith.subf %mul3A_105, %dot_general3A_48 : vector<512x128xf32>
    %mul3A_107 = arith.constant 5.000000e-01 : f32
    %mul3A_108 = vector.broadcast %mul3A_107 : f32 to vector<512x128xf32>
    %mul3A_109 = arith.mulf %mul3A_108, %sub3A_106 : vector<512x128xf32>
    %mul3A_110 = vector.broadcast %get3A_104 : f32 to vector<512x128xf32>
    %mul3A_111 = arith.mulf %mul3A_110, %mul3A_109 : vector<512x128xf32>
    %add3A_112 = arith.addf %add3A_100, %mul3A_111 : vector<512x128xf32>
    %get3A_113 = arith.constant 3 : index
    %get3A_114 = arith.constant 0 : index
    %get3A_115 = arith.constant 0 : index
    %get3A_116 = vector.load %arg2[%get3A_113, %get3A_114, %get3A_115] : memref<10x128x128xf32, #tpu.memory_space<vmem>>, vector<1x128x128xf32>
    %get3A_117 = vector.shape_cast %get3A_116 : vector<1x128x128xf32> to vector<128x128xf32>
    %dot_general3A_118 = arith.constant dense<0.000000e+00> : vector<512x128xf32>
    %dot_general3A_119 = tpu.matmul %dot_general3A_13, %get3A_117, %dot_general3A_118 {dimension_numbers = #tpu.dot_dimension_numbers<[1], [0], [0], [1], [0, 0, 1, 1], [], []>, transpose_lhs_hint = false} : vector<512x128xf32>, vector<128x128xf32>, vector<512x128xf32> -> vector<512x128xf32>
    %get3A_120 = arith.constant 4 : index
    %get3A_121 = arith.constant 0 : index
    %get3A_122 = arith.constant 0 : index
    %get3A_123 = vector.load %arg2[%get3A_120, %get3A_121, %get3A_122] : memref<10x128x128xf32, #tpu.memory_space<vmem>>, vector<1x128x128xf32>
    %get3A_124 = vector.shape_cast %get3A_123 : vector<1x128x128xf32> to vector<128x128xf32>
    %dot_general3A_125 = arith.constant dense<0.000000e+00> : vector<512x128xf32>
    %dot_general3A_126 = tpu.matmul %dot_general3A_20, %get3A_124, %dot_general3A_125 {dimension_numbers = #tpu.dot_dimension_numbers<[1], [0], [0], [1], [0, 0, 1, 1], [], []>, transpose_lhs_hint = false} : vector<512x128xf32>, vector<128x128xf32>, vector<512x128xf32> -> vector<512x128xf32>
    %add3A_127 = arith.addf %dot_general3A_119, %dot_general3A_126 : vector<512x128xf32>
    %get3A_128 = arith.constant 5 : index
    %get3A_129 = arith.constant 0 : index
    %get3A_130 = arith.constant 0 : index
    %get3A_131 = vector.load %arg2[%get3A_128, %get3A_129, %get3A_130] : memref<10x128x128xf32, #tpu.memory_space<vmem>>, vector<1x128x128xf32>
    %get3A_132 = vector.shape_cast %get3A_131 : vector<1x128x128xf32> to vector<128x128xf32>
    %dot_general3A_133 = arith.constant dense<0.000000e+00> : vector<512x128xf32>
    %dot_general3A_134 = tpu.matmul %dot_general3A_27, %get3A_132, %dot_general3A_133 {dimension_numbers = #tpu.dot_dimension_numbers<[1], [0], [0], [1], [0, 0, 1, 1], [], []>, transpose_lhs_hint = false} : vector<512x128xf32>, vector<128x128xf32>, vector<512x128xf32> -> vector<512x128xf32>
    %add3A_135 = arith.addf %add3A_127, %dot_general3A_134 : vector<512x128xf32>
    %get3A_136 = arith.constant 0 : index
    %get3A_137 = arith.constant 0 : index
    %get3A_138 = vector.load %arg3[%get3A_136, %get3A_137] : memref<4x128xf32, #tpu.memory_space<vmem>>, vector<1x128xf32>
    %add3A_139 = vector.broadcast %get3A_138 : vector<1x128xf32> to vector<512x128xf32>
    %add3A_140 = arith.addf %add3A_135, %add3A_139 : vector<512x128xf32>
    %max3A = arith.constant 0.000000e+00 : f32
    %max3A_141 = vector.broadcast %max3A : f32 to vector<512x128xf32>
    %max3A_142 = arith.maximumf %add3A_140, %max3A_141 : vector<512x128xf32>
    %get3A_143 = arith.constant 6 : index
    %get3A_144 = arith.constant 0 : index
    %get3A_145 = arith.constant 0 : index
    %get3A_146 = vector.load %arg2[%get3A_143, %get3A_144, %get3A_145] : memref<10x128x128xf32, #tpu.memory_space<vmem>>, vector<1x128x128xf32>
    %get3A_147 = vector.shape_cast %get3A_146 : vector<1x128x128xf32> to vector<128x128xf32>
    %dot_general3A_148 = arith.constant dense<0.000000e+00> : vector<512x128xf32>
    %dot_general3A_149 = tpu.matmul %max3A_142, %get3A_147, %dot_general3A_148 {dimension_numbers = #tpu.dot_dimension_numbers<[1], [0], [0], [1], [0, 0, 1, 1], [], []>, transpose_lhs_hint = false} : vector<512x128xf32>, vector<128x128xf32>, vector<512x128xf32> -> vector<512x128xf32>
    %get3A_150 = arith.constant 1 : index
    %get3A_151 = arith.constant 0 : index
    %get3A_152 = vector.load %arg3[%get3A_150, %get3A_151] : memref<4x128xf32, #tpu.memory_space<vmem>>, vector<1x128xf32>
    %add3A_153 = vector.broadcast %get3A_152 : vector<1x128xf32> to vector<512x128xf32>
    %add3A_154 = arith.addf %dot_general3A_149, %add3A_153 : vector<512x128xf32>
    %max3A_155 = arith.constant 0.000000e+00 : f32
    %max3A_156 = vector.broadcast %max3A_155 : f32 to vector<512x128xf32>
    %max3A_157 = arith.maximumf %add3A_154, %max3A_156 : vector<512x128xf32>
    %get3A_158 = arith.constant 7 : index
    %get3A_159 = arith.constant 0 : index
    %get3A_160 = arith.constant 0 : index
    %get3A_161 = vector.load %arg2[%get3A_158, %get3A_159, %get3A_160] : memref<10x128x128xf32, #tpu.memory_space<vmem>>, vector<1x128x128xf32>
    %get3A_162 = vector.shape_cast %get3A_161 : vector<1x128x128xf32> to vector<128x128xf32>
    %dot_general3A_163 = arith.constant dense<0.000000e+00> : vector<512x128xf32>
    %dot_general3A_164 = tpu.matmul %max3A_157, %get3A_162, %dot_general3A_163 {dimension_numbers = #tpu.dot_dimension_numbers<[1], [0], [0], [1], [0, 0, 1, 1], [], []>, transpose_lhs_hint = false} : vector<512x128xf32>, vector<128x128xf32>, vector<512x128xf32> -> vector<512x128xf32>
    %get3A_165 = arith.constant 2 : index
    %get3A_166 = arith.constant 0 : index
    %get3A_167 = vector.load %arg3[%get3A_165, %get3A_166] : memref<4x128xf32, #tpu.memory_space<vmem>>, vector<1x128xf32>
    %add3A_168 = vector.broadcast %get3A_167 : vector<1x128xf32> to vector<512x128xf32>
    %add3A_169 = arith.addf %dot_general3A_164, %add3A_168 : vector<512x128xf32>
    %max3A_170 = arith.constant 0.000000e+00 : f32
    %max3A_171 = vector.broadcast %max3A_170 : f32 to vector<512x128xf32>
    %max3A_172 = arith.maximumf %add3A_169, %max3A_171 : vector<512x128xf32>
    %add3A_173 = arith.addf %add3A_78, %add3A_112 : vector<512x128xf32>
    %get3A_174 = arith.constant 3 : index
    %get3A_175 = arith.constant 0 : index
    %get3A_176 = vector.load %arg3[%get3A_174, %get3A_175] : memref<4x128xf32, #tpu.memory_space<vmem>>, vector<1x1xf32>
    %get3A_177 = vector.extract %get3A_176[0, 0] : f32 from vector<1x1xf32>
    %add3A_178 = vector.broadcast %get3A_177 : f32 to vector<512x128xf32>
    %add3A_179 = arith.addf %dot_general3A_56, %add3A_178 : vector<512x128xf32>
    %get3A_180 = arith.constant 3 : index
    %get3A_181 = arith.constant 8 : index
    %get3A_182 = vector.load %arg3[%get3A_180, %get3A_181] : memref<4x128xf32, #tpu.memory_space<vmem>>, vector<1x1xf32>
    %get3A_183 = vector.extract %get3A_182[0, 0] : f32 from vector<1x1xf32>
    %mul3A_184 = vector.broadcast %get3A_183 : f32 to vector<512x128xf32>
    %mul3A_185 = arith.mulf %add3A_179, %mul3A_184 : vector<512x128xf32>
    %get3A_186 = arith.constant 8 : index
    %get3A_187 = arith.constant 0 : index
    %get3A_188 = arith.constant 0 : index
    %get3A_189 = vector.load %arg2[%get3A_186, %get3A_187, %get3A_188] : memref<10x128x128xf32, #tpu.memory_space<vmem>>, vector<1x128x128xf32>
    %get3A_190 = vector.shape_cast %get3A_189 : vector<1x128x128xf32> to vector<128x128xf32>
    %dot_general3A_191 = arith.constant dense<0.000000e+00> : vector<512x128xf32>
    %dot_general3A_192 = tpu.matmul %add3A_173, %get3A_190, %dot_general3A_191 {dimension_numbers = #tpu.dot_dimension_numbers<[1], [0], [0], [1], [0, 0, 1, 1], [], []>, transpose_lhs_hint = false} : vector<512x128xf32>, vector<128x128xf32>, vector<512x128xf32> -> vector<512x128xf32>
    %add3A_193 = arith.addf %mul3A_185, %dot_general3A_192 : vector<512x128xf32>
    %get3A_194 = arith.constant 9 : index
    %get3A_195 = arith.constant 0 : index
    %get3A_196 = arith.constant 0 : index
    %get3A_197 = vector.load %arg2[%get3A_194, %get3A_195, %get3A_196] : memref<10x128x128xf32, #tpu.memory_space<vmem>>, vector<1x128x128xf32>
    %get3A_198 = vector.shape_cast %get3A_197 : vector<1x128x128xf32> to vector<128x128xf32>
    %dot_general3A_199 = arith.constant dense<0.000000e+00> : vector<512x128xf32>
    %dot_general3A_200 = tpu.matmul %max3A_172, %get3A_198, %dot_general3A_199 {dimension_numbers = #tpu.dot_dimension_numbers<[1], [0], [0], [1], [0, 0, 1, 1], [], []>, transpose_lhs_hint = false} : vector<512x128xf32>, vector<128x128xf32>, vector<512x128xf32> -> vector<512x128xf32>
    %add3A_201 = arith.addf %add3A_193, %dot_general3A_200 : vector<512x128xf32>
    %get3A_202 = arith.constant 3 : index
    %get3A_203 = arith.constant 1 : index
    %get3A_204 = vector.load %arg3[%get3A_202, %get3A_203] : memref<4x128xf32, #tpu.memory_space<vmem>>, vector<1x1xf32>
    %get3A_205 = vector.extract %get3A_204[0, 0] : f32 from vector<1x1xf32>
    %add3A_206 = vector.broadcast %get3A_205 : f32 to vector<512x128xf32>
    %add3A_207 = arith.addf %add3A_201, %add3A_206 : vector<512x128xf32>
    %slice3A = vector.extract_strided_slice %add3A_207 {offsets = [0, 0], sizes = [512, 4], strides = [1, 1]} : vector<512x128xf32> to vector<512x4xf32>
    %logistic3A = arith.negf %slice3A : vector<512x4xf32>
    %logistic3A_208 = math.exp %logistic3A : vector<512x4xf32>
    %logistic3A_209 = arith.constant 1.000000e+00 : f32
    %logistic3A_210 = vector.broadcast %logistic3A_209 : f32 to vector<512x4xf32>
    %logistic3A_211 = arith.addf %logistic3A_210, %logistic3A_208 : vector<512x4xf32>
    %logistic3A_212 = arith.divf %logistic3A_210, %logistic3A_211 : vector<512x4xf32>
    %swap3A = arith.constant 0 : index
    %swap3A_213 = arith.constant 0 : index
    %swap3A_214 = vector.load %arg4[%swap3A, %swap3A_213] : memref<512x4xf32, #tpu.memory_space<vmem>>, vector<512x4xf32>
    tpu.vector_store %arg4[%swap3A, %swap3A_213], %logistic3A_212 {strides = array<i32>} : memref<512x4xf32, #tpu.memory_space<vmem>>, vector<512x4xf32>,
    return
  }
  func.func @transform_0(%arg0: i32) -> (i32, i32) {
    %c0_i32 = arith.constant 0 : i32
    %c0_i32_0 = arith.constant 0 : i32
    return %arg0, %c0_i32 : i32, i32
  }
  func.func @transform_1(%arg0: i32) -> (i32, i32, i32) {
    %c0_i32 = arith.constant 0 : i32
    %c0_i32_0 = arith.constant 0 : i32
    %c0_i32_1 = arith.constant 0 : i32
    %c0_i32_2 = arith.constant 0 : i32
    return %c0_i32, %c0_i32_0, %c0_i32_1 : i32, i32, i32
  }
  func.func @transform_2(%arg0: i32) -> (i32, i32) {
    %c0_i32 = arith.constant 0 : i32
    %c0_i32_0 = arith.constant 0 : i32
    %c0_i32_1 = arith.constant 0 : i32
    return %c0_i32, %c0_i32_0 : i32, i32
  }
  func.func @transform_3(%arg0: i32) -> (i32, i32) {
    %c0_i32 = arith.constant 0 : i32
    %c0_i32_0 = arith.constant 0 : i32
    return %arg0, %c0_i32 : i32, i32
  }
}

</mosaic_0001>

<sc_bundles>
// kernel: kernel.4.cloned.1.call-start
scs
__scs_entry_jumppad:
0x0: {  	(pc) =	sbr.rel $0x88, $3  }
0x1: {  	(tag) =	ssettag $0x0;
	lr =	simm.s32 $0x1  }
0x2: {  	[smem:$0x3F93] =	sst lr;
	_ =	strace $0xD0000000  }
0x3: {  	_ = 	snop  }
0x4: {  	_ = 	snop  }
0x5: {  	_ = 	snop  }
0x6: {  	_ = 	snop  }
0x7: {  	_ = 	snop  }
__scs_overlays_trampoline_lowered:
0x8: {  	[smem:$0x3FA2] =	sst s0  }
0x9: {  	[smem:$0x3FA3] =	sst s1  }
0xa: {  	[smem:$0x3FA4] =	sst s2  }
0xb: {  	[smem:$0x3FA5] =	sst s3  }
0xc: {  	[smem:$0x3FA6] =	sst s4  }
0xd: {  	[smem:$0x3FA7] =	sst s5  }
0xe: {  	[smem:$0x3FA8] =	sst s6  }
0xf: {  	[smem:$0x3FA9] =	sst s7  }
0x10: {  	[smem:$0x3FAA] =	sst s8  }
0x11: {  	[smem:$0x3FAB] =	sst s9;
	s0 =	simm.s32 @!p0 $0x0  }
0x12: {  	s1 =	sld [smem:$0x3F91];
	s0 =	simm.s32 @p0 $0x1  }
0x13: {  	[smem:$0x3FAC] =	sst s0;
	s0 =	simm.s32 @!p1 $0x0  }
0x14: {  	s2 =	sld [smem:$0x3F90];
	s0 =	simm.s32 @p1 $0x1  }
0x15: {  	[smem:$0x3FAD] =	sst s0;
	s0 =	simm.s32 @!p2 $0x0  }
0x16: {  	s3 =	sld [smem:$0x3FDB];
	s0 =	simm.s32 @p2 $0x1  }
0x17: {  	s4 =	simm.s32 $0x1BF5;
	[smem:$0x3FAF] =	sst s0  }
0x18: {  	s0 =	sld [smem:$0x3F92];
	_ =	swait.ge [sflag:s4], $0x0  }
0x19: {  	s7 =	sld [smem:$0x3F93]  }
0x1a: {  	s8 =	sadd.s32 $0xFFFFE003, lr  }
0x1b: {  	s9 =	sadd.s32 $0xFFFFFEF7, lr;
	s5 =	simm.s32 $0xFFFFFFFF;
	p2 =	slt.u32 s8, $0xFFFFF086  }
0x1c: {  	p1 =	slt.u32 s9, $0xF7A;
	s5 =	simm.s32 @!p2 $0x0  }
0x1d: {  	s5 =	simm.s32 @p1 $0x1;
	p0 =	seq.s32 s7, s2  }
0x1e: {  	s7 =	smul.u32 @!p0 $0xF7A, s2;
	p2 =	seq.s32 @!p0 s5, $0x0  }
0x1f: {  	s9 =	smul.u32 $0xF7A, s1;
	s8 =	simm.s32 @!p0 $0x1BF5;
	p2 =	por !p2, p0  }
0x20: {  	[sflag:s8] =	ssyncset.s32 @!p0 $0xFFFFF086;
	s6 =	sadd.s32 @!p0 s3, s7;
	s7 =	simm.s32 @!p0 $0x108  }
0x21: {  	s3 =	sadd.s32 s3, s9;
	s6 =	sadd.s32 @!p0 $0x88, s6;
	s7 =	simm.s32 @p2 $0x1082  }
0x22: {  	[simem:s7], [sflag:s8] =	dma.local @!p0 [hbm:s6], $0xF7A  }
0x23: {  	s9 =	sor.u32 $0xD0000000, s2;
	s6 =	simm.s32 $0x108;
	_ =	swait.ge @!p0 [sflag:s8], $0x0  }
0x24: {  	s3 =	sadd.s32 $0x88, s3;
	s6 =	simm.s32 @!p1 $0x1082;
	[sflag:s4] =	ssyncset.s32 $0xFFFFF086  }
0x25: {  	[simem:s6], [sflag:s4] =	dma.local [hbm:s3], $0xF7A  }
0x26: {  	[smem:$0x3F93] =	sst s1;
	(tag) =	ssettag s2;
	_ =	strace s9  }
0x27: {  	s1 =	sld [smem:$0x3FA3]  }
0x28: {  	s2 =	sld [smem:$0x3FA4]  }
0x29: {  	s4 =	sld [smem:$0x3FA6]  }
0x2a: {  	p0 =	seq.s32 s5, $0x0;
	s5 =	sld [smem:$0x3FA7]  }
0x2b: {  	s6 =	sld [smem:$0x3FA8]  }
0x2c: {  	s7 =	sld [smem:$0x3FA9]  }
0x2d: {  	s3 =	simm.s32 $0x108;
	s8 =	sld [smem:$0x3FAA]  }
0x2e: {  	s3 =	simm.s32 @!p0 $0x1082;
	s9 =	sld [smem:$0x3FAB]  }
0x2f: {  	lr =	sadd.s32 s0, s3;
	s0 =	sld [smem:$0x3FA2]  }
0x30: {  	s3 =	sld [smem:$0x3FA5]  }
0x31: {  	[smem:$0x3FAE] =	sst s10  }
0x32: {  	s10 =	sld [smem:$0x3FAC];
	_ =	sdelay $0x3  }
0x33: {  	p0 =	seq.s32 s10, $0x1;
	s10 =	sld [smem:$0x3FAE];
	_ =	sdelay $0x3  }
0x34: {  	[smem:$0x3FAE] =	sst s10  }
0x35: {  	s10 =	sld [smem:$0x3FAD];
	_ =	sdelay $0x3  }
0x36: {  	p1 =	seq.s32 s10, $0x1;
	s10 =	sld [smem:$0x3FAE];
	_ =	sdelay $0x3  }
0x37: {  	[smem:$0x3FAE] =	sst s10  }
0x38: {  	s10 =	sld [smem:$0x3FAF]  }
0x39: {  	_ = 	snop;
	(pc) =	sbr.ind lr, $3  }
0x3a: {  	_ = 	snop  }
0x3b: {  	_ = 	snop  }
0x3c: {  	p2 =	seq.s32 s10, $0x1;
	s10 =	sld [smem:$0x3FAE]  }
0x3d: {  	_ =	shalt  }
0x3e: {  	_ =	shalt  }
0x3f: {  	_ =	shalt  }
0x40: {  	_ =	shalt  }
0x41: {  	_ =	shalt  }
0x42: {  	_ =	shalt  }
0x43: {  	_ =	shalt  }
0x44: {  	_ =	shalt  }
0x45: {  	_ =	shalt  }
0x46: {  	_ =	shalt  }
0x47: {  	_ =	shalt  }
0x48: {  	_ =	shalt  }
0x49: {  	_ =	shalt  }
0x4a: {  	_ =	shalt  }
0x4b: {  	_ =	shalt  }
0x4c: {  	_ =	shalt  }
0x4d: {  	_ =	shalt  }
0x4e: {  	_ =	shalt  }
0x4f: {  	_ =	shalt  }
0x50: {  	_ =	shalt  }
0x51: {  	_ =	shalt  }
0x52: {  	_ =	shalt  }
0x53: {  	_ =	shalt  }
0x54: {  	_ =	shalt  }
0x55: {  	_ =	shalt  }
0x56: {  	_ =	shalt  }
0x57: {  	_ =	shalt  }
0x58: {  	_ =	shalt  }
0x59: {  	_ =	shalt  }
0x5a: {  	_ =	shalt  }
0x5b: {  	_ =	shalt  }
0x5c: {  	_ =	shalt  }
0x5d: {  	_ =	shalt  }
0x5e: {  	_ =	shalt  }
0x5f: {  	_ =	shalt  }
0x60: {  	_ =	shalt  }
0x61: {  	_ =	shalt  }
0x62: {  	_ =	shalt  }
0x63: {  	_ =	shalt  }
0x64: {  	_ =	shalt  }
0x65: {  	_ =	shalt  }
0x66: {  	_ =	shalt  }
0x67: {  	_ =	shalt  }
0x68: {  	_ =	shalt  }
0x69: {  	_ =	shalt  }
0x6a: {  	_ =	shalt  }
0x6b: {  	_ =	shalt  }
0x6c: {  	_ =	shalt  }
0x6d: {  	_ =	shalt  }
0x6e: {  	_ =	shalt  }
0x6f: {  	_ =	shalt  }
0x70: {  	_ =	shalt  }
0x71: {  	_ =	shalt  }
0x72: {  	_ =	shalt  }
0x73: {  	_ =	shalt  }
0x74: {  	_ =	shalt  }
0x75: {  	_ =	shalt  }
0x76: {  	_ =	shalt  }
0x77: {  	_ =	shalt  }
0x78: {  	_ =	shalt  }
0x79: {  	_ =	shalt  }
0x7a: {  	_ =	shalt  }
0x7b: {  	_ =	shalt  }
0x7c: {  	_ =	shalt  }
0x7d: {  	_ =	shalt  }
0x7e: {  	_ =	shalt  }
0x7f: {  	_ =	shalt  }
0x80: {  	_ =	shalt  }
0x81: {  	_ =	shalt  }
0x82: {  	_ =	shalt  }
0x83: {  	_ =	shalt  }
0x84: {  	_ =	shalt  }
0x85: {  	_ =	shalt  }
0x86: {  	_ =	shalt  }
0x87: {  	_ =	shalt  }
.Lfunc_end0:
.L_simem_size_0:
called_computation_lowered:
.L_overlay_start_0:
0x88: {  	s2 =	sld [smem:$0x3FD9]  }
0x89: {  	s3 =	sld [smem:$0x3FFE];
	_ =	sdelay $0x1  }
0x8a: {  	s1 =	srdreg.scid  }
0x8b: {  	s0 =	sand.u32 $0x1, s1  }
0x8c: {  	s16 =	sshll.u32 s0, $0xA;
	s2 =	sadd.s32 s3, s2  }
0x8d: {  	s2 =	sadd.s32 s2, s16  }
0x8e: {  	[smem:$0x3FBA] =	sst s2  }
0x8f: {  	_ = 	snop  }
0x90: {  	(tm) =	ssettm $0x1  }
0x91: {  	s17 =	sld [smem:$0x3FFB];
	_ =	sdelay $0x3  }
0x92: {  	_ =	strace s17  }
0x93: {  	s2 =	sld [smem:$0x3FFC];
	_ =	sdelay $0x3  }
0x94: {  	_ =	strace s2  }
0x95: {  	s2 =	sld [smem:$0x3FFD];
	_ =	sdelay $0x3  }
0x96: {  	_ =	strace s2  }
0x97: {  	_ =	strace $0x8FFFFFFF  }
0x98: {  	s18 =	sld [smem:$0x3FDB];
	_ =	sdelay $0x1  }
0x99: {  	s19 =	simm.s32 $_scs_section_size  }
0x9a: {  	s4 =	simm.s32 $_size__tile_overlayer_lowered;
	s5 =	simm.s32 $_tile_overlayer_lowered  }
0x9b: {  	s22 =	simm.s32 $0x1BFF;
	s21 =	sshll.u32 s5, $0x1;
	s2 =	sadd.s32 s19, s18  }
0x9c: {  	s6 =	simm.s32 $0x0;
	s20 =	sshll.u32 s4, $0x1;
	s4 =	sadd.s32 s21, s2  }
0x9d: {  	[timem:s6], [sflag:s22] =	dma.local [hbm:s4], s20  }
0x9e: {  	_ =	swait.ge [sflag:s22], s20  }
0x9f: {  	s3 =	ssub.s32 $0x0, s20;
	[sflag:s22] =	ssyncset.done $0x0  }
0xa0: {  	[sflag:s22] =	ssyncadd.s32 s3;
	_ =	sdelay $0x1  }
0xa1: {  	s23 =	simm.s32 $0x1B8B  }
0xa2: {  	_ =	swait.ge [sflag:s23], $0x1  }
0xa3: {  	[sflag:s23] =	ssyncset.done $0x0  }
0xa4: {  	s25 =	simm.s32 $0x1B8E;
	s24 =	sld [smem:$0x3FFE];
	[sflag:s23] =	ssyncadd.s32 $0xFFFFFFFF  }
0xa5: {  	s26 =	simm.s32 $execute0_lowered;
	[smem:$0x3FD2] =	sst s25  }
0xa6: {  	s4 =	sshll.u32 s26, $0x1;
	_ =	strace $0x80000046;
	[dreg:$0x1] =	wrdreg $0xFFFFFFFF  }
0xa7: {  	s28 =	simm.s32 $_size_execute0_lowered;
	s2 =	sadd.s32 s2, s4;
	[dreg:$0x0] =	wrdreg $0x0  }
0xa8: {  	s4 =	sshll.u32 s28, $0x1;
	[dreg:$0x2] =	wrdreg s2  }
0xa9: {  	[dreg:$0x3] =	wrdreg s4  }
0xaa: {  	[dreg:$0x4] =	wrdreg $0xC0  }
0xab: {  	_ =	task [dreg:s6], $0x5FFFF  }
0xac: {  	[dreg:$0x1] =	wrdreg $0xFFFFFFFF  }
0xad: {  	[dreg:$0x0] =	wrdreg $0x60  }
0xae: {  	[dreg:$0x2] =	wrdreg s24  }
0xaf: {  	[dreg:$0x3] =	wrdreg $0x9  }
0xb0: {  	_ =	task.clear_ibuf [dreg:s6], $0x4FFFF;
	_ =	strace $0x90000046  }
0xb1: {  	s29 =	simm.s32 $0x9;
	_ =	strace $0x80000048  }
0xb2: {  	_ =	swait.ge [sflag:s29], $0x1  }
0xb3: {  	[sflag:s29] =	ssyncadd.s32 $0xFFFFFFFF  }
0xb4: {  	_ =	strace $0x90000048  }
0xb5: {  	_ =	sfence  }
0xb6: {  	s30 =	sld [smem:$0x0];
	_ =	sdelay $0x2  }
0xb7: {  	s31 =	sshll.u32 s1, $0xD;
	s1 =	sshrl.u32 s1, $0x2  }
0xb8: {  	s3 =	sand.u32 $0x4000, s31;
	s1 =	sadd.s32 s1, s30  }
0xb9: {  	s0 =	sor.u32 s3, s0;
	s1 =	sshll.u32 s1, $0x11  }
0xba: {  	s0 =	sor.u32 s1, s0  }
0xbb: {  	s0 =	sadd.s32 $0x8F2B, s0  }
0xbc: {  	[sflag:s0] =	ssyncadd.remote.s32 $0x1  }
0xbd: {  	_ =	sfence.sel $0xFFFF  }
0xbe: {  	[dreg:$0x0] =	wrdreg $0xFFFFFFFF;
	(pc) =	sbr.abs _section_cstart, $3  }
0xbf: {  	[dreg:$0x1] =	wrdreg $0xFFFFFFFF  }
0xc0: {  	_ =	task.clear_ibuf [dreg:s6], $0x2FFFF;
	_ =	strace $0x9FFFFFFF  }
0xc1: {  	(tm) =	ssettm $0x7FFFFFFF  }
tec
execute0_lowered:
.L_overlay_start_1:
0x0: {  	(tag) =	ssettag $0x1  }
0x1: {  	s1 =	srdreg.scid;
	s0 =	stileid.u32  }
0x2: {  	s4 =	rddreg [dreg:$0x0];
	s2 =	simm.s32 $0x0;
	s8 =	simm.s32 $0x1  }
0x3: {  	s9 =	simm.s32 $0x2;
	s3 =	sand.u32 $0x1, s1;
	s30 =	sshll.u32 s0, $0x1  }
0x4: {  	s10 =	simm.s32 $0x3;
	s1 =	rddreg [dreg:$0x1];
	s5 =	sor.u32 s3, s30  }
0x5: {  	v0 =	vlaneseq.u32;
	s11 =	simm.s32 $0x0;
	[smem:$0x7FF] =	sst s2;
	s6 =	smul.u32 $0x680, s5  }
0x6: {  	v0 =	vmul.u32 $0x180, v0;
	_ =	strace $0x80000047;
	s7 =	ssub.s32 $0x2, s3;
	s5 =	smul.u32 $0x1800, s5  }
0x7: {  	v1 =	vimm.f32 $1.000000000e+00;
	s3 =	sadd.s32 $0xEC00, s4;
	s31 =	sshrl.u32 s7, $0x1;
	s6 =	sadd.s32 s6, s4  }
0x8: {  	v2 =	vadd.s32 $0x81, v0;
	v3 =	vadd.s32 $0x82, v0;
	v4 =	vadd.s32 $0x83, v0;
	s7 =	ssub.s32 s7, s31;
	s5 =	sadd.s32 s5, s4;
	s4 =	sadd.s32 $0x1C00, s6  }
0x9: {  	v5 =	vadd.s32 $0x101, v0;
	v6 =	vadd.s32 $0x102, v0;
	v7 =	vadd.s32 $0x103, v0;
	s5 =	sadd.s32 $0x10400, s5;
	s6 =	smax.u32 s7, $0x1;
	s7 =	simm.s32 $0x3400  }
.LBB2_1:
0xa: {  	[tilespmem:s2], [sflag:$0x1] =	stream.linear.gather [hbm4b:s4+s2], $0x3400, $0x38;
	[tilespmem:$0xF400] =	vst v63  }
0xb: {  	_ = 	snop  }
0xc: {  	[tilespmem:s7], [sflag:$0x2] =	stream.linear.gather [hbm4b:s3+s2], $0xC000, $0x38;
	[tilespmem:$0xF400] =	vst v63  }
0xd: {  	_ =	swait.ge [sflag:s8], $0x3400  }
0xe: {  	[sflag:s8] =	ssyncset.done $0x0  }
0xf: {  	[sflag:s8] =	ssyncadd.s32 $0xFFFFCC00  }
0x10: {  	_ =	swait.ge [sflag:s9], $0xC000  }
0x11: {  	[sflag:s9] =	ssyncset.done $0x0  }
0x12: {  	s12 =	simm.s32 $0x0;
	[sflag:s9] =	ssyncadd.s32 $0xFFFF4000  }
.LBB2_2:
0x13: {  	s13 =	sshll.u32 s12, $0x4  }
0x14: {  	s16 =	sor.u32 $0x1, s12;
	v9 =	vld [tilespmem:s13+$0x0]  }
0x15: {  	s14 =	sshll.u32 s16, $0x4  }
0x16: {  	v10 =	vld [tilespmem:s14+$0x0]  }
0x17: {  	s15 =	smul.u32 $0x1800, s12;
	_ =	sdelay $0x1  }
0x18: {  	s16 =	smul.u32 $0x1800, s16;
	v8 =	vadd.s32 s15, v0;
	v9 =	vshll.u32 v9, $0x2  }
0x19: {  	v11 =	vadd.s32 v8, v9;
	v12 =	vand.u32 $0x7C, v9  }
0x1a: {  	v9 =	vadd.s32 s16, v0;
	v10 =	vshll.u32 v10, $0x2;
	v11 =	vand.u32 $0xFFFFFF80, v11  }
0x1b: {  	v63 =	vadd.s32 v9, v10;
	v11 =	vor.u32 v12, v11  }
0x1c: {  	v10 =	vand.u32 $0x7C, v10;
	v12 =	vand.u32 $0xFFFFFF80, v63  }
0x1d: {  	v10 =	vor.u32 v10, v12;
	_ =	sdelay $0x2  }
0x1e: {  	[tilespmem:v11+s7+$0x0] =	vst.idx.add.f32.msk $0xffff, v1  }
0x1f: {  	v11 =	vld [tilespmem:s13+$0x80]  }
0x20: {  	[tilespmem:v10+s7+$0x0] =	vst.idx.add.f32.msk $0xffff, v1  }
0x21: {  	v10 =	vld [tilespmem:s14+$0x80];
	_ =	sdelay $0x2  }
0x22: {  	v11 =	vshll.u32 v11, $0x2  }
0x23: {  	v16 =	vadd.s32 v8, v11  }
0x24: {  	v11 =	vand.u32 $0x7C, v11;
	v10 =	vshll.u32 v10, $0x2;
	v12 =	vand.u32 $0xFFFFFF80, v16  }
0x25: {  	v17 =	vadd.s32 v9, v10;
	v11 =	vor.u32 v12, v11  }
0x26: {  	v10 =	vand.u32 $0x7C, v10;
	v12 =	vand.u32 $0xFFFFFF80, v17;
	v11 =	vor.u32 $0x1, v11  }
0x27: {  	v10 =	vor.u32 v12, v10  }
0x28: {  	v10 =	vor.u32 $0x1, v10;
	_ =	sdelay $0x2  }
0x29: {  	[tilespmem:v11+s7+$0x0] =	vst.idx.add.f32.msk $0xffff, v1  }
0x2a: {  	v11 =	vld [tilespmem:s13+$0x100]  }
0x2b: {  	[tilespmem:v10+s7+$0x0] =	vst.idx.add.f32.msk $0xffff, v1  }
0x2c: {  	v10 =	vld [tilespmem:s14+$0x100];
	_ =	sdelay $0x2  }
0x2d: {  	v11 =	vshll.u32 v11, $0x2  }
0x2e: {  	v18 =	vadd.s32 v8, v11  }
0x2f: {  	v11 =	vand.u32 $0x7C, v11;
	v10 =	vshll.u32 v10, $0x2;
	v12 =	vand.u32 $0xFFFFFF80, v18  }
0x30: {  	v19 =	vadd.s32 v9, v10;
	v11 =	vor.u32 v12, v11  }
0x31: {  	v10 =	vand.u32 $0x7C, v10;
	v12 =	vand.u32 $0xFFFFFF80, v19;
	v11 =	vor.u32 $0x2, v11  }
0x32: {  	v10 =	vor.u32 v12, v10  }
0x33: {  	v10 =	vor.u32 $0x2, v10;
	_ =	sdelay $0x2  }
0x34: {  	[tilespmem:v11+s7+$0x0] =	vst.idx.add.f32.msk $0xffff, v1  }
0x35: {  	v11 =	vld [tilespmem:s13+$0x180]  }
0x36: {  	[tilespmem:v10+s7+$0x0] =	vst.idx.add.f32.msk $0xffff, v1  }
0x37: {  	v10 =	vld [tilespmem:s14+$0x180];
	_ =	sdelay $0x2  }
0x38: {  	v11 =	vshll.u32 v11, $0x2  }
0x39: {  	v20 =	vadd.s32 v8, v11  }
0x3a: {  	v11 =	vand.u32 $0x7C, v11;
	v10 =	vshll.u32 v10, $0x2;
	v12 =	vand.u32 $0xFFFFFF80, v20  }
0x3b: {  	v21 =	vadd.s32 v9, v10;
	v11 =	vor.u32 v12, v11  }
0x3c: {  	v10 =	vand.u32 $0x7C, v10;
	v12 =	vand.u32 $0xFFFFFF80, v21;
	v11 =	vor.u32 $0x3, v11  }
0x3d: {  	v10 =	vor.u32 v12, v10  }
0x3e: {  	v10 =	vor.u32 $0x3, v10;
	_ =	sdelay $0x2  }
0x3f: {  	[tilespmem:v11+s7+$0x0] =	vst.idx.add.f32.msk $0xffff, v1  }
0x40: {  	v11 =	vld [tilespmem:s13+$0x200]  }
0x41: {  	[tilespmem:v10+s7+$0x0] =	vst.idx.add.f32.msk $0xffff, v1  }
0x42: {  	v10 =	vld [tilespmem:s14+$0x200];
	_ =	sdelay $0x2  }
0x43: {  	v11 =	vshll.u32 v11, $0x2  }
0x44: {  	v22 =	vadd.s32 v8, v11  }
0x45: {  	v11 =	vand.u32 $0x7C, v11;
	v10 =	vshll.u32 v10, $0x2;
	v12 =	vand.u32 $0xFFFFFF80, v22  }
0x46: {  	v23 =	vadd.s32 v9, v10;
	v11 =	vor.u32 v11, v12  }
0x47: {  	v10 =	vand.u32 $0x7C, v10;
	v12 =	vand.u32 $0xFFFFFF80, v23  }
0x48: {  	v10 =	vor.u32 v10, v12;
	_ =	sdelay $0x2  }
0x49: {  	[tilespmem:v11+s7+$0x0] =	vst.idx.add.f32.msk $0xffff, v1  }
0x4a: {  	v11 =	vld [tilespmem:s13+$0x280]  }
0x4b: {  	[tilespmem:v10+s7+$0x0] =	vst.idx.add.f32.msk $0xffff, v1  }
0x4c: {  	v10 =	vld [tilespmem:s14+$0x280];
	_ =	sdelay $0x2  }
0x4d: {  	v11 =	vshll.u32 v11, $0x2  }
0x4e: {  	v24 =	vadd.s32 v8, v11  }
0x4f: {  	v11 =	vand.u32 $0x7C, v11;
	v10 =	vshll.u32 v10, $0x2;
	v12 =	vand.u32 $0xFFFFFF80, v24  }
0x50: {  	v25 =	vadd.s32 v9, v10;
	v11 =	vor.u32 v12, v11  }
0x51: {  	v10 =	vand.u32 $0x7C, v10;
	v12 =	vand.u32 $0xFFFFFF80, v25;
	v11 =	vor.u32 $0x1, v11  }
0x52: {  	v10 =	vor.u32 v12, v10  }
0x53: {  	v10 =	vor.u32 $0x1, v10;
	_ =	sdelay $0x2  }
0x54: {  	[tilespmem:v11+s7+$0x0] =	vst.idx.add.f32.msk $0xffff, v1  }
0x55: {  	v11 =	vld [tilespmem:s13+$0x300]  }
0x56: {  	[tilespmem:v10+s7+$0x0] =	vst.idx.add.f32.msk $0xffff, v1  }
0x57: {  	v10 =	vld [tilespmem:s14+$0x300];
	_ =	sdelay $0x2  }
0x58: {  	v11 =	vshll.u32 v11, $0x2  }
0x59: {  	v26 =	vadd.s32 v8, v11  }
0x5a: {  	v11 =	vand.u32 $0x7C, v11;
	v10 =	vshll.u32 v10, $0x2;
	v12 =	vand.u32 $0xFFFFFF80, v26  }
0x5b: {  	v27 =	vadd.s32 v9, v10;
	v11 =	vor.u32 v12, v11  }
0x5c: {  	v10 =	vand.u32 $0x7C, v10;
	v12 =	vand.u32 $0xFFFFFF80, v27;
	v11 =	vor.u32 $0x2, v11  }
0x5d: {  	v10 =	vor.u32 v12, v10  }
0x5e: {  	v10 =	vor.u32 $0x2, v10;
	_ =	sdelay $0x2  }
0x5f: {  	[tilespmem:v11+s7+$0x0] =	vst.idx.add.f32.msk $0xffff, v1  }
0x60: {  	v11 =	vld [tilespmem:s13+$0x380]  }
0x61: {  	[tilespmem:v10+s7+$0x0] =	vst.idx.add.f32.msk $0xffff, v1  }
0x62: {  	v10 =	vld [tilespmem:s14+$0x380];
	_ =	sdelay $0x2  }
0x63: {  	v11 =	vshll.u32 v11, $0x2  }
0x64: {  	v28 =	vadd.s32 v8, v11  }
0x65: {  	v11 =	vand.u32 $0x7C, v11;
	v10 =	vshll.u32 v10, $0x2;
	v12 =	vand.u32 $0xFFFFFF80, v28  }
0x66: {  	v29 =	vadd.s32 v9, v10;
	v11 =	vor.u32 v12, v11  }
0x67: {  	v10 =	vand.u32 $0x7C, v10;
	v12 =	vand.u32 $0xFFFFFF80, v29;
	v11 =	vor.u32 $0x3, v11  }
0x68: {  	v10 =	vor.u32 v12, v10  }
0x69: {  	v10 =	vor.u32 $0x3, v10;
	_ =	sdelay $0x2  }
0x6a: {  	[tilespmem:v11+s7+$0x0] =	vst.idx.add.f32.msk $0xffff, v1  }
0x6b: {  	v11 =	vld [tilespmem:s13+$0x400]  }
0x6c: {  	[tilespmem:v10+s7+$0x0] =	vst.idx.add.f32.msk $0xffff, v1  }
0x6d: {  	v10 =	vld [tilespmem:s14+$0x400];
	_ =	sdelay $0x2  }
0x6e: {  	v11 =	vshll.u32 v11, $0x2  }
0x6f: {  	v30 =	vadd.s32 v8, v11  }
0x70: {  	v11 =	vand.u32 $0x7C, v11;
	v10 =	vshll.u32 v10, $0x2;
	v12 =	vand.u32 $0xFFFFFF80, v30  }
0x71: {  	v31 =	vadd.s32 v9, v10;
	v11 =	vor.u32 v11, v12  }
0x72: {  	v10 =	vand.u32 $0x7C, v10;
	v12 =	vand.u32 $0xFFFFFF80, v31  }
0x73: {  	v10 =	vor.u32 v10, v12;
	_ =	sdelay $0x2  }
0x74: {  	[tilespmem:v11+s7+$0x0] =	vst.idx.add.f32.msk $0xffff, v1  }
0x75: {  	v11 =	vld [tilespmem:s13+$0x480]  }
0x76: {  	[tilespmem:v10+s7+$0x0] =	vst.idx.add.f32.msk $0xffff, v1  }
0x77: {  	v10 =	vld [tilespmem:s14+$0x480];
	_ =	sdelay $0x2  }
0x78: {  	v11 =	vshll.u32 v11, $0x2  }
0x79: {  	v32 =	vadd.s32 v8, v11  }
0x7a: {  	v11 =	vand.u32 $0x7C, v11;
	v10 =	vshll.u32 v10, $0x2;
	v12 =	vand.u32 $0xFFFFFF80, v32  }
0x7b: {  	v33 =	vadd.s32 v9, v10;
	v11 =	vor.u32 v12, v11  }
0x7c: {  	v10 =	vand.u32 $0x7C, v10;
	v12 =	vand.u32 $0xFFFFFF80, v33;
	v11 =	vor.u32 $0x1, v11  }
0x7d: {  	v10 =	vor.u32 v12, v10  }
0x7e: {  	v10 =	vor.u32 $0x1, v10;
	_ =	sdelay $0x2  }
0x7f: {  	[tilespmem:v11+s7+$0x0] =	vst.idx.add.f32.msk $0xffff, v1  }
0x80: {  	v11 =	vld [tilespmem:s13+$0x500]  }
0x81: {  	[tilespmem:v10+s7+$0x0] =	vst.idx.add.f32.msk $0xffff, v1  }
0x82: {  	v10 =	vld [tilespmem:s14+$0x500];
	_ =	sdelay $0x2  }
0x83: {  	v11 =	vshll.u32 v11, $0x2  }
0x84: {  	v34 =	vadd.s32 v8, v11  }
0x85: {  	v11 =	vand.u32 $0x7C, v11;
	v10 =	vshll.u32 v10, $0x2;
	v12 =	vand.u32 $0xFFFFFF80, v34  }
0x86: {  	v35 =	vadd.s32 v9, v10;
	v11 =	vor.u32 v12, v11  }
0x87: {  	v10 =	vand.u32 $0x7C, v10;
	v12 =	vand.u32 $0xFFFFFF80, v35;
	v11 =	vor.u32 $0x2, v11  }
0x88: {  	v10 =	vor.u32 v12, v10  }
0x89: {  	v10 =	vor.u32 $0x2, v10;
	_ =	sdelay $0x2  }
0x8a: {  	[tilespmem:v11+s7+$0x0] =	vst.idx.add.f32.msk $0xffff, v1  }
0x8b: {  	v11 =	vld [tilespmem:s13+$0x580]  }
0x8c: {  	[tilespmem:v10+s7+$0x0] =	vst.idx.add.f32.msk $0xffff, v1  }
0x8d: {  	v10 =	vld [tilespmem:s14+$0x580];
	_ =	sdelay $0x2  }
0x8e: {  	v11 =	vshll.u32 v11, $0x2  }
0x8f: {  	v36 =	vadd.s32 v8, v11  }
0x90: {  	v11 =	vand.u32 $0x7C, v11;
	v10 =	vshll.u32 v10, $0x2;
	v12 =	vand.u32 $0xFFFFFF80, v36  }
0x91: {  	v37 =	vadd.s32 v9, v10;
	v11 =	vor.u32 v12, v11  }
0x92: {  	v10 =	vand.u32 $0x7C, v10;
	v12 =	vand.u32 $0xFFFFFF80, v37;
	v11 =	vor.u32 $0x3, v11  }
0x93: {  	v10 =	vor.u32 v12, v10  }
0x94: {  	v10 =	vor.u32 $0x3, v10;
	_ =	sdelay $0x2  }
0x95: {  	[tilespmem:v11+s7+$0x0] =	vst.idx.add.f32.msk $0xffff, v1  }
0x96: {  	v11 =	vld [tilespmem:s13+$0x600]  }
0x97: {  	[tilespmem:v10+s7+$0x0] =	vst.idx.add.f32.msk $0xffff, v1  }
0x98: {  	v10 =	vld [tilespmem:s14+$0x600];
	_ =	sdelay $0x2  }
0x99: {  	v11 =	vshll.u32 v11, $0x2  }
0x9a: {  	v38 =	vadd.s32 v8, v11  }
0x9b: {  	v11 =	vand.u32 $0x7C, v11;
	v10 =	vshll.u32 v10, $0x2;
	v12 =	vand.u32 $0xFFFFFF80, v38  }
0x9c: {  	v39 =	vadd.s32 v9, v10;
	v11 =	vor.u32 v11, v12  }
0x9d: {  	v10 =	vand.u32 $0x7C, v10;
	v12 =	vand.u32 $0xFFFFFF80, v39  }
0x9e: {  	v10 =	vor.u32 v10, v12;
	_ =	sdelay $0x2  }
0x9f: {  	[tilespmem:v11+s7+$0x0] =	vst.idx.add.f32.msk $0xffff, v1  }
0xa0: {  	v11 =	vld [tilespmem:s13+$0x680]  }
0xa1: {  	[tilespmem:v10+s7+$0x0] =	vst.idx.add.f32.msk $0xffff, v1  }
0xa2: {  	v10 =	vld [tilespmem:s14+$0x680];
	_ =	sdelay $0x2  }
0xa3: {  	v11 =	vshll.u32 v11, $0x2  }
0xa4: {  	v40 =	vadd.s32 v8, v11  }
0xa5: {  	v11 =	vand.u32 $0x7C, v11;
	v10 =	vshll.u32 v10, $0x2;
	v12 =	vand.u32 $0xFFFFFF80, v40  }
0xa6: {  	v41 =	vadd.s32 v9, v10;
	v11 =	vor.u32 v12, v11  }
0xa7: {  	v10 =	vand.u32 $0x7C, v10;
	v12 =	vand.u32 $0xFFFFFF80, v41;
	v11 =	vor.u32 $0x1, v11  }
0xa8: {  	v10 =	vor.u32 v12, v10  }
0xa9: {  	v10 =	vor.u32 $0x1, v10;
	_ =	sdelay $0x2  }
0xaa: {  	[tilespmem:v11+s7+$0x0] =	vst.idx.add.f32.msk $0xffff, v1  }
0xab: {  	v11 =	vld [tilespmem:s13+$0x700]  }
0xac: {  	[tilespmem:v10+s7+$0x0] =	vst.idx.add.f32.msk $0xffff, v1  }
0xad: {  	v10 =	vld [tilespmem:s14+$0x700];
	_ =	sdelay $0x2  }
0xae: {  	v11 =	vshll.u32 v11, $0x2  }
0xaf: {  	v42 =	vadd.s32 v8, v11  }
0xb0: {  	v11 =	vand.u32 $0x7C, v11;
	v10 =	vshll.u32 v10, $0x2;
	v12 =	vand.u32 $0xFFFFFF80, v42  }
0xb1: {  	v43 =	vadd.s32 v9, v10;
	v11 =	vor.u32 v12, v11  }
0xb2: {  	v10 =	vand.u32 $0x7C, v10;
	v12 =	vand.u32 $0xFFFFFF80, v43;
	v11 =	vor.u32 $0x2, v11  }
0xb3: {  	v10 =	vor.u32 v12, v10  }
0xb4: {  	v10 =	vor.u32 $0x2, v10;
	_ =	sdelay $0x2  }
0xb5: {  	[tilespmem:v11+s7+$0x0] =	vst.idx.add.f32.msk $0xffff, v1  }
0xb6: {  	v11 =	vld [tilespmem:s13+$0x780]  }
0xb7: {  	[tilespmem:v10+s7+$0x0] =	vst.idx.add.f32.msk $0xffff, v1  }
0xb8: {  	v10 =	vld [tilespmem:s14+$0x780];
	_ =	sdelay $0x2  }
0xb9: {  	v11 =	vshll.u32 v11, $0x2  }
0xba: {  	v44 =	vadd.s32 v8, v11  }
0xbb: {  	v11 =	vand.u32 $0x7C, v11;
	v10 =	vshll.u32 v10, $0x2;
	v12 =	vand.u32 $0xFFFFFF80, v44  }
0xbc: {  	v45 =	vadd.s32 v9, v10;
	v11 =	vor.u32 v12, v11  }
0xbd: {  	v10 =	vand.u32 $0x7C, v10;
	v12 =	vand.u32 $0xFFFFFF80, v45;
	v11 =	vor.u32 $0x3, v11  }
0xbe: {  	v10 =	vor.u32 v12, v10  }
0xbf: {  	v10 =	vor.u32 $0x3, v10;
	_ =	sdelay $0x2  }
0xc0: {  	[tilespmem:v11+s7+$0x0] =	vst.idx.add.f32.msk $0xffff, v1  }
0xc1: {  	v11 =	vld [tilespmem:s13+$0x800]  }
0xc2: {  	[tilespmem:v10+s7+$0x0] =	vst.idx.add.f32.msk $0xffff, v1  }
0xc3: {  	v10 =	vld [tilespmem:s14+$0x800];
	_ =	sdelay $0x2  }
0xc4: {  	v11 =	vshll.u32 v11, $0x2  }
0xc5: {  	v46 =	vadd.s32 v8, v11  }
0xc6: {  	v11 =	vand.u32 $0x7C, v11;
	v10 =	vshll.u32 v10, $0x2;
	v12 =	vand.u32 $0xFFFFFF80, v46  }
0xc7: {  	v47 =	vadd.s32 v9, v10;
	v11 =	vor.u32 v11, v12  }
0xc8: {  	v10 =	vand.u32 $0x7C, v10;
	v12 =	vand.u32 $0xFFFFFF80, v47  }
0xc9: {  	v10 =	vor.u32 v10, v12;
	_ =	sdelay $0x2  }
0xca: {  	[tilespmem:v11+s7+$0x0] =	vst.idx.add.f32.msk $0xffff, v1  }
0xcb: {  	v11 =	vld [tilespmem:s13+$0x880]  }
0xcc: {  	[tilespmem:v10+s7+$0x0] =	vst.idx.add.f32.msk $0xffff, v1  }
0xcd: {  	v10 =	vld [tilespmem:s14+$0x880];
	_ =	sdelay $0x2  }
0xce: {  	v11 =	vshll.u32 v11, $0x2  }
0xcf: {  	v48 =	vadd.s32 v8, v11  }
0xd0: {  	v11 =	vand.u32 $0x7C, v11;
	v10 =	vshll.u32 v10, $0x2;
	v12 =	vand.u32 $0xFFFFFF80, v48  }
0xd1: {  	v49 =	vadd.s32 v9, v10;
	v11 =	vor.u32 v12, v11  }
0xd2: {  	v10 =	vand.u32 $0x7C, v10;
	v12 =	vand.u32 $0xFFFFFF80, v49;
	v11 =	vor.u32 $0x1, v11  }
0xd3: {  	v10 =	vor.u32 v12, v10  }
0xd4: {  	v10 =	vor.u32 $0x1, v10;
	_ =	sdelay $0x2  }
0xd5: {  	[tilespmem:v11+s7+$0x0] =	vst.idx.add.f32.msk $0xffff, v1  }
0xd6: {  	v11 =	vld [tilespmem:s13+$0x900]  }
0xd7: {  	[tilespmem:v10+s7+$0x0] =	vst.idx.add.f32.msk $0xffff, v1  }
0xd8: {  	v10 =	vld [tilespmem:s14+$0x900];
	_ =	sdelay $0x2  }
0xd9: {  	v11 =	vshll.u32 v11, $0x2  }
0xda: {  	v50 =	vadd.s32 v8, v11  }
0xdb: {  	v11 =	vand.u32 $0x7C, v11;
	v10 =	vshll.u32 v10, $0x2;
	v12 =	vand.u32 $0xFFFFFF80, v50  }
0xdc: {  	v51 =	vadd.s32 v9, v10;
	v11 =	vor.u32 v12, v11  }
0xdd: {  	v10 =	vand.u32 $0x7C, v10;
	v12 =	vand.u32 $0xFFFFFF80, v51;
	v11 =	vor.u32 $0x2, v11  }
0xde: {  	v10 =	vor.u32 v12, v10  }
0xdf: {  	v10 =	vor.u32 $0x2, v10;
	_ =	sdelay $0x2  }
0xe0: {  	[tilespmem:v11+s7+$0x0] =	vst.idx.add.f32.msk $0xffff, v1  }
0xe1: {  	v11 =	vld [tilespmem:s13+$0x980]  }
0xe2: {  	[tilespmem:v10+s7+$0x0] =	vst.idx.add.f32.msk $0xffff, v1  }
0xe3: {  	v10 =	vld [tilespmem:s14+$0x980];
	_ =	sdelay $0x2  }
0xe4: {  	v11 =	vshll.u32 v11, $0x2  }
0xe5: {  	v52 =	vadd.s32 v8, v11  }
0xe6: {  	v11 =	vand.u32 $0x7C, v11;
	v10 =	vshll.u32 v10, $0x2;
	v12 =	vand.u32 $0xFFFFFF80, v52  }
0xe7: {  	v53 =	vadd.s32 v9, v10;
	v11 =	vor.u32 v12, v11  }
0xe8: {  	v10 =	vand.u32 $0x7C, v10;
	v12 =	vand.u32 $0xFFFFFF80, v53;
	v11 =	vor.u32 $0x3, v11  }
0xe9: {  	v10 =	vor.u32 v12, v10  }
0xea: {  	v10 =	vor.u32 $0x3, v10;
	_ =	sdelay $0x2  }
0xeb: {  	[tilespmem:v11+s7+$0x0] =	vst.idx.add.f32.msk $0xffff, v1  }
0xec: {  	v11 =	vld [tilespmem:s13+$0xA00]  }
0xed: {  	[tilespmem:v10+s7+$0x0] =	vst.idx.add.f32.msk $0xffff, v1  }
0xee: {  	v10 =	vld [tilespmem:s14+$0xA00];
	_ =	sdelay $0x2  }
0xef: {  	v11 =	vshll.u32 v11, $0x2  }
0xf0: {  	v54 =	vadd.s32 v8, v11  }
0xf1: {  	v11 =	vand.u32 $0x7C, v11;
	v10 =	vshll.u32 v10, $0x2;
	v12 =	vand.u32 $0xFFFFFF80, v54  }
0xf2: {  	v55 =	vadd.s32 v9, v10;
	v11 =	vor.u32 v11, v12  }
0xf3: {  	v10 =	vand.u32 $0x7C, v10;
	v12 =	vand.u32 $0xFFFFFF80, v55  }
0xf4: {  	v10 =	vor.u32 v10, v12;
	_ =	sdelay $0x2  }
0xf5: {  	[tilespmem:v11+s7+$0x0] =	vst.idx.add.f32.msk $0xffff, v1  }
0xf6: {  	v11 =	vld [tilespmem:s13+$0xA80]  }
0xf7: {  	[tilespmem:v10+s7+$0x0] =	vst.idx.add.f32.msk $0xffff, v1  }
0xf8: {  	v10 =	vld [tilespmem:s14+$0xA80];
	_ =	sdelay $0x2  }
0xf9: {  	v11 =	vshll.u32 v11, $0x2  }
0xfa: {  	v56 =	vadd.s32 v8, v11  }
0xfb: {  	v11 =	vand.u32 $0x7C, v11;
	v10 =	vshll.u32 v10, $0x2;
	v12 =	vand.u32 $0xFFFFFF80, v56  }
0xfc: {  	v57 =	vadd.s32 v9, v10;
	v11 =	vor.u32 v12, v11  }
0xfd: {  	v10 =	vand.u32 $0x7C, v10;
	v12 =	vand.u32 $0xFFFFFF80, v57;
	v11 =	vor.u32 $0x1, v11  }
0xfe: {  	v10 =	vor.u32 v12, v10  }
0xff: {  	v10 =	vor.u32 $0x1, v10;
	_ =	sdelay $0x2  }
0x100: {  	[tilespmem:v11+s7+$0x0] =	vst.idx.add.f32.msk $0xffff, v1  }
0x101: {  	v11 =	vld [tilespmem:s13+$0xB00]  }
0x102: {  	[tilespmem:v10+s7+$0x0] =	vst.idx.add.f32.msk $0xffff, v1  }
0x103: {  	v10 =	vld [tilespmem:s14+$0xB00];
	_ =	sdelay $0x2  }
0x104: {  	v11 =	vshll.u32 v11, $0x2  }
0x105: {  	v58 =	vadd.s32 v8, v11  }
0x106: {  	v11 =	vand.u32 $0x7C, v11;
	v10 =	vshll.u32 v10, $0x2;
	v12 =	vand.u32 $0xFFFFFF80, v58  }
0x107: {  	v59 =	vadd.s32 v9, v10;
	v11 =	vor.u32 v12, v11  }
0x108: {  	v10 =	vand.u32 $0x7C, v10;
	v12 =	vand.u32 $0xFFFFFF80, v59;
	v11 =	vor.u32 $0x2, v11  }
0x109: {  	v10 =	vor.u32 v12, v10  }
0x10a: {  	v10 =	vor.u32 $0x2, v10;
	_ =	sdelay $0x2  }
0x10b: {  	[tilespmem:v11+s7+$0x0] =	vst.idx.add.f32.msk $0xffff, v1  }
0x10c: {  	v11 =	vld [tilespmem:s13+$0xB80]  }
0x10d: {  	[tilespmem:v10+s7+$0x0] =	vst.idx.add.f32.msk $0xffff, v1  }
0x10e: {  	v10 =	vld [tilespmem:s14+$0xB80];
	_ =	sdelay $0x2  }
0x10f: {  	v11 =	vshll.u32 v11, $0x2  }
0x110: {  	v60 =	vadd.s32 v8, v11  }
0x111: {  	v11 =	vand.u32 $0x7C, v11;
	v10 =	vshll.u32 v10, $0x2;
	v12 =	vand.u32 $0xFFFFFF80, v60  }
0x112: {  	v61 =	vadd.s32 v9, v10;
	v11 =	vor.u32 v12, v11  }
0x113: {  	v10 =	vand.u32 $0x7C, v10;
	v12 =	vand.u32 $0xFFFFFF80, v61;
	v11 =	vor.u32 $0x3, v11  }
0x114: {  	v10 =	vor.u32 v12, v10  }
0x115: {  	v10 =	vor.u32 $0x3, v10;
	_ =	sdelay $0x2  }
0x116: {  	[tilespmem:v11+s7+$0x0] =	vst.idx.add.f32.msk $0xffff, v1  }
0x117: {  	v11 =	vld [tilespmem:s13+$0xC00]  }
0x118: {  	[tilespmem:v10+s7+$0x0] =	vst.idx.add.f32.msk $0xffff, v1  }
0x119: {  	v10 =	vld [tilespmem:s14+$0xC00];
	_ =	sdelay $0x2  }
0x11a: {  	v11 =	vshll.u32 v11, $0x2  }
0x11b: {  	v62 =	vadd.s32 v8, v11  }
0x11c: {  	v11 =	vand.u32 $0x7C, v11;
	v10 =	vshll.u32 v10, $0x2;
	v12 =	vand.u32 $0xFFFFFF80, v62  }
0x11d: {  	v63 =	vadd.s32 v9, v10;
	v11 =	vor.u32 v11, v12  }
0x11e: {  	v10 =	vand.u32 $0x7C, v10;
	v12 =	vand.u32 $0xFFFFFF80, v63  }
0x11f: {  	v10 =	vor.u32 v10, v12;
	_ =	sdelay $0x2  }
0x120: {  	[tilespmem:v11+s7+$0x0] =	vst.idx.add.f32.msk $0xffff, v1  }
0x121: {  	v11 =	vld [tilespmem:s13+$0xC80]  }
0x122: {  	[tilespmem:v10+s7+$0x0] =	vst.idx.add.f32.msk $0xffff, v1  }
0x123: {  	v10 =	vld [tilespmem:s14+$0xC80];
	_ =	sdelay $0x2  }
0x124: {  	v11 =	vshll.u32 v11, $0x2  }
0x125: {  	v16 =	vadd.s32 v8, v11  }
0x126: {  	v11 =	vand.u32 $0x7C, v11;
	v10 =	vshll.u32 v10, $0x2;
	v12 =	vand.u32 $0xFFFFFF80, v16  }
0x127: {  	v17 =	vadd.s32 v9, v10;
	v11 =	vor.u32 v12, v11  }
0x128: {  	v10 =	vand.u32 $0x7C, v10;
	v12 =	vand.u32 $0xFFFFFF80, v17;
	v11 =	vor.u32 $0x1, v11  }
0x129: {  	v10 =	vor.u32 v12, v10  }
0x12a: {  	v10 =	vor.u32 $0x1, v10;
	_ =	sdelay $0x2  }
0x12b: {  	[tilespmem:v11+s7+$0x0] =	vst.idx.add.f32.msk $0xffff, v1  }
0x12c: {  	v11 =	vld [tilespmem:s13+$0xD00]  }
0x12d: {  	[tilespmem:v10+s7+$0x0] =	vst.idx.add.f32.msk $0xffff, v1  }
0x12e: {  	v10 =	vld [tilespmem:s14+$0xD00];
	_ =	sdelay $0x2  }
0x12f: {  	v11 =	vshll.u32 v11, $0x2  }
0x130: {  	v18 =	vadd.s32 v8, v11  }
0x131: {  	v11 =	vand.u32 $0x7C, v11;
	v10 =	vshll.u32 v10, $0x2;
	v12 =	vand.u32 $0xFFFFFF80, v18  }
0x132: {  	v19 =	vadd.s32 v9, v10;
	v11 =	vor.u32 v12, v11  }
0x133: {  	v10 =	vand.u32 $0x7C, v10;
	v12 =	vand.u32 $0xFFFFFF80, v19;
	v11 =	vor.u32 $0x2, v11  }
0x134: {  	v10 =	vor.u32 v12, v10  }
0x135: {  	v10 =	vor.u32 $0x2, v10;
	_ =	sdelay $0x2  }
0x136: {  	[tilespmem:v11+s7+$0x0] =	vst.idx.add.f32.msk $0xffff, v1  }
0x137: {  	v11 =	vld [tilespmem:s13+$0xD80]  }
0x138: {  	[tilespmem:v10+s7+$0x0] =	vst.idx.add.f32.msk $0xffff, v1  }
0x139: {  	v10 =	vld [tilespmem:s14+$0xD80];
	_ =	sdelay $0x2  }
0x13a: {  	v11 =	vshll.u32 v11, $0x2  }
0x13b: {  	v20 =	vadd.s32 v8, v11  }
0x13c: {  	v11 =	vand.u32 $0x7C, v11;
	v10 =	vshll.u32 v10, $0x2;
	v12 =	vand.u32 $0xFFFFFF80, v20  }
0x13d: {  	v21 =	vadd.s32 v9, v10;
	v11 =	vor.u32 v12, v11  }
0x13e: {  	v10 =	vand.u32 $0x7C, v10;
	v12 =	vand.u32 $0xFFFFFF80, v21;
	v11 =	vor.u32 $0x3, v11  }
0x13f: {  	v10 =	vor.u32 v12, v10  }
0x140: {  	v10 =	vor.u32 $0x3, v10;
	_ =	sdelay $0x2  }
0x141: {  	[tilespmem:v11+s7+$0x0] =	vst.idx.add.f32.msk $0xffff, v1  }
0x142: {  	v11 =	vld [tilespmem:s13+$0xE00]  }
0x143: {  	[tilespmem:v10+s7+$0x0] =	vst.idx.add.f32.msk $0xffff, v1  }
0x144: {  	v10 =	vld [tilespmem:s14+$0xE00];
	_ =	sdelay $0x2  }
0x145: {  	v11 =	vshll.u32 v11, $0x2  }
0x146: {  	v22 =	vadd.s32 v8, v11  }
0x147: {  	v11 =	vand.u32 $0x7C, v11;
	v10 =	vshll.u32 v10, $0x2;
	v12 =	vand.u32 $0xFFFFFF80, v22  }
0x148: {  	v23 =	vadd.s32 v9, v10;
	v11 =	vor.u32 v11, v12  }
0x149: {  	v10 =	vand.u32 $0x7C, v10;
	v12 =	vand.u32 $0xFFFFFF80, v23  }
0x14a: {  	v10 =	vor.u32 v10, v12;
	_ =	sdelay $0x2  }
0x14b: {  	[tilespmem:v11+s7+$0x0] =	vst.idx.add.f32.msk $0xffff, v1  }
0x14c: {  	v11 =	vld [tilespmem:s13+$0xE80]  }
0x14d: {  	[tilespmem:v10+s7+$0x0] =	vst.idx.add.f32.msk $0xffff, v1  }
0x14e: {  	v10 =	vld [tilespmem:s14+$0xE80];
	_ =	sdelay $0x2  }
0x14f: {  	v11 =	vshll.u32 v11, $0x2  }
0x150: {  	v24 =	vadd.s32 v8, v11  }
0x151: {  	v11 =	vand.u32 $0x7C, v11;
	v10 =	vshll.u32 v10, $0x2;
	v12 =	vand.u32 $0xFFFFFF80, v24  }
0x152: {  	v25 =	vadd.s32 v9, v10;
	v11 =	vor.u32 v12, v11  }
0x153: {  	v10 =	vand.u32 $0x7C, v10;
	v12 =	vand.u32 $0xFFFFFF80, v25;
	v11 =	vor.u32 $0x1, v11  }
0x154: {  	v10 =	vor.u32 v12, v10  }
0x155: {  	v10 =	vor.u32 $0x1, v10;
	_ =	sdelay $0x2  }
0x156: {  	[tilespmem:v11+s7+$0x0] =	vst.idx.add.f32.msk $0xffff, v1  }
0x157: {  	v11 =	vld [tilespmem:s13+$0xF00]  }
0x158: {  	[tilespmem:v10+s7+$0x0] =	vst.idx.add.f32.msk $0xffff, v1  }
0x159: {  	v10 =	vld [tilespmem:s14+$0xF00];
	_ =	sdelay $0x2  }
0x15a: {  	v11 =	vshll.u32 v11, $0x2  }
0x15b: {  	v26 =	vadd.s32 v8, v11  }
0x15c: {  	v11 =	vand.u32 $0x7C, v11;
	v10 =	vshll.u32 v10, $0x2;
	v12 =	vand.u32 $0xFFFFFF80, v26  }
0x15d: {  	v27 =	vadd.s32 v9, v10;
	v11 =	vor.u32 v12, v11  }
0x15e: {  	v10 =	vand.u32 $0x7C, v10;
	v12 =	vand.u32 $0xFFFFFF80, v27;
	v11 =	vor.u32 $0x2, v11  }
0x15f: {  	v10 =	vor.u32 v12, v10  }
0x160: {  	v10 =	vor.u32 $0x2, v10;
	_ =	sdelay $0x2  }
0x161: {  	[tilespmem:v11+s7+$0x0] =	vst.idx.add.f32.msk $0xffff, v1  }
0x162: {  	v11 =	vld [tilespmem:s13+$0xF80]  }
0x163: {  	[tilespmem:v10+s7+$0x0] =	vst.idx.add.f32.msk $0xffff, v1  }
0x164: {  	v10 =	vld [tilespmem:s14+$0xF80];
	_ =	sdelay $0x2  }
0x165: {  	v11 =	vshll.u32 v11, $0x2  }
0x166: {  	v28 =	vadd.s32 v8, v11  }
0x167: {  	v11 =	vand.u32 $0x7C, v11;
	v10 =	vshll.u32 v10, $0x2;
	v12 =	vand.u32 $0xFFFFFF80, v28  }
0x168: {  	v29 =	vadd.s32 v9, v10;
	v11 =	vor.u32 v12, v11  }
0x169: {  	v10 =	vand.u32 $0x7C, v10;
	v12 =	vand.u32 $0xFFFFFF80, v29;
	v11 =	vor.u32 $0x3, v11  }
0x16a: {  	v10 =	vor.u32 v12, v10  }
0x16b: {  	v10 =	vor.u32 $0x3, v10;
	_ =	sdelay $0x2  }
0x16c: {  	[tilespmem:v11+s7+$0x0] =	vst.idx.add.f32.msk $0xffff, v1  }
0x16d: {  	v11 =	vld [tilespmem:s13+$0x1000]  }
0x16e: {  	[tilespmem:v10+s7+$0x0] =	vst.idx.add.f32.msk $0xffff, v1  }
0x16f: {  	v10 =	vld [tilespmem:s14+$0x1000];
	_ =	sdelay $0x2  }
0x170: {  	v11 =	vshll.u32 v11, $0x2  }
0x171: {  	v30 =	vadd.s32 v8, v11  }
0x172: {  	v11 =	vand.u32 $0x7C, v11;
	v10 =	vshll.u32 v10, $0x2;
	v12 =	vand.u32 $0xFFFFFF80, v30  }
0x173: {  	v31 =	vadd.s32 v9, v10;
	v11 =	vor.u32 v11, v12  }
0x174: {  	v10 =	vand.u32 $0x7C, v10;
	v12 =	vand.u32 $0xFFFFFF80, v31  }
0x175: {  	v10 =	vor.u32 v10, v12;
	_ =	sdelay $0x2  }
0x176: {  	[tilespmem:v11+s7+$0x0] =	vst.idx.add.f32.msk $0xffff, v1  }
0x177: {  	v11 =	vld [tilespmem:s13+$0x1080]  }
0x178: {  	[tilespmem:v10+s7+$0x0] =	vst.idx.add.f32.msk $0xffff, v1  }
0x179: {  	v10 =	vld [tilespmem:s14+$0x1080];
	_ =	sdelay $0x2  }
0x17a: {  	v11 =	vshll.u32 v11, $0x2  }
0x17b: {  	v32 =	vadd.s32 v8, v11  }
0x17c: {  	v11 =	vand.u32 $0x7C, v11;
	v10 =	vshll.u32 v10, $0x2;
	v12 =	vand.u32 $0xFFFFFF80, v32  }
0x17d: {  	v33 =	vadd.s32 v9, v10;
	v11 =	vor.u32 v12, v11  }
0x17e: {  	v10 =	vand.u32 $0x7C, v10;
	v12 =	vand.u32 $0xFFFFFF80, v33;
	v11 =	vor.u32 $0x1, v11  }
0x17f: {  	v10 =	vor.u32 v12, v10  }
0x180: {  	v10 =	vor.u32 $0x1, v10;
	_ =	sdelay $0x2  }
0x181: {  	[tilespmem:v11+s7+$0x0] =	vst.idx.add.f32.msk $0xffff, v1  }
0x182: {  	v11 =	vld [tilespmem:s13+$0x1100]  }
0x183: {  	[tilespmem:v10+s7+$0x0] =	vst.idx.add.f32.msk $0xffff, v1  }
0x184: {  	v10 =	vld [tilespmem:s14+$0x1100];
	_ =	sdelay $0x2  }
0x185: {  	v11 =	vshll.u32 v11, $0x2  }
0x186: {  	v34 =	vadd.s32 v8, v11  }
0x187: {  	v11 =	vand.u32 $0x7C, v11;
	v10 =	vshll.u32 v10, $0x2;
	v12 =	vand.u32 $0xFFFFFF80, v34  }
0x188: {  	v35 =	vadd.s32 v9, v10;
	v11 =	vor.u32 v12, v11  }
0x189: {  	v10 =	vand.u32 $0x7C, v10;
	v12 =	vand.u32 $0xFFFFFF80, v35;
	v11 =	vor.u32 $0x2, v11  }
0x18a: {  	v10 =	vor.u32 v12, v10  }
0x18b: {  	v10 =	vor.u32 $0x2, v10;
	_ =	sdelay $0x2  }
0x18c: {  	[tilespmem:v11+s7+$0x0] =	vst.idx.add.f32.msk $0xffff, v1  }
0x18d: {  	v11 =	vld [tilespmem:s13+$0x1180]  }
0x18e: {  	[tilespmem:v10+s7+$0x0] =	vst.idx.add.f32.msk $0xffff, v1  }
0x18f: {  	v10 =	vld [tilespmem:s14+$0x1180];
	_ =	sdelay $0x2  }
0x190: {  	v11 =	vshll.u32 v11, $0x2  }
0x191: {  	v36 =	vadd.s32 v8, v11  }
0x192: {  	v11 =	vand.u32 $0x7C, v11;
	v10 =	vshll.u32 v10, $0x2;
	v12 =	vand.u32 $0xFFFFFF80, v36  }
0x193: {  	v37 =	vadd.s32 v9, v10;
	v11 =	vor.u32 v12, v11  }
0x194: {  	v10 =	vand.u32 $0x7C, v10;
	v12 =	vand.u32 $0xFFFFFF80, v37;
	v11 =	vor.u32 $0x3, v11  }
0x195: {  	v10 =	vor.u32 v12, v10  }
0x196: {  	v10 =	vor.u32 $0x3, v10;
	_ =	sdelay $0x2  }
0x197: {  	[tilespmem:v11+s7+$0x0] =	vst.idx.add.f32.msk $0xffff, v1  }
0x198: {  	v11 =	vld [tilespmem:s13+$0x1200]  }
0x199: {  	[tilespmem:v10+s7+$0x0] =	vst.idx.add.f32.msk $0xffff, v1  }
0x19a: {  	v10 =	vld [tilespmem:s14+$0x1200];
	_ =	sdelay $0x2  }
0x19b: {  	v11 =	vshll.u32 v11, $0x2  }
0x19c: {  	v38 =	vadd.s32 v8, v11  }
0x19d: {  	v11 =	vand.u32 $0x7C, v11;
	v10 =	vshll.u32 v10, $0x2;
	v12 =	vand.u32 $0xFFFFFF80, v38  }
0x19e: {  	v39 =	vadd.s32 v9, v10;
	v11 =	vor.u32 v11, v12  }
0x19f: {  	v10 =	vand.u32 $0x7C, v10;
	v12 =	vand.u32 $0xFFFFFF80, v39  }
0x1a0: {  	v10 =	vor.u32 v10, v12;
	_ =	sdelay $0x2  }
0x1a1: {  	[tilespmem:v11+s7+$0x0] =	vst.idx.add.f32.msk $0xffff, v1  }
0x1a2: {  	v11 =	vld [tilespmem:s13+$0x1280]  }
0x1a3: {  	[tilespmem:v10+s7+$0x0] =	vst.idx.add.f32.msk $0xffff, v1  }
0x1a4: {  	v10 =	vld [tilespmem:s14+$0x1280];
	_ =	sdelay $0x2  }
0x1a5: {  	v11 =	vshll.u32 v11, $0x2  }
0x1a6: {  	v40 =	vadd.s32 v8, v11  }
0x1a7: {  	v11 =	vand.u32 $0x7C, v11;
	v10 =	vshll.u32 v10, $0x2;
	v12 =	vand.u32 $0xFFFFFF80, v40  }
0x1a8: {  	v41 =	vadd.s32 v9, v10;
	v11 =	vor.u32 v12, v11  }
0x1a9: {  	v10 =	vand.u32 $0x7C, v10;
	v12 =	vand.u32 $0xFFFFFF80, v41;
	v11 =	vor.u32 $0x1, v11  }
0x1aa: {  	v10 =	vor.u32 v12, v10  }
0x1ab: {  	v10 =	vor.u32 $0x1, v10;
	_ =	sdelay $0x2  }
0x1ac: {  	[tilespmem:v11+s7+$0x0] =	vst.idx.add.f32.msk $0xffff, v1  }
0x1ad: {  	v11 =	vld [tilespmem:s13+$0x1300]  }
0x1ae: {  	[tilespmem:v10+s7+$0x0] =	vst.idx.add.f32.msk $0xffff, v1  }
0x1af: {  	v10 =	vld [tilespmem:s14+$0x1300];
	_ =	sdelay $0x2  }
0x1b0: {  	v11 =	vshll.u32 v11, $0x2  }
0x1b1: {  	v42 =	vadd.s32 v8, v11  }
0x1b2: {  	v11 =	vand.u32 $0x7C, v11;
	v10 =	vshll.u32 v10, $0x2;
	v12 =	vand.u32 $0xFFFFFF80, v42  }
0x1b3: {  	v43 =	vadd.s32 v9, v10;
	v11 =	vor.u32 v12, v11  }
0x1b4: {  	v10 =	vand.u32 $0x7C, v10;
	v12 =	vand.u32 $0xFFFFFF80, v43;
	v11 =	vor.u32 $0x2, v11  }
0x1b5: {  	v10 =	vor.u32 v12, v10  }
0x1b6: {  	v10 =	vor.u32 $0x2, v10;
	_ =	sdelay $0x2  }
0x1b7: {  	[tilespmem:v11+s7+$0x0] =	vst.idx.add.f32.msk $0xffff, v1  }
0x1b8: {  	v11 =	vld [tilespmem:s13+$0x1380]  }
0x1b9: {  	[tilespmem:v10+s7+$0x0] =	vst.idx.add.f32.msk $0xffff, v1  }
0x1ba: {  	v10 =	vld [tilespmem:s14+$0x1380];
	_ =	sdelay $0x2  }
0x1bb: {  	v11 =	vshll.u32 v11, $0x2  }
0x1bc: {  	v44 =	vadd.s32 v8, v11  }
0x1bd: {  	v11 =	vand.u32 $0x7C, v11;
	v10 =	vshll.u32 v10, $0x2;
	v12 =	vand.u32 $0xFFFFFF80, v44  }
0x1be: {  	v45 =	vadd.s32 v9, v10;
	v11 =	vor.u32 v12, v11  }
0x1bf: {  	v10 =	vand.u32 $0x7C, v10;
	v12 =	vand.u32 $0xFFFFFF80, v45;
	v11 =	vor.u32 $0x3, v11  }
0x1c0: {  	v10 =	vor.u32 v12, v10  }
0x1c1: {  	v10 =	vor.u32 $0x3, v10;
	_ =	sdelay $0x2  }
0x1c2: {  	[tilespmem:v11+s7+$0x0] =	vst.idx.add.f32.msk $0xffff, v1  }
0x1c3: {  	v11 =	vld [tilespmem:s13+$0x1400]  }
0x1c4: {  	[tilespmem:v10+s7+$0x0] =	vst.idx.add.f32.msk $0xffff, v1  }
0x1c5: {  	v10 =	vld [tilespmem:s14+$0x1400];
	_ =	sdelay $0x2  }
0x1c6: {  	v11 =	vshll.u32 v11, $0x2  }
0x1c7: {  	v46 =	vadd.s32 v8, v11  }
0x1c8: {  	v11 =	vand.u32 $0x7C, v11;
	v10 =	vshll.u32 v10, $0x2;
	v12 =	vand.u32 $0xFFFFFF80, v46  }
0x1c9: {  	v47 =	vadd.s32 v9, v10;
	v11 =	vor.u32 v11, v12  }
0x1ca: {  	v10 =	vand.u32 $0x7C, v10;
	v12 =	vand.u32 $0xFFFFFF80, v47  }
0x1cb: {  	v10 =	vor.u32 v10, v12;
	_ =	sdelay $0x2  }
0x1cc: {  	[tilespmem:v11+s7+$0x0] =	vst.idx.add.f32.msk $0xffff, v1  }
0x1cd: {  	v11 =	vld [tilespmem:s13+$0x1480]  }
0x1ce: {  	[tilespmem:v10+s7+$0x0] =	vst.idx.add.f32.msk $0xffff, v1  }
0x1cf: {  	v10 =	vld [tilespmem:s14+$0x1480];
	_ =	sdelay $0x2  }
0x1d0: {  	v11 =	vshll.u32 v11, $0x2  }
0x1d1: {  	v48 =	vadd.s32 v8, v11  }
0x1d2: {  	v11 =	vand.u32 $0x7C, v11;
	v10 =	vshll.u32 v10, $0x2;
	v12 =	vand.u32 $0xFFFFFF80, v48  }
0x1d3: {  	v49 =	vadd.s32 v9, v10;
	v11 =	vor.u32 v12, v11  }
0x1d4: {  	v10 =	vand.u32 $0x7C, v10;
	v12 =	vand.u32 $0xFFFFFF80, v49;
	v11 =	vor.u32 $0x1, v11  }
0x1d5: {  	v10 =	vor.u32 v12, v10  }
0x1d6: {  	v10 =	vor.u32 $0x1, v10;
	_ =	sdelay $0x2  }
0x1d7: {  	[tilespmem:v11+s7+$0x0] =	vst.idx.add.f32.msk $0xffff, v1  }
0x1d8: {  	v11 =	vld [tilespmem:s13+$0x1500]  }
0x1d9: {  	[tilespmem:v10+s7+$0x0] =	vst.idx.add.f32.msk $0xffff, v1  }
0x1da: {  	v10 =	vld [tilespmem:s14+$0x1500];
	_ =	sdelay $0x2  }
0x1db: {  	v11 =	vshll.u32 v11, $0x2  }
0x1dc: {  	v50 =	vadd.s32 v8, v11  }
0x1dd: {  	v11 =	vand.u32 $0x7C, v11;
	v10 =	vshll.u32 v10, $0x2;
	v12 =	vand.u32 $0xFFFFFF80, v50  }
0x1de: {  	v51 =	vadd.s32 v9, v10;
	v11 =	vor.u32 v12, v11  }
0x1df: {  	v10 =	vand.u32 $0x7C, v10;
	v12 =	vand.u32 $0xFFFFFF80, v51;
	v11 =	vor.u32 $0x2, v11  }
0x1e0: {  	v10 =	vor.u32 v12, v10  }
0x1e1: {  	v10 =	vor.u32 $0x2, v10;
	_ =	sdelay $0x2  }
0x1e2: {  	[tilespmem:v11+s7+$0x0] =	vst.idx.add.f32.msk $0xffff, v1  }
0x1e3: {  	v11 =	vld [tilespmem:s13+$0x1580]  }
0x1e4: {  	[tilespmem:v10+s7+$0x0] =	vst.idx.add.f32.msk $0xffff, v1  }
0x1e5: {  	v10 =	vld [tilespmem:s14+$0x1580];
	_ =	sdelay $0x2  }
0x1e6: {  	v11 =	vshll.u32 v11, $0x2  }
0x1e7: {  	v52 =	vadd.s32 v8, v11  }
0x1e8: {  	v11 =	vand.u32 $0x7C, v11;
	v10 =	vshll.u32 v10, $0x2;
	v12 =	vand.u32 $0xFFFFFF80, v52  }
0x1e9: {  	v53 =	vadd.s32 v9, v10;
	v11 =	vor.u32 v12, v11  }
0x1ea: {  	v10 =	vand.u32 $0x7C, v10;
	v12 =	vand.u32 $0xFFFFFF80, v53;
	v11 =	vor.u32 $0x3, v11  }
0x1eb: {  	v10 =	vor.u32 v12, v10  }
0x1ec: {  	v10 =	vor.u32 $0x3, v10;
	_ =	sdelay $0x2  }
0x1ed: {  	[tilespmem:v11+s7+$0x0] =	vst.idx.add.f32.msk $0xffff, v1  }
0x1ee: {  	v11 =	vld [tilespmem:s13+$0x1600]  }
0x1ef: {  	[tilespmem:v10+s7+$0x0] =	vst.idx.add.f32.msk $0xffff, v1  }
0x1f0: {  	v10 =	vld [tilespmem:s14+$0x1600];
	_ =	sdelay $0x2  }
0x1f1: {  	v11 =	vshll.u32 v11, $0x2  }
0x1f2: {  	v54 =	vadd.s32 v8, v11  }
0x1f3: {  	v11 =	vand.u32 $0x7C, v11;
	v10 =	vshll.u32 v10, $0x2;
	v12 =	vand.u32 $0xFFFFFF80, v54  }
0x1f4: {  	v55 =	vadd.s32 v9, v10;
	v11 =	vor.u32 v11, v12  }
0x1f5: {  	v10 =	vand.u32 $0x7C, v10;
	v12 =	vand.u32 $0xFFFFFF80, v55  }
0x1f6: {  	v10 =	vor.u32 v10, v12;
	_ =	sdelay $0x2  }
0x1f7: {  	[tilespmem:v11+s7+$0x0] =	vst.idx.add.f32.msk $0xffff, v1  }
0x1f8: {  	v11 =	vld [tilespmem:s13+$0x1680]  }
0x1f9: {  	[tilespmem:v10+s7+$0x0] =	vst.idx.add.f32.msk $0xffff, v1  }
0x1fa: {  	v10 =	vld [tilespmem:s14+$0x1680];
	_ =	sdelay $0x2  }
0x1fb: {  	v11 =	vshll.u32 v11, $0x2  }
0x1fc: {  	v56 =	vadd.s32 v8, v11  }
0x1fd: {  	v11 =	vand.u32 $0x7C, v11;
	v10 =	vshll.u32 v10, $0x2;
	v12 =	vand.u32 $0xFFFFFF80, v56  }
0x1fe: {  	v57 =	vadd.s32 v9, v10;
	v11 =	vor.u32 v12, v11  }
0x1ff: {  	v10 =	vand.u32 $0x7C, v10;
	v12 =	vand.u32 $0xFFFFFF80, v57;
	v11 =	vor.u32 $0x1, v11  }
0x200: {  	v10 =	vor.u32 v12, v10  }
0x201: {  	v10 =	vor.u32 $0x1, v10;
	_ =	sdelay $0x2  }
0x202: {  	[tilespmem:v11+s7+$0x0] =	vst.idx.add.f32.msk $0xffff, v1  }
0x203: {  	v11 =	vld [tilespmem:s13+$0x1700]  }
0x204: {  	[tilespmem:v10+s7+$0x0] =	vst.idx.add.f32.msk $0xffff, v1  }
0x205: {  	v10 =	vld [tilespmem:s14+$0x1700];
	_ =	sdelay $0x2  }
0x206: {  	v11 =	vshll.u32 v11, $0x2  }
0x207: {  	v58 =	vadd.s32 v8, v11  }
0x208: {  	v11 =	vand.u32 $0x7C, v11;
	v10 =	vshll.u32 v10, $0x2;
	v12 =	vand.u32 $0xFFFFFF80, v58  }
0x209: {  	v59 =	vadd.s32 v9, v10;
	v11 =	vor.u32 v12, v11  }
0x20a: {  	v10 =	vand.u32 $0x7C, v10;
	v12 =	vand.u32 $0xFFFFFF80, v59;
	v11 =	vor.u32 $0x2, v11  }
0x20b: {  	v10 =	vor.u32 v12, v10  }
0x20c: {  	v10 =	vor.u32 $0x2, v10;
	_ =	sdelay $0x2  }
0x20d: {  	[tilespmem:v11+s7+$0x0] =	vst.idx.add.f32.msk $0xffff, v1  }
0x20e: {  	v11 =	vld [tilespmem:s13+$0x1780]  }
0x20f: {  	[tilespmem:v10+s7+$0x0] =	vst.idx.add.f32.msk $0xffff, v1  }
0x210: {  	v10 =	vld [tilespmem:s14+$0x1780];
	_ =	sdelay $0x2  }
0x211: {  	v11 =	vshll.u32 v11, $0x2  }
0x212: {  	v60 =	vadd.s32 v8, v11  }
0x213: {  	v11 =	vand.u32 $0x7C, v11;
	v10 =	vshll.u32 v10, $0x2;
	v12 =	vand.u32 $0xFFFFFF80, v60  }
0x214: {  	v61 =	vadd.s32 v9, v10;
	v11 =	vor.u32 v12, v11  }
0x215: {  	v10 =	vand.u32 $0x7C, v10;
	v12 =	vand.u32 $0xFFFFFF80, v61;
	v11 =	vor.u32 $0x3, v11  }
0x216: {  	v10 =	vor.u32 v12, v10  }
0x217: {  	v10 =	vor.u32 $0x3, v10;
	_ =	sdelay $0x2  }
0x218: {  	[tilespmem:v11+s7+$0x0] =	vst.idx.add.f32.msk $0xffff, v1  }
0x219: {  	v11 =	vld [tilespmem:s13+$0x1800]  }
0x21a: {  	[tilespmem:v10+s7+$0x0] =	vst.idx.add.f32.msk $0xffff, v1  }
0x21b: {  	v10 =	vld [tilespmem:s14+$0x1800];
	_ =	sdelay $0x2  }
0x21c: {  	v11 =	vshll.u32 v11, $0x2  }
0x21d: {  	v62 =	vadd.s32 v8, v11  }
0x21e: {  	v11 =	vand.u32 $0x7C, v11;
	v10 =	vshll.u32 v10, $0x2;
	v12 =	vand.u32 $0xFFFFFF80, v62  }
0x21f: {  	v63 =	vadd.s32 v9, v10;
	v11 =	vor.u32 v11, v12  }
0x220: {  	v10 =	vand.u32 $0x7C, v10;
	v12 =	vand.u32 $0xFFFFFF80, v63  }
0x221: {  	v10 =	vor.u32 v10, v12;
	_ =	sdelay $0x2  }
0x222: {  	[tilespmem:v11+s7+$0x0] =	vst.idx.add.f32.msk $0xffff, v1  }
0x223: {  	v11 =	vld [tilespmem:s13+$0x1880]  }
0x224: {  	[tilespmem:v10+s7+$0x0] =	vst.idx.add.f32.msk $0xffff, v1  }
0x225: {  	v10 =	vld [tilespmem:s14+$0x1880];
	_ =	sdelay $0x2  }
0x226: {  	v11 =	vshll.u32 v11, $0x2  }
0x227: {  	v16 =	vadd.s32 v8, v11  }
0x228: {  	v11 =	vand.u32 $0x7C, v11;
	v10 =	vshll.u32 v10, $0x2;
	v12 =	vand.u32 $0xFFFFFF80, v16  }
0x229: {  	v17 =	vadd.s32 v9, v10;
	v11 =	vor.u32 v12, v11  }
0x22a: {  	v10 =	vand.u32 $0x7C, v10;
	v12 =	vand.u32 $0xFFFFFF80, v17;
	v11 =	vor.u32 $0x1, v11  }
0x22b: {  	v10 =	vor.u32 v12, v10  }
0x22c: {  	v10 =	vor.u32 $0x1, v10;
	_ =	sdelay $0x2  }
0x22d: {  	[tilespmem:v11+s7+$0x0] =	vst.idx.add.f32.msk $0xffff, v1  }
0x22e: {  	v11 =	vld [tilespmem:s13+$0x1900]  }
0x22f: {  	[tilespmem:v10+s7+$0x0] =	vst.idx.add.f32.msk $0xffff, v1  }
0x230: {  	v10 =	vld [tilespmem:s14+$0x1900];
	_ =	sdelay $0x2  }
0x231: {  	v11 =	vshll.u32 v11, $0x2  }
0x232: {  	v18 =	vadd.s32 v8, v11  }
0x233: {  	v11 =	vand.u32 $0x7C, v11;
	v10 =	vshll.u32 v10, $0x2;
	v12 =	vand.u32 $0xFFFFFF80, v18  }
0x234: {  	v19 =	vadd.s32 v9, v10;
	v11 =	vor.u32 v12, v11  }
0x235: {  	v10 =	vand.u32 $0x7C, v10;
	v12 =	vand.u32 $0xFFFFFF80, v19;
	v11 =	vor.u32 $0x2, v11  }
0x236: {  	v10 =	vor.u32 v12, v10  }
0x237: {  	v10 =	vor.u32 $0x2, v10;
	_ =	sdelay $0x2  }
0x238: {  	[tilespmem:v11+s7+$0x0] =	vst.idx.add.f32.msk $0xffff, v1  }
0x239: {  	v11 =	vld [tilespmem:s13+$0x1980]  }
0x23a: {  	[tilespmem:v10+s7+$0x0] =	vst.idx.add.f32.msk $0xffff, v1  }
0x23b: {  	v10 =	vld [tilespmem:s14+$0x1980];
	_ =	sdelay $0x2  }
0x23c: {  	v11 =	vshll.u32 v11, $0x2  }
0x23d: {  	v20 =	vadd.s32 v8, v11  }
0x23e: {  	v11 =	vand.u32 $0x7C, v11;
	v10 =	vshll.u32 v10, $0x2;
	v12 =	vand.u32 $0xFFFFFF80, v20  }
0x23f: {  	v21 =	vadd.s32 v9, v10;
	v11 =	vor.u32 v12, v11  }
0x240: {  	v10 =	vand.u32 $0x7C, v10;
	v12 =	vand.u32 $0xFFFFFF80, v21;
	v11 =	vor.u32 $0x3, v11  }
0x241: {  	v10 =	vor.u32 v12, v10  }
0x242: {  	v10 =	vor.u32 $0x3, v10;
	_ =	sdelay $0x2  }
0x243: {  	[tilespmem:v11+s7+$0x0] =	vst.idx.add.f32.msk $0xffff, v1  }
0x244: {  	v11 =	vld [tilespmem:s13+$0x1A00]  }
0x245: {  	[tilespmem:v10+s7+$0x0] =	vst.idx.add.f32.msk $0xffff, v1  }
0x246: {  	v10 =	vld [tilespmem:s14+$0x1A00];
	_ =	sdelay $0x2  }
0x247: {  	v11 =	vshll.u32 v11, $0x2  }
0x248: {  	v22 =	vadd.s32 v8, v11  }
0x249: {  	v11 =	vand.u32 $0x7C, v11;
	v10 =	vshll.u32 v10, $0x2;
	v12 =	vand.u32 $0xFFFFFF80, v22  }
0x24a: {  	v23 =	vadd.s32 v9, v10;
	v11 =	vor.u32 v11, v12  }
0x24b: {  	v10 =	vand.u32 $0x7C, v10;
	v12 =	vand.u32 $0xFFFFFF80, v23;
	v11 =	vadd.s32 $0x80, v11  }
0x24c: {  	v10 =	vor.u32 v10, v12  }
0x24d: {  	v10 =	vadd.s32 $0x80, v10;
	_ =	sdelay $0x2  }
0x24e: {  	[tilespmem:v11+s7+$0x0] =	vst.idx.add.f32.msk $0xffff, v1  }
0x24f: {  	v11 =	vld [tilespmem:s13+$0x1A80]  }
0x250: {  	[tilespmem:v10+s7+$0x0] =	vst.idx.add.f32.msk $0xffff, v1  }
0x251: {  	v24 =	vld [tilespmem:s14+$0x1A80];
	_ =	sdelay $0x2  }
0x252: {  	v25 =	vadd.s32 s15, v2;
	v11 =	vshll.u32 v11, $0x2  }
0x253: {  	v13 =	vadd.s32 v11, v25  }
0x254: {  	v26 =	vadd.s32 s16, v2;
	v12 =	vshll.u32 v24, $0x2  }
0x255: {  	v12 =	vadd.s32 v12, v26;
	_ =	sdelay $0x2  }
0x256: {  	[tilespmem:v13+s7+$0x0] =	vst.idx.add.f32.msk $0xffff, v1  }
0x257: {  	v13 =	vld [tilespmem:s13+$0x1B00]  }
0x258: {  	[tilespmem:v12+s7+$0x0] =	vst.idx.add.f32.msk $0xffff, v1  }
0x259: {  	v14 =	vld [tilespmem:s14+$0x1B00];
	_ =	sdelay $0x2  }
0x25a: {  	v27 =	vadd.s32 s15, v3;
	v13 =	vshll.u32 v13, $0x2  }
0x25b: {  	v15 =	vadd.s32 v13, v27  }
0x25c: {  	v28 =	vadd.s32 s16, v3;
	v14 =	vshll.u32 v14, $0x2  }
0x25d: {  	v14 =	vadd.s32 v14, v28;
	_ =	sdelay $0x2  }
0x25e: {  	[tilespmem:v15+s7+$0x0] =	vst.idx.add.f32.msk $0xffff, v1  }
0x25f: {  	v15 =	vld [tilespmem:s13+$0x1B80]  }
0x260: {  	[tilespmem:v14+s7+$0x0] =	vst.idx.add.f32.msk $0xffff, v1  }
0x261: {  	v16 =	vld [tilespmem:s14+$0x1B80];
	_ =	sdelay $0x2  }
0x262: {  	v29 =	vadd.s32 s15, v4;
	v15 =	vshll.u32 v15, $0x2  }
0x263: {  	v17 =	vadd.s32 v15, v29  }
0x264: {  	v30 =	vadd.s32 s16, v4;
	v16 =	vshll.u32 v16, $0x2  }
0x265: {  	v16 =	vadd.s32 v16, v30;
	_ =	sdelay $0x2  }
0x266: {  	[tilespmem:v17+s7+$0x0] =	vst.idx.add.f32.msk $0xffff, v1  }
0x267: {  	v17 =	vld [tilespmem:s13+$0x1C00]  }
0x268: {  	[tilespmem:v16+s7+$0x0] =	vst.idx.add.f32.msk $0xffff, v1  }
0x269: {  	v16 =	vld [tilespmem:s14+$0x1C00];
	_ =	sdelay $0x2  }
0x26a: {  	v17 =	vshll.u32 v17, $0x2  }
0x26b: {  	v18 =	vadd.s32 v8, v17  }
0x26c: {  	v17 =	vand.u32 $0x7C, v17;
	v16 =	vshll.u32 v16, $0x2;
	v18 =	vand.u32 $0xFFFFFF80, v18  }
0x26d: {  	v31 =	vadd.s32 v9, v16;
	v17 =	vor.u32 v17, v18  }
0x26e: {  	v16 =	vand.u32 $0x7C, v16;
	v18 =	vand.u32 $0xFFFFFF80, v31;
	v17 =	vadd.s32 $0x80, v17  }
0x26f: {  	v16 =	vor.u32 v16, v18  }
0x270: {  	v16 =	vadd.s32 $0x80, v16;
	_ =	sdelay $0x2  }
0x271: {  	[tilespmem:v17+s7+$0x0] =	vst.idx.add.f32.msk $0xffff, v1  }
0x272: {  	v17 =	vld [tilespmem:s13+$0x1C80]  }
0x273: {  	[tilespmem:v16+s7+$0x0] =	vst.idx.add.f32.msk $0xffff, v1  }
0x274: {  	v16 =	vld [tilespmem:s14+$0x1C80];
	_ =	sdelay $0x2  }
0x275: {  	v17 =	vshll.u32 v17, $0x2  }
0x276: {  	v17 =	vadd.s32 v17, v25  }
0x277: {  	v16 =	vshll.u32 v16, $0x2  }
0x278: {  	v16 =	vadd.s32 v16, v26;
	_ =	sdelay $0x2  }
0x279: {  	[tilespmem:v17+s7+$0x0] =	vst.idx.add.f32.msk $0xffff, v1  }
0x27a: {  	v17 =	vld [tilespmem:s13+$0x1D00]  }
0x27b: {  	[tilespmem:v16+s7+$0x0] =	vst.idx.add.f32.msk $0xffff, v1  }
0x27c: {  	v16 =	vld [tilespmem:s14+$0x1D00];
	_ =	sdelay $0x2  }
0x27d: {  	v17 =	vshll.u32 v17, $0x2  }
0x27e: {  	v17 =	vadd.s32 v17, v27  }
0x27f: {  	v16 =	vshll.u32 v16, $0x2  }
0x280: {  	v16 =	vadd.s32 v16, v28;
	_ =	sdelay $0x2  }
0x281: {  	[tilespmem:v17+s7+$0x0] =	vst.idx.add.f32.msk $0xffff, v1  }
0x282: {  	v17 =	vld [tilespmem:s13+$0x1D80]  }
0x283: {  	[tilespmem:v16+s7+$0x0] =	vst.idx.add.f32.msk $0xffff, v1  }
0x284: {  	v16 =	vld [tilespmem:s14+$0x1D80];
	_ =	sdelay $0x2  }
0x285: {  	v17 =	vshll.u32 v17, $0x2  }
0x286: {  	v17 =	vadd.s32 v17, v29  }
0x287: {  	v16 =	vshll.u32 v16, $0x2  }
0x288: {  	v16 =	vadd.s32 v16, v30;
	_ =	sdelay $0x2  }
0x289: {  	[tilespmem:v17+s7+$0x0] =	vst.idx.add.f32.msk $0xffff, v1  }
0x28a: {  	v17 =	vld [tilespmem:s13+$0x1E00]  }
0x28b: {  	[tilespmem:v16+s7+$0x0] =	vst.idx.add.f32.msk $0xffff, v1  }
0x28c: {  	v16 =	vld [tilespmem:s14+$0x1E00];
	_ =	sdelay $0x2  }
0x28d: {  	v17 =	vshll.u32 v17, $0x2  }
0x28e: {  	v32 =	vadd.s32 v8, v17  }
0x28f: {  	v17 =	vand.u32 $0x7C, v17;
	v16 =	vshll.u32 v16, $0x2;
	v18 =	vand.u32 $0xFFFFFF80, v32  }
0x290: {  	v33 =	vadd.s32 v9, v16;
	v17 =	vor.u32 v17, v18  }
0x291: {  	v16 =	vand.u32 $0x7C, v16;
	v18 =	vand.u32 $0xFFFFFF80, v33;
	v17 =	vadd.s32 $0x80, v17  }
0x292: {  	v16 =	vor.u32 v16, v18  }
0x293: {  	v16 =	vadd.s32 $0x80, v16;
	_ =	sdelay $0x2  }
0x294: {  	[tilespmem:v17+s7+$0x0] =	vst.idx.add.f32.msk $0xffff, v1  }
0x295: {  	v17 =	vld [tilespmem:s13+$0x1E80]  }
0x296: {  	[tilespmem:v16+s7+$0x0] =	vst.idx.add.f32.msk $0xffff, v1  }
0x297: {  	v16 =	vld [tilespmem:s14+$0x1E80];
	_ =	sdelay $0x2  }
0x298: {  	v17 =	vshll.u32 v17, $0x2  }
0x299: {  	v17 =	vadd.s32 v17, v25  }
0x29a: {  	v16 =	vshll.u32 v16, $0x2  }
0x29b: {  	v16 =	vadd.s32 v16, v26;
	_ =	sdelay $0x2  }
0x29c: {  	[tilespmem:v17+s7+$0x0] =	vst.idx.add.f32.msk $0xffff, v1  }
0x29d: {  	v17 =	vld [tilespmem:s13+$0x1F00]  }
0x29e: {  	[tilespmem:v16+s7+$0x0] =	vst.idx.add.f32.msk $0xffff, v1  }
0x29f: {  	v16 =	vld [tilespmem:s14+$0x1F00];
	_ =	sdelay $0x2  }
0x2a0: {  	v17 =	vshll.u32 v17, $0x2  }
0x2a1: {  	v17 =	vadd.s32 v17, v27  }
0x2a2: {  	v16 =	vshll.u32 v16, $0x2  }
0x2a3: {  	v16 =	vadd.s32 v16, v28;
	_ =	sdelay $0x2  }
0x2a4: {  	[tilespmem:v17+s7+$0x0] =	vst.idx.add.f32.msk $0xffff, v1  }
0x2a5: {  	v17 =	vld [tilespmem:s13+$0x1F80]  }
0x2a6: {  	[tilespmem:v16+s7+$0x0] =	vst.idx.add.f32.msk $0xffff, v1  }
0x2a7: {  	v16 =	vld [tilespmem:s14+$0x1F80];
	_ =	sdelay $0x2  }
0x2a8: {  	v17 =	vshll.u32 v17, $0x2  }
0x2a9: {  	v17 =	vadd.s32 v17, v29  }
0x2aa: {  	v16 =	vshll.u32 v16, $0x2  }
0x2ab: {  	v16 =	vadd.s32 v16, v30;
	_ =	sdelay $0x2  }
0x2ac: {  	[tilespmem:v17+s7+$0x0] =	vst.idx.add.f32.msk $0xffff, v1  }
0x2ad: {  	v17 =	vld [tilespmem:s13+$0x2000]  }
0x2ae: {  	[tilespmem:v16+s7+$0x0] =	vst.idx.add.f32.msk $0xffff, v1  }
0x2af: {  	v16 =	vld [tilespmem:s14+$0x2000];
	_ =	sdelay $0x2  }
0x2b0: {  	v17 =	vshll.u32 v17, $0x2  }
0x2b1: {  	v34 =	vadd.s32 v8, v17  }
0x2b2: {  	v17 =	vand.u32 $0x7C, v17;
	v16 =	vshll.u32 v16, $0x2;
	v18 =	vand.u32 $0xFFFFFF80, v34  }
0x2b3: {  	v35 =	vadd.s32 v9, v16;
	v17 =	vor.u32 v17, v18  }
0x2b4: {  	v16 =	vand.u32 $0x7C, v16;
	v18 =	vand.u32 $0xFFFFFF80, v35;
	v17 =	vadd.s32 $0x80, v17  }
0x2b5: {  	v16 =	vor.u32 v16, v18  }
0x2b6: {  	v16 =	vadd.s32 $0x80, v16;
	_ =	sdelay $0x2  }
0x2b7: {  	[tilespmem:v17+s7+$0x0] =	vst.idx.add.f32.msk $0xffff, v1  }
0x2b8: {  	v17 =	vld [tilespmem:s13+$0x2080]  }
0x2b9: {  	[tilespmem:v16+s7+$0x0] =	vst.idx.add.f32.msk $0xffff, v1  }
0x2ba: {  	v16 =	vld [tilespmem:s14+$0x2080];
	_ =	sdelay $0x2  }
0x2bb: {  	v17 =	vshll.u32 v17, $0x2  }
0x2bc: {  	v17 =	vadd.s32 v17, v25  }
0x2bd: {  	v16 =	vshll.u32 v16, $0x2  }
0x2be: {  	v16 =	vadd.s32 v16, v26;
	_ =	sdelay $0x2  }
0x2bf: {  	[tilespmem:v17+s7+$0x0] =	vst.idx.add.f32.msk $0xffff, v1  }
0x2c0: {  	v17 =	vld [tilespmem:s13+$0x2100]  }
0x2c1: {  	[tilespmem:v16+s7+$0x0] =	vst.idx.add.f32.msk $0xffff, v1  }
0x2c2: {  	v16 =	vld [tilespmem:s14+$0x2100];
	_ =	sdelay $0x2  }
0x2c3: {  	v17 =	vshll.u32 v17, $0x2  }
0x2c4: {  	v17 =	vadd.s32 v17, v27  }
0x2c5: {  	v16 =	vshll.u32 v16, $0x2  }
0x2c6: {  	v16 =	vadd.s32 v16, v28;
	_ =	sdelay $0x2  }
0x2c7: {  	[tilespmem:v17+s7+$0x0] =	vst.idx.add.f32.msk $0xffff, v1  }
0x2c8: {  	v17 =	vld [tilespmem:s13+$0x2180]  }
0x2c9: {  	[tilespmem:v16+s7+$0x0] =	vst.idx.add.f32.msk $0xffff, v1  }
0x2ca: {  	v16 =	vld [tilespmem:s14+$0x2180];
	_ =	sdelay $0x2  }
0x2cb: {  	v17 =	vshll.u32 v17, $0x2  }
0x2cc: {  	v17 =	vadd.s32 v17, v29  }
0x2cd: {  	v16 =	vshll.u32 v16, $0x2  }
0x2ce: {  	v16 =	vadd.s32 v16, v30;
	_ =	sdelay $0x2  }
0x2cf: {  	[tilespmem:v17+s7+$0x0] =	vst.idx.add.f32.msk $0xffff, v1  }
0x2d0: {  	v17 =	vld [tilespmem:s13+$0x2200]  }
0x2d1: {  	[tilespmem:v16+s7+$0x0] =	vst.idx.add.f32.msk $0xffff, v1  }
0x2d2: {  	v16 =	vld [tilespmem:s14+$0x2200];
	_ =	sdelay $0x2  }
0x2d3: {  	v17 =	vshll.u32 v17, $0x2  }
0x2d4: {  	v36 =	vadd.s32 v8, v17  }
0x2d5: {  	v17 =	vand.u32 $0x7C, v17;
	v16 =	vshll.u32 v16, $0x2;
	v18 =	vand.u32 $0xFFFFFF80, v36  }
0x2d6: {  	v37 =	vadd.s32 v9, v16;
	v17 =	vor.u32 v17, v18  }
0x2d7: {  	v16 =	vand.u32 $0x7C, v16;
	v18 =	vand.u32 $0xFFFFFF80, v37;
	v17 =	vadd.s32 $0x80, v17  }
0x2d8: {  	v16 =	vor.u32 v16, v18  }
0x2d9: {  	v16 =	vadd.s32 $0x80, v16;
	_ =	sdelay $0x2  }
0x2da: {  	[tilespmem:v17+s7+$0x0] =	vst.idx.add.f32.msk $0xffff, v1  }
0x2db: {  	v17 =	vld [tilespmem:s13+$0x2280]  }
0x2dc: {  	[tilespmem:v16+s7+$0x0] =	vst.idx.add.f32.msk $0xffff, v1  }
0x2dd: {  	v16 =	vld [tilespmem:s14+$0x2280];
	_ =	sdelay $0x2  }
0x2de: {  	v17 =	vshll.u32 v17, $0x2  }
0x2df: {  	v17 =	vadd.s32 v17, v25  }
0x2e0: {  	v16 =	vshll.u32 v16, $0x2  }
0x2e1: {  	v16 =	vadd.s32 v16, v26;
	_ =	sdelay $0x2  }
0x2e2: {  	[tilespmem:v17+s7+$0x0] =	vst.idx.add.f32.msk $0xffff, v1  }
0x2e3: {  	v17 =	vld [tilespmem:s13+$0x2300]  }
0x2e4: {  	[tilespmem:v16+s7+$0x0] =	vst.idx.add.f32.msk $0xffff, v1  }
0x2e5: {  	v16 =	vld [tilespmem:s14+$0x2300];
	_ =	sdelay $0x2  }
0x2e6: {  	v17 =	vshll.u32 v17, $0x2  }
0x2e7: {  	v17 =	vadd.s32 v17, v27  }
0x2e8: {  	v16 =	vshll.u32 v16, $0x2  }
0x2e9: {  	v16 =	vadd.s32 v16, v28;
	_ =	sdelay $0x2  }
0x2ea: {  	[tilespmem:v17+s7+$0x0] =	vst.idx.add.f32.msk $0xffff, v1  }
0x2eb: {  	v17 =	vld [tilespmem:s13+$0x2380]  }
0x2ec: {  	[tilespmem:v16+s7+$0x0] =	vst.idx.add.f32.msk $0xffff, v1  }
0x2ed: {  	v16 =	vld [tilespmem:s14+$0x2380];
	_ =	sdelay $0x2  }
0x2ee: {  	v17 =	vshll.u32 v17, $0x2  }
0x2ef: {  	v17 =	vadd.s32 v17, v29  }
0x2f0: {  	v16 =	vshll.u32 v16, $0x2  }
0x2f1: {  	v16 =	vadd.s32 v16, v30;
	_ =	sdelay $0x2  }
0x2f2: {  	[tilespmem:v17+s7+$0x0] =	vst.idx.add.f32.msk $0xffff, v1  }
0x2f3: {  	v17 =	vld [tilespmem:s13+$0x2400]  }
0x2f4: {  	[tilespmem:v16+s7+$0x0] =	vst.idx.add.f32.msk $0xffff, v1  }
0x2f5: {  	v16 =	vld [tilespmem:s14+$0x2400];
	_ =	sdelay $0x2  }
0x2f6: {  	v17 =	vshll.u32 v17, $0x2  }
0x2f7: {  	v38 =	vadd.s32 v8, v17  }
0x2f8: {  	v17 =	vand.u32 $0x7C, v17;
	v16 =	vshll.u32 v16, $0x2;
	v18 =	vand.u32 $0xFFFFFF80, v38  }
0x2f9: {  	v39 =	vadd.s32 v9, v16;
	v17 =	vor.u32 v17, v18  }
0x2fa: {  	v16 =	vand.u32 $0x7C, v16;
	v18 =	vand.u32 $0xFFFFFF80, v39;
	v17 =	vadd.s32 $0x80, v17  }
0x2fb: {  	v16 =	vor.u32 v16, v18  }
0x2fc: {  	v16 =	vadd.s32 $0x80, v16;
	_ =	sdelay $0x2  }
0x2fd: {  	[tilespmem:v17+s7+$0x0] =	vst.idx.add.f32.msk $0xffff, v1  }
0x2fe: {  	v17 =	vld [tilespmem:s13+$0x2480]  }
0x2ff: {  	[tilespmem:v16+s7+$0x0] =	vst.idx.add.f32.msk $0xffff, v1  }
0x300: {  	v16 =	vld [tilespmem:s14+$0x2480];
	_ =	sdelay $0x2  }
0x301: {  	v17 =	vshll.u32 v17, $0x2  }
0x302: {  	v17 =	vadd.s32 v17, v25  }
0x303: {  	v16 =	vshll.u32 v16, $0x2  }
0x304: {  	v16 =	vadd.s32 v16, v26;
	_ =	sdelay $0x2  }
0x305: {  	[tilespmem:v17+s7+$0x0] =	vst.idx.add.f32.msk $0xffff, v1  }
0x306: {  	v17 =	vld [tilespmem:s13+$0x2500]  }
0x307: {  	[tilespmem:v16+s7+$0x0] =	vst.idx.add.f32.msk $0xffff, v1  }
0x308: {  	v16 =	vld [tilespmem:s14+$0x2500];
	_ =	sdelay $0x2  }
0x309: {  	v17 =	vshll.u32 v17, $0x2  }
0x30a: {  	v17 =	vadd.s32 v17, v27  }
0x30b: {  	v16 =	vshll.u32 v16, $0x2  }
0x30c: {  	v16 =	vadd.s32 v16, v28;
	_ =	sdelay $0x2  }
0x30d: {  	[tilespmem:v17+s7+$0x0] =	vst.idx.add.f32.msk $0xffff, v1  }
0x30e: {  	v17 =	vld [tilespmem:s13+$0x2580]  }
0x30f: {  	[tilespmem:v16+s7+$0x0] =	vst.idx.add.f32.msk $0xffff, v1  }
0x310: {  	v16 =	vld [tilespmem:s14+$0x2580];
	_ =	sdelay $0x2  }
0x311: {  	v17 =	vshll.u32 v17, $0x2  }
0x312: {  	v17 =	vadd.s32 v17, v29  }
0x313: {  	v16 =	vshll.u32 v16, $0x2  }
0x314: {  	v16 =	vadd.s32 v16, v30;
	_ =	sdelay $0x2  }
0x315: {  	[tilespmem:v17+s7+$0x0] =	vst.idx.add.f32.msk $0xffff, v1  }
0x316: {  	v17 =	vld [tilespmem:s13+$0x2600]  }
0x317: {  	[tilespmem:v16+s7+$0x0] =	vst.idx.add.f32.msk $0xffff, v1  }
0x318: {  	v16 =	vld [tilespmem:s14+$0x2600];
	_ =	sdelay $0x2  }
0x319: {  	v17 =	vshll.u32 v17, $0x2  }
0x31a: {  	v40 =	vadd.s32 v8, v17  }
0x31b: {  	v17 =	vand.u32 $0x7C, v17;
	v16 =	vshll.u32 v16, $0x2;
	v18 =	vand.u32 $0xFFFFFF80, v40  }
0x31c: {  	v41 =	vadd.s32 v9, v16;
	v17 =	vor.u32 v17, v18  }
0x31d: {  	v16 =	vand.u32 $0x7C, v16;
	v18 =	vand.u32 $0xFFFFFF80, v41;
	v17 =	vadd.s32 $0x80, v17  }
0x31e: {  	v16 =	vor.u32 v16, v18  }
0x31f: {  	v16 =	vadd.s32 $0x80, v16;
	_ =	sdelay $0x2  }
0x320: {  	[tilespmem:v17+s7+$0x0] =	vst.idx.add.f32.msk $0xffff, v1  }
0x321: {  	v17 =	vld [tilespmem:s13+$0x2680]  }
0x322: {  	[tilespmem:v16+s7+$0x0] =	vst.idx.add.f32.msk $0xffff, v1  }
0x323: {  	v16 =	vld [tilespmem:s14+$0x2680];
	_ =	sdelay $0x2  }
0x324: {  	v17 =	vshll.u32 v17, $0x2  }
0x325: {  	v10 =	vadd.s32 v17, v25  }
0x326: {  	v16 =	vshll.u32 v16, $0x2  }
0x327: {  	v11 =	vadd.s32 v16, v26;
	_ =	sdelay $0x2  }
0x328: {  	[tilespmem:v10+s7+$0x0] =	vst.idx.add.f32.msk $0xffff, v1  }
0x329: {  	v10 =	vld [tilespmem:s13+$0x2700]  }
0x32a: {  	[tilespmem:v11+s7+$0x0] =	vst.idx.add.f32.msk $0xffff, v1  }
0x32b: {  	v11 =	vld [tilespmem:s14+$0x2700];
	_ =	sdelay $0x2  }
0x32c: {  	v10 =	vshll.u32 v10, $0x2  }
0x32d: {  	v10 =	vadd.s32 v10, v27  }
0x32e: {  	v11 =	vshll.u32 v11, $0x2  }
0x32f: {  	v11 =	vadd.s32 v11, v28;
	_ =	sdelay $0x2  }
0x330: {  	[tilespmem:v10+s7+$0x0] =	vst.idx.add.f32.msk $0xffff, v1  }
0x331: {  	v10 =	vld [tilespmem:s13+$0x2780]  }
0x332: {  	[tilespmem:v11+s7+$0x0] =	vst.idx.add.f32.msk $0xffff, v1  }
0x333: {  	v11 =	vld [tilespmem:s14+$0x2780];
	_ =	sdelay $0x2  }
0x334: {  	v10 =	vshll.u32 v10, $0x2  }
0x335: {  	v10 =	vadd.s32 v10, v29  }
0x336: {  	v11 =	vshll.u32 v11, $0x2  }
0x337: {  	v11 =	vadd.s32 v11, v30;
	_ =	sdelay $0x2  }
0x338: {  	[tilespmem:v10+s7+$0x0] =	vst.idx.add.f32.msk $0xffff, v1  }
0x339: {  	v10 =	vld [tilespmem:s13+$0x2800]  }
0x33a: {  	[tilespmem:v11+s7+$0x0] =	vst.idx.add.f32.msk $0xffff, v1  }
0x33b: {  	v11 =	vld [tilespmem:s14+$0x2800];
	_ =	sdelay $0x2  }
0x33c: {  	v10 =	vshll.u32 v10, $0x2  }
0x33d: {  	v42 =	vadd.s32 v8, v10  }
0x33e: {  	v10 =	vand.u32 $0x7C, v10;
	v11 =	vshll.u32 v11, $0x2;
	v12 =	vand.u32 $0xFFFFFF80, v42  }
0x33f: {  	v43 =	vadd.s32 v9, v11;
	v10 =	vor.u32 v10, v12  }
0x340: {  	v11 =	vand.u32 $0x7C, v11;
	v12 =	vand.u32 $0xFFFFFF80, v43;
	v10 =	vadd.s32 $0x100, v10  }
0x341: {  	v11 =	vor.u32 v11, v12  }
0x342: {  	v11 =	vadd.s32 $0x100, v11;
	_ =	sdelay $0x2  }
0x343: {  	[tilespmem:v10+s7+$0x0] =	vst.idx.add.f32.msk $0xffff, v1  }
0x344: {  	v10 =	vld [tilespmem:s13+$0x2880]  }
0x345: {  	[tilespmem:v11+s7+$0x0] =	vst.idx.add.f32.msk $0xffff, v1  }
0x346: {  	v11 =	vld [tilespmem:s14+$0x2880];
	_ =	sdelay $0x2  }
0x347: {  	v45 =	vadd.s32 s15, v5;
	v44 =	vshll.u32 v10, $0x2  }
0x348: {  	v12 =	vadd.s32 v44, v45  }
0x349: {  	v47 =	vadd.s32 s16, v5;
	v46 =	vshll.u32 v11, $0x2  }
0x34a: {  	v13 =	vadd.s32 v46, v47;
	_ =	sdelay $0x2  }
0x34b: {  	[tilespmem:v12+s7+$0x0] =	vst.idx.add.f32.msk $0xffff, v1  }
0x34c: {  	v12 =	vld [tilespmem:s13+$0x2900]  }
0x34d: {  	[tilespmem:v13+s7+$0x0] =	vst.idx.add.f32.msk $0xffff, v1  }
0x34e: {  	v13 =	vld [tilespmem:s14+$0x2900];
	_ =	sdelay $0x2  }
0x34f: {  	v49 =	vadd.s32 s15, v6;
	v48 =	vshll.u32 v12, $0x2  }
0x350: {  	v50 =	vadd.s32 v48, v49  }
0x351: {  	v51 =	vadd.s32 s16, v6;
	v13 =	vshll.u32 v13, $0x2  }
0x352: {  	v13 =	vadd.s32 v13, v51;
	_ =	sdelay $0x2  }
0x353: {  	[tilespmem:v50+s7+$0x0] =	vst.idx.add.f32.msk $0xffff, v1  }
0x354: {  	v15 =	vld [tilespmem:s13+$0x2980]  }
0x355: {  	[tilespmem:v13+s7+$0x0] =	vst.idx.add.f32.msk $0xffff, v1  }
0x356: {  	v52 =	vld [tilespmem:s14+$0x2980];
	_ =	sdelay $0x2  }
0x357: {  	v53 =	vadd.s32 s15, v7;
	v15 =	vshll.u32 v15, $0x2  }
0x358: {  	v54 =	vadd.s32 v15, v53  }
0x359: {  	v55 =	vadd.s32 s16, v7;
	v16 =	vshll.u32 v52, $0x2  }
0x35a: {  	v16 =	vadd.s32 v16, v55;
	_ =	sdelay $0x2  }
0x35b: {  	[tilespmem:v54+s7+$0x0] =	vst.idx.add.f32.msk $0xffff, v1  }
0x35c: {  	v17 =	vld [tilespmem:s13+$0x2A00]  }
0x35d: {  	[tilespmem:v16+s7+$0x0] =	vst.idx.add.f32.msk $0xffff, v1  }
0x35e: {  	v16 =	vld [tilespmem:s14+$0x2A00];
	_ =	sdelay $0x2  }
0x35f: {  	v17 =	vshll.u32 v17, $0x2  }
0x360: {  	v56 =	vadd.s32 v8, v17  }
0x361: {  	v17 =	vand.u32 $0x7C, v17;
	v16 =	vshll.u32 v16, $0x2;
	v18 =	vand.u32 $0xFFFFFF80, v56  }
0x362: {  	v57 =	vadd.s32 v9, v16;
	v17 =	vor.u32 v17, v18  }
0x363: {  	v16 =	vand.u32 $0x7C, v16;
	v18 =	vand.u32 $0xFFFFFF80, v57;
	v17 =	vadd.s32 $0x100, v17  }
0x364: {  	v16 =	vor.u32 v16, v18  }
0x365: {  	v16 =	vadd.s32 $0x100, v16;
	_ =	sdelay $0x2  }
0x366: {  	[tilespmem:v17+s7+$0x0] =	vst.idx.add.f32.msk $0xffff, v1  }
0x367: {  	v17 =	vld [tilespmem:s13+$0x2A80]  }
0x368: {  	[tilespmem:v16+s7+$0x0] =	vst.idx.add.f32.msk $0xffff, v1  }
0x369: {  	v16 =	vld [tilespmem:s14+$0x2A80];
	_ =	sdelay $0x2  }
0x36a: {  	v17 =	vshll.u32 v17, $0x2  }
0x36b: {  	v17 =	vadd.s32 v17, v45  }
0x36c: {  	v16 =	vshll.u32 v16, $0x2  }
0x36d: {  	v16 =	vadd.s32 v16, v47;
	_ =	sdelay $0x2  }
0x36e: {  	[tilespmem:v17+s7+$0x0] =	vst.idx.add.f32.msk $0xffff, v1  }
0x36f: {  	v17 =	vld [tilespmem:s13+$0x2B00]  }
0x370: {  	[tilespmem:v16+s7+$0x0] =	vst.idx.add.f32.msk $0xffff, v1  }
0x371: {  	v16 =	vld [tilespmem:s14+$0x2B00];
	_ =	sdelay $0x2  }
0x372: {  	v17 =	vshll.u32 v17, $0x2  }
0x373: {  	v17 =	vadd.s32 v17, v49  }
0x374: {  	v16 =	vshll.u32 v16, $0x2  }
0x375: {  	v16 =	vadd.s32 v16, v51;
	_ =	sdelay $0x2  }
0x376: {  	[tilespmem:v17+s7+$0x0] =	vst.idx.add.f32.msk $0xffff, v1  }
0x377: {  	v17 =	vld [tilespmem:s13+$0x2B80]  }
0x378: {  	[tilespmem:v16+s7+$0x0] =	vst.idx.add.f32.msk $0xffff, v1  }
0x379: {  	v16 =	vld [tilespmem:s14+$0x2B80];
	_ =	sdelay $0x2  }
0x37a: {  	v17 =	vshll.u32 v17, $0x2  }
0x37b: {  	v17 =	vadd.s32 v17, v53  }
0x37c: {  	v16 =	vshll.u32 v16, $0x2  }
0x37d: {  	v16 =	vadd.s32 v16, v55;
	_ =	sdelay $0x2  }
0x37e: {  	[tilespmem:v17+s7+$0x0] =	vst.idx.add.f32.msk $0xffff, v1  }
0x37f: {  	v17 =	vld [tilespmem:s13+$0x2C00]  }
0x380: {  	[tilespmem:v16+s7+$0x0] =	vst.idx.add.f32.msk $0xffff, v1  }
0x381: {  	v16 =	vld [tilespmem:s14+$0x2C00];
	_ =	sdelay $0x2  }
0x382: {  	v17 =	vshll.u32 v17, $0x2  }
0x383: {  	v58 =	vadd.s32 v8, v17  }
0x384: {  	v17 =	vand.u32 $0x7C, v17;
	v16 =	vshll.u32 v16, $0x2;
	v18 =	vand.u32 $0xFFFFFF80, v58  }
0x385: {  	v59 =	vadd.s32 v9, v16;
	v17 =	vor.u32 v17, v18  }
0x386: {  	v16 =	vand.u32 $0x7C, v16;
	v18 =	vand.u32 $0xFFFFFF80, v59;
	v17 =	vadd.s32 $0x100, v17  }
0x387: {  	v16 =	vor.u32 v16, v18  }
0x388: {  	v16 =	vadd.s32 $0x100, v16;
	_ =	sdelay $0x2  }
0x389: {  	[tilespmem:v17+s7+$0x0] =	vst.idx.add.f32.msk $0xffff, v1  }
0x38a: {  	v17 =	vld [tilespmem:s13+$0x2C80]  }
0x38b: {  	[tilespmem:v16+s7+$0x0] =	vst.idx.add.f32.msk $0xffff, v1  }
0x38c: {  	v16 =	vld [tilespmem:s14+$0x2C80];
	_ =	sdelay $0x2  }
0x38d: {  	v17 =	vshll.u32 v17, $0x2  }
0x38e: {  	v17 =	vadd.s32 v17, v45  }
0x38f: {  	v16 =	vshll.u32 v16, $0x2  }
0x390: {  	v16 =	vadd.s32 v16, v47;
	_ =	sdelay $0x2  }
0x391: {  	[tilespmem:v17+s7+$0x0] =	vst.idx.add.f32.msk $0xffff, v1  }
0x392: {  	v17 =	vld [tilespmem:s13+$0x2D00]  }
0x393: {  	[tilespmem:v16+s7+$0x0] =	vst.idx.add.f32.msk $0xffff, v1  }
0x394: {  	v16 =	vld [tilespmem:s14+$0x2D00];
	_ =	sdelay $0x2  }
0x395: {  	v17 =	vshll.u32 v17, $0x2  }
0x396: {  	v17 =	vadd.s32 v17, v49  }
0x397: {  	v16 =	vshll.u32 v16, $0x2  }
0x398: {  	v16 =	vadd.s32 v16, v51;
	_ =	sdelay $0x2  }
0x399: {  	[tilespmem:v17+s7+$0x0] =	vst.idx.add.f32.msk $0xffff, v1  }
0x39a: {  	v17 =	vld [tilespmem:s13+$0x2D80]  }
0x39b: {  	[tilespmem:v16+s7+$0x0] =	vst.idx.add.f32.msk $0xffff, v1  }
0x39c: {  	v16 =	vld [tilespmem:s14+$0x2D80];
	_ =	sdelay $0x2  }
0x39d: {  	v17 =	vshll.u32 v17, $0x2  }
0x39e: {  	v17 =	vadd.s32 v17, v53  }
0x39f: {  	v16 =	vshll.u32 v16, $0x2  }
0x3a0: {  	v16 =	vadd.s32 v16, v55;
	_ =	sdelay $0x2  }
0x3a1: {  	[tilespmem:v17+s7+$0x0] =	vst.idx.add.f32.msk $0xffff, v1  }
0x3a2: {  	v17 =	vld [tilespmem:s13+$0x2E00]  }
0x3a3: {  	[tilespmem:v16+s7+$0x0] =	vst.idx.add.f32.msk $0xffff, v1  }
0x3a4: {  	v16 =	vld [tilespmem:s14+$0x2E00];
	_ =	sdelay $0x2  }
0x3a5: {  	v17 =	vshll.u32 v17, $0x2  }
0x3a6: {  	v60 =	vadd.s32 v8, v17  }
0x3a7: {  	v17 =	vand.u32 $0x7C, v17;
	v16 =	vshll.u32 v16, $0x2;
	v18 =	vand.u32 $0xFFFFFF80, v60  }
0x3a8: {  	v61 =	vadd.s32 v9, v16;
	v17 =	vor.u32 v17, v18  }
0x3a9: {  	v16 =	vand.u32 $0x7C, v16;
	v18 =	vand.u32 $0xFFFFFF80, v61;
	v17 =	vadd.s32 $0x100, v17  }
0x3aa: {  	v16 =	vor.u32 v16, v18  }
0x3ab: {  	v16 =	vadd.s32 $0x100, v16;
	_ =	sdelay $0x2  }
0x3ac: {  	[tilespmem:v17+s7+$0x0] =	vst.idx.add.f32.msk $0xffff, v1  }
0x3ad: {  	v17 =	vld [tilespmem:s13+$0x2E80]  }
0x3ae: {  	[tilespmem:v16+s7+$0x0] =	vst.idx.add.f32.msk $0xffff, v1  }
0x3af: {  	v16 =	vld [tilespmem:s14+$0x2E80];
	_ =	sdelay $0x2  }
0x3b0: {  	v17 =	vshll.u32 v17, $0x2  }
0x3b1: {  	v17 =	vadd.s32 v17, v45  }
0x3b2: {  	v16 =	vshll.u32 v16, $0x2  }
0x3b3: {  	v16 =	vadd.s32 v16, v47;
	_ =	sdelay $0x2  }
0x3b4: {  	[tilespmem:v17+s7+$0x0] =	vst.idx.add.f32.msk $0xffff, v1  }
0x3b5: {  	v17 =	vld [tilespmem:s13+$0x2F00]  }
0x3b6: {  	[tilespmem:v16+s7+$0x0] =	vst.idx.add.f32.msk $0xffff, v1  }
0x3b7: {  	v16 =	vld [tilespmem:s14+$0x2F00];
	_ =	sdelay $0x2  }
0x3b8: {  	v17 =	vshll.u32 v17, $0x2  }
0x3b9: {  	v17 =	vadd.s32 v17, v49  }
0x3ba: {  	v16 =	vshll.u32 v16, $0x2  }
0x3bb: {  	v16 =	vadd.s32 v16, v51;
	_ =	sdelay $0x2  }
0x3bc: {  	[tilespmem:v17+s7+$0x0] =	vst.idx.add.f32.msk $0xffff, v1  }
0x3bd: {  	v17 =	vld [tilespmem:s13+$0x2F80]  }
0x3be: {  	[tilespmem:v16+s7+$0x0] =	vst.idx.add.f32.msk $0xffff, v1  }
0x3bf: {  	v16 =	vld [tilespmem:s14+$0x2F80];
	_ =	sdelay $0x2  }
0x3c0: {  	v17 =	vshll.u32 v17, $0x2  }
0x3c1: {  	v17 =	vadd.s32 v17, v53  }
0x3c2: {  	v16 =	vshll.u32 v16, $0x2  }
0x3c3: {  	v16 =	vadd.s32 v16, v55;
	_ =	sdelay $0x2  }
0x3c4: {  	[tilespmem:v17+s7+$0x0] =	vst.idx.add.f32.msk $0xffff, v1  }
0x3c5: {  	v17 =	vld [tilespmem:s13+$0x3000]  }
0x3c6: {  	[tilespmem:v16+s7+$0x0] =	vst.idx.add.f32.msk $0xffff, v1  }
0x3c7: {  	v16 =	vld [tilespmem:s14+$0x3000];
	_ =	sdelay $0x2  }
0x3c8: {  	v17 =	vshll.u32 v17, $0x2  }
0x3c9: {  	v62 =	vadd.s32 v8, v17  }
0x3ca: {  	v17 =	vand.u32 $0x7C, v17;
	v16 =	vshll.u32 v16, $0x2;
	v18 =	vand.u32 $0xFFFFFF80, v62  }
0x3cb: {  	v63 =	vadd.s32 v9, v16;
	v17 =	vor.u32 v17, v18  }
0x3cc: {  	v16 =	vand.u32 $0x7C, v16;
	v18 =	vand.u32 $0xFFFFFF80, v63;
	v17 =	vadd.s32 $0x100, v17  }
0x3cd: {  	v16 =	vor.u32 v16, v18  }
0x3ce: {  	v16 =	vadd.s32 $0x100, v16;
	_ =	sdelay $0x2  }
0x3cf: {  	[tilespmem:v17+s7+$0x0] =	vst.idx.add.f32.msk $0xffff, v1  }
0x3d0: {  	v17 =	vld [tilespmem:s13+$0x3080]  }
0x3d1: {  	[tilespmem:v16+s7+$0x0] =	vst.idx.add.f32.msk $0xffff, v1  }
0x3d2: {  	v16 =	vld [tilespmem:s14+$0x3080];
	_ =	sdelay $0x2  }
0x3d3: {  	v17 =	vshll.u32 v17, $0x2  }
0x3d4: {  	v17 =	vadd.s32 v17, v45  }
0x3d5: {  	v16 =	vshll.u32 v16, $0x2  }
0x3d6: {  	v16 =	vadd.s32 v16, v47;
	_ =	sdelay $0x2  }
0x3d7: {  	[tilespmem:v17+s7+$0x0] =	vst.idx.add.f32.msk $0xffff, v1  }
0x3d8: {  	v17 =	vld [tilespmem:s13+$0x3100]  }
0x3d9: {  	[tilespmem:v16+s7+$0x0] =	vst.idx.add.f32.msk $0xffff, v1  }
0x3da: {  	v16 =	vld [tilespmem:s14+$0x3100];
	_ =	sdelay $0x2  }
0x3db: {  	v17 =	vshll.u32 v17, $0x2  }
0x3dc: {  	v17 =	vadd.s32 v17, v49  }
0x3dd: {  	v16 =	vshll.u32 v16, $0x2  }
0x3de: {  	v16 =	vadd.s32 v16, v51;
	_ =	sdelay $0x2  }
0x3df: {  	[tilespmem:v17+s7+$0x0] =	vst.idx.add.f32.msk $0xffff, v1  }
0x3e0: {  	v17 =	vld [tilespmem:s13+$0x3180]  }
0x3e1: {  	[tilespmem:v16+s7+$0x0] =	vst.idx.add.f32.msk $0xffff, v1  }
0x3e2: {  	v16 =	vld [tilespmem:s14+$0x3180];
	_ =	sdelay $0x2  }
0x3e3: {  	v17 =	vshll.u32 v17, $0x2  }
0x3e4: {  	v17 =	vadd.s32 v17, v53  }
0x3e5: {  	v16 =	vshll.u32 v16, $0x2  }
0x3e6: {  	v16 =	vadd.s32 v16, v55;
	_ =	sdelay $0x2  }
0x3e7: {  	[tilespmem:v17+s7+$0x0] =	vst.idx.add.f32.msk $0xffff, v1  }
0x3e8: {  	v17 =	vld [tilespmem:s13+$0x3200]  }
0x3e9: {  	[tilespmem:v16+s7+$0x0] =	vst.idx.add.f32.msk $0xffff, v1  }
0x3ea: {  	v16 =	vld [tilespmem:s14+$0x3200];
	_ =	sdelay $0x2  }
0x3eb: {  	v17 =	vshll.u32 v17, $0x2  }
0x3ec: {  	v8 =	vadd.s32 v8, v17  }
0x3ed: {  	v17 =	vand.u32 $0x7C, v17;
	v16 =	vshll.u32 v16, $0x2;
	v8 =	vand.u32 $0xFFFFFF80, v8  }
0x3ee: {  	v9 =	vadd.s32 v9, v16;
	v8 =	vor.u32 v17, v8  }
0x3ef: {  	v16 =	vand.u32 $0x7C, v16;
	v9 =	vand.u32 $0xFFFFFF80, v9;
	v8 =	vadd.s32 $0x100, v8  }
0x3f0: {  	v9 =	vor.u32 v16, v9  }
0x3f1: {  	v9 =	vadd.s32 $0x100, v9;
	_ =	sdelay $0x2  }
0x3f2: {  	[tilespmem:v8+s7+$0x0] =	vst.idx.add.f32.msk $0xffff, v1  }
0x3f3: {  	v8 =	vld [tilespmem:s13+$0x3280]  }
0x3f4: {  	[tilespmem:v9+s7+$0x0] =	vst.idx.add.f32.msk $0xffff, v1  }
0x3f5: {  	v9 =	vld [tilespmem:s14+$0x3280];
	_ =	sdelay $0x2  }
0x3f6: {  	v8 =	vshll.u32 v8, $0x2  }
0x3f7: {  	v8 =	vadd.s32 v8, v45  }
0x3f8: {  	v9 =	vshll.u32 v9, $0x2  }
0x3f9: {  	v9 =	vadd.s32 v9, v47;
	_ =	sdelay $0x2  }
0x3fa: {  	[tilespmem:v8+s7+$0x0] =	vst.idx.add.f32.msk $0xffff, v1  }
0x3fb: {  	v8 =	vld [tilespmem:s13+$0x3300]  }
0x3fc: {  	[tilespmem:v9+s7+$0x0] =	vst.idx.add.f32.msk $0xffff, v1  }
0x3fd: {  	v9 =	vld [tilespmem:s14+$0x3300];
	_ =	sdelay $0x2  }
0x3fe: {  	v8 =	vshll.u32 v8, $0x2  }
0x3ff: {  	v8 =	vadd.s32 v8, v49  }
0x400: {  	v9 =	vshll.u32 v9, $0x2  }
0x401: {  	v9 =	vadd.s32 v9, v51;
	_ =	sdelay $0x2  }
0x402: {  	[tilespmem:v8+s7+$0x0] =	vst.idx.add.f32.msk $0xffff, v1  }
0x403: {  	v8 =	vld [tilespmem:s13+$0x3380]  }
0x404: {  	[tilespmem:v9+s7+$0x0] =	vst.idx.add.f32.msk $0xffff, v1  }
0x405: {  	v9 =	vld [tilespmem:s14+$0x3380];
	_ =	sdelay $0x3  }
0x406: {  	v8 =	vshll.u32 v8, $0x2  }
0x407: {  	v8 =	vadd.s32 v8, v53;
	v9 =	vshll.u32 v9, $0x2  }
0x408: {  	p0 =	slt.u32 s12, $0x6;
	v9 =	vadd.s32 v9, v55  }
.Ltmp0:
0x409: {  	_ = 	snop;
	(pc) =	sbr.rel @p0 .LBB2_2-.Ltmp0, $3  }
0x40a: {  	_ =	sdelay $0x1  }
0x40b: {  	s31 =	sadd.s32 $0x2, s12;
	[tilespmem:v8+s7+$0x0] =	vst.idx.add.f32.msk $0xffff, v1  }
0x40c: {  	s12 =	smov.u32 s31;
	[tilespmem:v9+s7+$0x0] =	vst.idx.add.f32.msk $0xffff, v1  }
0x40d: {  	s11 =	sadd.s32 $0x1, s11  }
0x40e: {  	p0 =	sne.s32 s11, s6  }
.Ltmp1:
0x40f: {  	_ = 	snop;
	(pc) =	sbr.rel @p0 .LBB2_1-.Ltmp1, $4  }
0x410: {  	[hbm4b:s5+s2] =	stream.linear.scatter [tilespmem:s7], [sflag:$0x3], $0xC000, $0x38;
	[tilespmem:$0xF400] =	vst v63  }
0x411: {  	_ =	swait.ge [sflag:s10], $0xC000  }
0x412: {  	[sflag:s10] =	ssyncset.done $0x0  }
0x413: {  	[sflag:s10] =	ssyncadd.s32 $0xFFFF4000  }
0x414: {  	_ =	sfence.sel $0x180000  }
0x415: {  	[bflag:$0x0] =	sbarrier.arrive $0xFFFF  }
0x416: {  	p0 =	sne.s32 s0, $0x0;
	_ =	strace $0x90000047  }
0x417: {  	s0 =	sadd.s32 @!p0 $0x100000, s1;
	[bflag:$0x2] =	sbarrier.arrive $0xFFFF  }
0x418: {  	[sflag:s0] =	ssyncadd.tile.s32 @!p0 $0x1;
	_ =	shalt  }
.Lfunc_end2:
_tile_overlayer_lowered:
.L_overlay_start_2:
0x419: {  	(tag) =	ssettag $0x2  }
0x41a: {  	s0 =	rddreg [dreg:$0x0];
	s2 =	stileid.u32  }
0x41b: {  	s1 =	rddreg [dreg:$0x1];
	p0 =	sne.s32 s2, $0x0  }
0x41c: {  	s3 =	rddreg [dreg:$0x2];
	[bflag:$0x3] =	sbarrier.arrive $0xFFFF;
	s2 =	simm.s32 @!p0 $0x1C03  }
0x41d: {  	[timem:s3], [sflag:s2] =	dma.local @!p0 [hbm:s0], s1  }
0x41e: {  	s0 =	simm.s32 @!p0 $0x3  }
0x41f: {  	_ =	swait.ge @!p0 [sflag:s0], s1  }
0x420: {  	s1 =	ssub.s32 @!p0 $0x0, s1;
	[sflag:s0] =	ssyncset.done @!p0 $0x0  }
0x421: {  	[sflag:s0] =	ssyncadd.s32 @!p0 s1  }
0x422: {  	[bflag:$0x3] =	sbarrier.arrive $0xFFFF  }
0x423: {  	_ =	shalt  }

</sc_bundles>
